<compile_context>
chip_gen: v7x
topology: tpu7x:2x2x1
jax: 0.10.2.dev20260603
libtpu: 0.0.44.dev20260713+nightly
codegen_flags: <defaults>
</compile_context>

<pallas_src>
import jax
import jax.numpy as jnp
from jax.experimental import pallas as pl
from jax.experimental.pallas import tpu as pltpu
from jax.experimental.pallas import tpu_sc as plsc

_LANES = 128
_WIDTH = 2048
_BLOCK_ROWS = 256
_SC_LANES = 16


def _sc_forward(x2, packed, params_f, params_i, sc_rows):
    rows = sc_rows
    mesh = plsc.VectorSubcoreMesh(core_axis_name="c", subcore_axis_name="s")

    @pl.kernel(
        out_type=jax.ShapeDtypeStruct((rows, _WIDTH), jnp.float32),
        mesh=mesh,
        scratch_types=[
            pltpu.VMEM((256,), jnp.int32),
            pltpu.VMEM((2, _SC_LANES), jnp.float32),
            pltpu.VMEM((2, _SC_LANES), jnp.int32),
            pltpu.SemaphoreType.DMA,
        ],
        compiler_params=pltpu.CompilerParams(needs_layout_passes=False),
    )
    def sck(tab_hbm, pf_hbm, pi_hbm, x_hbm, o_hbm, tab_v, pf_v, pi_v, sem):
        pltpu.async_copy(tab_hbm, tab_v, sem).wait()
        pltpu.async_copy(pf_hbm, pf_v, sem).wait()
        pltpu.async_copy(pi_hbm, pi_v, sem).wait()
        inv_s = pf_v[0, :]
        two_qq = pf_v[1, :]
        sh1 = pi_v[0, :]
        sh2 = pi_v[1, :]

        def body(x_v, o_v):
            @pl.loop(0, 8)
            def _(rr):
                @pl.loop(0, _LANES, step=_SC_LANES)
                def _(cc):
                    xv = x_v[rr, pl.ds(cc, _SC_LANES)]
                    t = xv * inv_s
                    t = jnp.minimum(jnp.maximum(t, -32768.0), 32767.0)
                    qi = t.astype(jnp.int32)
                    fb = qi.astype(jnp.float32)
                    qi = jnp.where(fb > t, qi - 1, qi)
                    idx = (qi >> 8) + 128
                    r = qi & 255
                    p = plsc.load_gather(tab_v, [idx])
                    m1 = (p << 16) >> 16
                    v = (r * m1) >> sh1
                    w = ((p >> 16) << sh2) + v
                    o_v[rr, pl.ds(cc, _SC_LANES)] = w.astype(jnp.float32) * two_qq

        pltpu.emit_pipeline(
            body,
            grid=(rows // 8, _WIDTH // _LANES),
            in_specs=[pl.BlockSpec((8, _LANES), index_map=lambda i, j: (i, j))],
            out_specs=[pl.BlockSpec((8, _LANES), index_map=lambda i, j: (i, j))],
            core_axis_name=("c", "s"),
            dimension_semantics=(pltpu.PARALLEL, pltpu.PARALLEL),
        )(x_hbm, o_hbm)

    return sck(packed, params_f, params_i, x2)


_SC_ROWS = 2816


def _body(pf_ref, pi_ref, x_ref, ta_ref, tb_ref, o_ref):
    inv_s = pf_ref[0]
    two_qq = pf_ref[1]
    sh1 = pi_ref[0]
    sh2 = pi_ref[1]
    ta = ta_ref[...]
    tb = tb_ref[...]

    for i in range(0, _BLOCK_ROWS, 8):
        xv = x_ref[i:i + 8, :]
        q = jnp.clip(jnp.floor(xv * inv_s), -32768.0, 32767.0)
        qi = q.astype(jnp.int32)
        lo = (qi >> 8) & 127
        upper = qi >= 0
        r = qi & 255

        ga = jnp.take_along_axis(ta, lo, axis=1, mode="promise_in_bounds")
        gb = jnp.take_along_axis(tb, lo, axis=1, mode="promise_in_bounds")
        p = jnp.where(upper, gb, ga)

        m1 = (p << 16) >> 16
        v = (r * m1) >> sh1
        w = ((p >> 16) << sh2) + v
        o_ref[i:i + 8, :] = w.astype(jnp.float32) * two_qq


def kernel(x, c0, c1, addr_quanta, c1_quanta, addr_bits):
    del addr_bits
    orig_shape = x.shape
    n = x.size
    rows = n // _WIDTH
    x2 = x.reshape(rows, _WIDTH)

    aq = jnp.asarray(addr_quanta, jnp.int32)
    cq = jnp.asarray(c1_quanta, jnp.int32)

    def pow2i(k):
        return jax.lax.bitcast_convert_type(
            (k.astype(jnp.int32) + 127) << 23, jnp.float32)

    def mantissas(t):
        pmax = jnp.maximum(jnp.max(t), 1e-30)
        nmax = jnp.maximum(-jnp.min(t), 1e-30)
        qe = jnp.ceil(jnp.log2(jnp.maximum(pmax / 32767.5, nmax / 32768.5)))
        qe = qe.astype(jnp.int32)
        return jnp.round(t * pow2i(-qe)).astype(jnp.int32), qe

    m0, q0a = mantissas(c0)
    m1, q1a = mantissas(c1)
    packed = (m0 << 16) | (m1 & 0xFFFF)

    params_f = jnp.stack([pow2i(8 - aq), pow2i(aq + cq)])
    params_i = jnp.stack([8 + cq - q1a, q0a - aq - cq])
    tiles = [
        jnp.broadcast_to(t[None, :], (8, _LANES))
        for t in (packed[:_LANES], packed[_LANES:])
    ]

    pf16 = jnp.broadcast_to(params_f[:, None], (2, _SC_LANES))
    pi16 = jnp.broadcast_to(params_i[:, None], (2, _SC_LANES))
    y_sc = _sc_forward(x2, packed, pf16, pi16, _SC_ROWS)

    tab_spec = pl.BlockSpec((8, _LANES), lambda i: (0, 0))
    tc_rows = rows - _SC_ROWS
    off = _SC_ROWS // _BLOCK_ROWS
    grid = (tc_rows // _BLOCK_ROWS,)
    y_tc = pl.pallas_call(
        _body,
        grid=grid,
        in_specs=[
            pl.BlockSpec(memory_space=pltpu.SMEM),
            pl.BlockSpec(memory_space=pltpu.SMEM),
            pl.BlockSpec((_BLOCK_ROWS, _WIDTH), lambda i: (i + off, 0)),
            tab_spec,
            tab_spec,
        ],
        out_specs=pl.BlockSpec((_BLOCK_ROWS, _WIDTH), lambda i: (i, 0)),
        out_shape=jax.ShapeDtypeStruct((tc_rows, _WIDTH), jnp.float32),
        compiler_params=pltpu.CompilerParams(
            dimension_semantics=("parallel",),
        ),
    )(params_f, params_i, x2, *tiles)
    return jnp.concatenate([y_sc, y_tc], axis=0).reshape(orig_shape)

# --- scband reference (transcript-rebuilt; emitter-appended) ---
"""Pipeline reference for scband-lut-19490561589757 (READ-ONLY COPY).

The authoritative reference and input builder live on the scoring server;
editing this copy changes nothing except your own understanding.
"""

import jax, jax.numpy as jnp
import numpy as np

ADDR_BITS = 8
OUT_BITS = 16


def fixed_range_fake_quantize(x, quanta, bits, rounded=False):
    scale = 2.0 ** quanta
    lo = float(-(2 ** (bits - 1)))
    hi = float(2 ** (bits - 1) - 1)
    q = jnp.round(x / scale) if rounded else jnp.floor(x / scale)
    return jnp.clip(q, lo, hi) * scale


def get_fixed_range_quanta(mv, bits):
    mv = max(float(mv), 2.0 ** -30)
    return int(np.ceil(np.log2(mv))) - (bits - 1)


def setup_inputs(seed: int = 0):
    key = jax.random.key(seed)
    kx = jax.random.fold_in(key, 0)
    x = jax.random.normal(kx, (4, 4096, 2048), dtype=jnp.float32)
    # FastILUT.set_tables: quanta_in observed from x (16-bit signed covering ~+-8)
    quanta_in = -12
    addr_quanta = quanta_in + OUT_BITS - ADDR_BITS  # get_addr_quanta, limits=None
    scale = 2.0 ** addr_quanta
    xa = np.arange(-2 ** (ADDR_BITS - 1), 2 ** (ADDR_BITS - 1)).astype(np.float64) * scale
    f_x = np.tanh(xa)
    fp_x = (np.tanh(xa + scale) - f_x) / scale
    f_x = np.nan_to_num(f_x)
    fp_x = np.nan_to_num(fp_x)
    q0 = get_fixed_range_quanta(np.max(np.abs(f_x)), OUT_BITS)
    q1 = get_fixed_range_quanta(np.max(np.abs(fp_x)), OUT_BITS)
    c0 = fixed_range_fake_quantize(jnp.asarray(f_x, dtype=jnp.float32), q0, OUT_BITS, rounded=True)
    c1 = fixed_range_fake_quantize(jnp.asarray(fp_x, dtype=jnp.float32), q1, OUT_BITS, rounded=True)
    return {"x": x, "c0": c0, "c1": c1, "addr_quanta": int(addr_quanta), "c1_quanta": int(q1), "addr_bits": ADDR_BITS}


def reference(x, c0, c1, addr_quanta, c1_quanta, addr_bits):
    # FastILUT.forward (quantized path) -> interpolating_lut.forward
    scale = 2.0 ** addr_quanta
    neg_level = 2 ** (addr_bits - 1)
    # fixed_range_fake_quantize(x, addr_quanta - 8, 16, True)  (applied in FastILUT.forward
    # and idempotently again inside interpolating_lut.forward)
    x = fixed_range_fake_quantize(x, addr_quanta - 8, 16)
    addr = jnp.clip(jnp.floor(x / scale), -neg_level, neg_level - 1)
    int_addr = addr.astype(jnp.int32) + neg_level
    int_addr = jnp.clip(int_addr, 0, min(c0.shape[0], c1.shape[0]) - 1)
    f0 = jnp.take(c0, int_addr, axis=0)
    f1 = jnp.take(c1, int_addr, axis=0)
    delta = x - scale * addr
    y = f0 + fixed_range_fake_quantize(delta * f1, addr_quanta + c1_quanta, 16)
    return y

if __name__ == "__main__":
    import jax
    _d = setup_inputs()
    print(jax.jit(kernel)(*tuple(_d.values())))

</pallas_src>

<mosaic_0001>
#map = affine_map<(d0, d1) -> (0)>
#map1 = affine_map<(d0, d1) -> (0, 0)>
module attributes {stable_mosaic.version = 14 : i64} {
  func.func @sck(%arg0: i32, %arg1: i32, %arg2: memref<256xi32, #tpu.memory_space<hbm>>, %arg3: memref<2x16xf32, #tpu.memory_space<hbm>>, %arg4: memref<2x16xi32, #tpu.memory_space<hbm>>, %arg5: memref<16384x2048xf32, #tpu.memory_space<hbm>>, %arg6: memref<2816x2048xf32, #tpu.memory_space<hbm>>, %arg7: memref<256xi32, #tpu.memory_space<vmem>>, %arg8: memref<2x16xf32, #tpu.memory_space<vmem>>, %arg9: memref<2x16xi32, #tpu.memory_space<vmem>>, %arg10: memref<!tpu.dma_semaphore, #tpu.memory_space<semaphore_mem>>) attributes {dimension_semantics = [#tpu.dimension_semantics<core_parallel>, #tpu.dimension_semantics<subcore_parallel>], iteration_bounds = array<i64: 2, 16>, scalar_prefetch = 0 : i64, scratch_operands = 4 : i64, tpu.core_type = #tpu.core_type<sc_vector_subcore>, window_params = [{transform_indices = #map}, {transform_indices = #map1}, {transform_indices = #map1}, {transform_indices = #map1}, {transform_indices = #map1}]} {
    tpu.enqueue_dma source(%arg2 : memref<256xi32, #tpu.memory_space<hbm>>) target(%arg7 : memref<256xi32, #tpu.memory_space<vmem>>) target_semaphore(%arg10 : memref<!tpu.dma_semaphore, #tpu.memory_space<semaphore_mem>>)
    tpu.wait_dma2 semaphore(%arg10 : memref<!tpu.dma_semaphore, #tpu.memory_space<semaphore_mem>>) src(%arg2 : memref<256xi32, #tpu.memory_space<hbm>>) dst(%arg7 : memref<256xi32, #tpu.memory_space<vmem>>)
    tpu.enqueue_dma source(%arg3 : memref<2x16xf32, #tpu.memory_space<hbm>>) target(%arg8 : memref<2x16xf32, #tpu.memory_space<vmem>>) target_semaphore(%arg10 : memref<!tpu.dma_semaphore, #tpu.memory_space<semaphore_mem>>)
    tpu.wait_dma2 semaphore(%arg10 : memref<!tpu.dma_semaphore, #tpu.memory_space<semaphore_mem>>) src(%arg3 : memref<2x16xf32, #tpu.memory_space<hbm>>) dst(%arg8 : memref<2x16xf32, #tpu.memory_space<vmem>>)
    tpu.enqueue_dma source(%arg4 : memref<2x16xi32, #tpu.memory_space<hbm>>) target(%arg9 : memref<2x16xi32, #tpu.memory_space<vmem>>) target_semaphore(%arg10 : memref<!tpu.dma_semaphore, #tpu.memory_space<semaphore_mem>>)
    tpu.wait_dma2 semaphore(%arg10 : memref<!tpu.dma_semaphore, #tpu.memory_space<semaphore_mem>>) src(%arg4 : memref<2x16xi32, #tpu.memory_space<hbm>>) dst(%arg9 : memref<2x16xi32, #tpu.memory_space<vmem>>)
    %get3A = arith.constant 0 : i32
    %get3A_0 = arith.index_cast %get3A : i32 to index
    %get3A_1 = arith.constant 0 : index
    %get3A_2 = tpu.vector_load %arg8[%get3A_0, %get3A_1] {strides = array<i32>} : memref<2x16xf32, #tpu.memory_space<vmem>>, vector<16xf32>,
    %get3A_3 = arith.constant 1 : i32
    %get3A_4 = arith.index_cast %get3A_3 : i32 to index
    %get3A_5 = arith.constant 0 : index
    %get3A_6 = tpu.vector_load %arg8[%get3A_4, %get3A_5] {strides = array<i32>} : memref<2x16xf32, #tpu.memory_space<vmem>>, vector<16xf32>,
    %get3A_7 = arith.constant 0 : i32
    %get3A_8 = arith.index_cast %get3A_7 : i32 to index
    %get3A_9 = arith.constant 0 : index
    %get3A_10 = tpu.vector_load %arg9[%get3A_8, %get3A_9] {strides = array<i32>} : memref<2x16xi32, #tpu.memory_space<vmem>>, vector<16xi32>,
    %get3A_11 = arith.constant 1 : i32
    %get3A_12 = arith.index_cast %get3A_11 : i32 to index
    %get3A_13 = arith.constant 0 : index
    %get3A_14 = tpu.vector_load %arg9[%get3A_12, %get3A_13] {strides = array<i32>} : memref<2x16xi32, #tpu.memory_space<vmem>>, vector<16xi32>,
    %mul3A = arith.constant 1 : i32
    %mul3A_15 = arith.muli %arg1, %mul3A : i32
    %add3A = arith.constant 0 : i32
    %add3A_16 = arith.addi %add3A, %mul3A_15 : i32
    %mul3A_17 = arith.constant 16 : i32
    %mul3A_18 = arith.muli %arg0, %mul3A_17 : i32
    %add3A_19 = arith.addi %add3A_16, %mul3A_18 : i32
    %mul3A_20 = arith.constant 11 : i32
    %mul3A_21 = arith.muli %add3A_19, %mul3A_20 : i32
    "tpu.region"() ({
      %run_scoped3A = memref.alloca() : memref<2x8x128xf32, #tpu.memory_space<vmem>>
      %run_scoped3A_22 = tpu.sem_alloc : memref<2x!tpu.dma_semaphore, #tpu.memory_space<semaphore_mem>>
      %run_scoped3A_23 = memref.alloca() : memref<2x8x128xf32, #tpu.memory_space<vmem>>
      %run_scoped3A_24 = tpu.sem_alloc : memref<2x!tpu.dma_semaphore, #tpu.memory_space<semaphore_mem>>
      %add3A_25 = arith.constant 0 : i32
      %add3A_26 = arith.addi %add3A_25, %mul3A_21 : i32
      %select_n3A = arith.constant true
      %select_n3A_27 = arith.constant 0 : i32
      %select_n3A_28 = arith.constant -1 : i32
      %select_n3A_29 = arith.select %select_n3A, %select_n3A_28, %select_n3A_27 : i32
      %eq3A = arith.constant -1 : i32
      %eq3A_30 = arith.cmpi eq, %select_n3A_29, %eq3A : i32
      %select_n3A_31 = arith.constant 15 : i32
      %select_n3A_32 = arith.select %eq3A_30, %select_n3A_31, %select_n3A_29 : i32
      %select_n3A_33 = arith.constant 0 : i32
      %select_n3A_34 = arith.constant -1 : i32
      %select_n3A_35 = arith.select %eq3A_30, %select_n3A_34, %select_n3A_33 : i32
      %eq3A_36 = arith.constant -1 : i32
      %eq3A_37 = arith.cmpi eq, %select_n3A_35, %eq3A_36 : i32
      %select_n3A_38 = arith.constant 10 : i32
      %select_n3A_39 = arith.select %eq3A_37, %select_n3A_38, %select_n3A_35 : i32
      %add3A_40 = arith.addi %select_n3A_39, %mul3A_21 : i32
      %add3A_41 = arith.constant 0 : i32
      %add3A_42 = arith.addi %select_n3A_32, %add3A_41 : i32
      %select_n3A_43 = arith.constant true
      %select_n3A_44 = arith.constant 0 : i32
      %select_n3A_45 = arith.constant 1 : i32
      %select_n3A_46 = arith.select %select_n3A_43, %select_n3A_45, %select_n3A_44 : i32
      %eq3A_47 = arith.constant 16 : i32
      %eq3A_48 = arith.cmpi eq, %select_n3A_46, %eq3A_47 : i32
      %select_n3A_49 = arith.constant 0 : i32
      %select_n3A_50 = arith.select %eq3A_48, %select_n3A_49, %select_n3A_46 : i32
      %select_n3A_51 = arith.constant 0 : i32
      %select_n3A_52 = arith.constant 1 : i32
      %select_n3A_53 = arith.select %eq3A_48, %select_n3A_52, %select_n3A_51 : i32
      %eq3A_54 = arith.constant 11 : i32
      %eq3A_55 = arith.cmpi eq, %select_n3A_53, %eq3A_54 : i32
      %select_n3A_56 = arith.constant 0 : i32
      %select_n3A_57 = arith.select %eq3A_55, %select_n3A_56, %select_n3A_53 : i32
      %add3A_58 = arith.addi %select_n3A_57, %mul3A_21 : i32
      %add3A_59 = arith.constant 0 : i32
      %add3A_60 = arith.addi %select_n3A_50, %add3A_59 : i32
      %add3A_61 = arith.constant 1 : i32
      %add3A_62 = arith.addi %select_n3A_50, %add3A_61 : i32
      %select_n3A_63 = arith.constant true
      %select_n3A_64 = arith.select %select_n3A_63, %add3A_62, %select_n3A_50 : i32
      %eq3A_65 = arith.constant 16 : i32
      %eq3A_66 = arith.cmpi eq, %select_n3A_64, %eq3A_65 : i32
      %select_n3A_67 = arith.constant 0 : i32
      %select_n3A_68 = arith.select %eq3A_66, %select_n3A_67, %select_n3A_64 : i32
      %add3A_69 = arith.constant 1 : i32
      %add3A_70 = arith.addi %select_n3A_57, %add3A_69 : i32
      %select_n3A_71 = arith.select %eq3A_66, %add3A_70, %select_n3A_57 : i32
      %eq3A_72 = arith.constant 11 : i32
      %eq3A_73 = arith.cmpi eq, %select_n3A_71, %eq3A_72 : i32
      %select_n3A_74 = arith.constant 0 : i32
      %select_n3A_75 = arith.select %eq3A_73, %select_n3A_74, %select_n3A_71 : i32
      %add3A_76 = arith.addi %select_n3A_75, %mul3A_21 : i32
      %add3A_77 = arith.constant 0 : i32
      %add3A_78 = arith.addi %select_n3A_68, %add3A_77 : i32
      "tpu.trace_start"() <{level = 10 : i32, message = "ep_initialize_0"}> : () -> ()
      %rem3A = arith.constant 0 : i32
      %rem3A_79 = arith.constant 2 : i32
      %rem3A_80 = arith.remui %rem3A, %rem3A_79 : i32
      %mul3A_81 = arith.constant 8 : i32
      %mul3A_82 = arith.muli %mul3A_81, %add3A_26 : i32
      %dma_start3A = arith.constant 0 : i32
      %dma_start3A_83 = arith.constant 0 : i32
      %dma_start3A_84 = tpu.memref_slice %run_scoped3A[%rem3A_80, %dma_start3A, %dma_start3A_83] : memref<2x8x128xf32, #tpu.memory_space<vmem>> -> memref<1x8x128xf32, #tpu.memory_space<vmem>>
      %dma_start3A_85 = tpu.memref_squeeze %dma_start3A_84 : memref<1x8x128xf32, #tpu.memory_space<vmem>> -> memref<8x128xf32, #tpu.memory_space<vmem>>
      %dma_start3A_86 = arith.constant 0 : i32
      %dma_start3A_87 = tpu.memref_slice %arg5[%mul3A_82, %dma_start3A_86] : memref<16384x2048xf32, #tpu.memory_space<hbm>> -> memref<8x128xf32, #tpu.memory_space<hbm>>
      %dma_start3A_88 = tpu.memref_slice %run_scoped3A_22[%rem3A_80] : memref<2x!tpu.dma_semaphore, #tpu.memory_space<semaphore_mem>> -> memref<1x!tpu.dma_semaphore, #tpu.memory_space<semaphore_mem>>
      %dma_start3A_89 = tpu.memref_squeeze %dma_start3A_88 : memref<1x!tpu.dma_semaphore, #tpu.memory_space<semaphore_mem>> -> memref<!tpu.dma_semaphore, #tpu.memory_space<semaphore_mem>>
      %dma_start3A_90 = arith.constant 0 : i32
      %dma_start3A_91 = arith.constant 0 : i32
      %dma_start3A_92 = tpu.memref_slice %run_scoped3A[%rem3A_80, %dma_start3A_90, %dma_start3A_91] : memref<2x8x128xf32, #tpu.memory_space<vmem>> -> memref<1x8x128xf32, #tpu.memory_space<vmem>>
      %dma_start3A_93 = tpu.memref_squeeze %dma_start3A_92 : memref<1x8x128xf32, #tpu.memory_space<vmem>> -> memref<8x128xf32, #tpu.memory_space<vmem>>
      %dma_start3A_94 = arith.constant 0 : i32
      %dma_start3A_95 = tpu.memref_slice %arg5[%mul3A_82, %dma_start3A_94] : memref<16384x2048xf32, #tpu.memory_space<hbm>> -> memref<8x128xf32, #tpu.memory_space<hbm>>
      tpu.enqueue_dma source(%dma_start3A_95 : memref<8x128xf32, #tpu.memory_space<hbm>>) target(%dma_start3A_93 : memref<8x128xf32, #tpu.memory_space<vmem>>) target_semaphore(%dma_start3A_89 : memref<!tpu.dma_semaphore, #tpu.memory_space<semaphore_mem>>)
      %add3A_96 = arith.constant 0 : i32
      %add3A_97 = arith.constant 1 : i32
      %add3A_98 = arith.addi %add3A_96, %add3A_97 : i32
      %select_n3A_99 = arith.constant true
      %select_n3A_100 = arith.constant 0 : i32
      %select_n3A_101 = arith.select %select_n3A_99, %add3A_98, %select_n3A_100 : i32
      "tpu.trace_stop"() : () -> ()
      %scan3A = arith.constant 0 : i32
      %scan3A_102 = arith.constant 0 : i32
      %scan3A_103 = arith.constant 0 : i32
      %scan3A_104 = arith.constant 0 : i32
      %scan3A_105 = arith.constant 0 : i32
      %scan3A_106 = arith.constant 0 : i32
      %scan3A_107 = arith.constant 176 : i32
      %scan3A_108 = arith.addi %scan3A_106, %scan3A_107 : i32
      %scan3A_109 = arith.constant 1 : i32
      %scan3A_110:6 = scf.for %scan3A_200 = %scan3A_106 to %scan3A_108 step %scan3A_109 iter_args(%scan3A_201 = %select_n3A_101, %scan3A_202 = %scan3A, %scan3A_203 = %scan3A_102, %scan3A_204 = %scan3A_103, %scan3A_205 = %scan3A_104, %scan3A_206 = %scan3A_105) -> (i32, i32, i32, i32, i32, i32)  : i32 {
        %eq3A_207 = arith.constant 0 : i32
        %eq3A_208 = arith.cmpi eq, %scan3A_200, %eq3A_207 : i32
        %eq3A_209 = arith.constant 175 : i32
        %eq3A_210 = arith.cmpi eq, %scan3A_200, %eq3A_209 : i32
        %add3A_211 = arith.addi %scan3A_205, %mul3A_21 : i32
        %add3A_212 = arith.constant 0 : i32
        %add3A_213 = arith.addi %scan3A_206, %add3A_212 : i32
        %sub3A_214 = arith.constant 1 : i32
        %sub3A_215 = arith.subi %scan3A_206, %sub3A_214 : i32
        %select_n3A_216 = arith.constant true
        %select_n3A_217 = arith.select %select_n3A_216, %sub3A_215, %scan3A_206 : i32
        %eq3A_218 = arith.constant -1 : i32
        %eq3A_219 = arith.cmpi eq, %select_n3A_217, %eq3A_218 : i32
        %select_n3A_220 = arith.constant 15 : i32
        %select_n3A_221 = arith.select %eq3A_219, %select_n3A_220, %select_n3A_217 : i32
        %sub3A_222 = arith.constant 1 : i32
        %sub3A_223 = arith.subi %scan3A_205, %sub3A_222 : i32
        %select_n3A_224 = arith.select %eq3A_219, %sub3A_223, %scan3A_205 : i32
        %eq3A_225 = arith.constant -1 : i32
        %eq3A_226 = arith.cmpi eq, %select_n3A_224, %eq3A_225 : i32
        %select_n3A_227 = arith.constant 10 : i32
        %select_n3A_228 = arith.select %eq3A_226, %select_n3A_227, %select_n3A_224 : i32
        %add3A_229 = arith.addi %select_n3A_228, %mul3A_21 : i32
        %add3A_230 = arith.constant 0 : i32
        %add3A_231 = arith.addi %select_n3A_221, %add3A_230 : i32
        %add3A_232 = arith.constant 1 : i32
        %add3A_233 = arith.addi %scan3A_206, %add3A_232 : i32
        %select_n3A_234 = arith.constant true
        %select_n3A_235 = arith.select %select_n3A_234, %add3A_233, %scan3A_206 : i32
        %eq3A_236 = arith.constant 16 : i32
        %eq3A_237 = arith.cmpi eq, %select_n3A_235, %eq3A_236 : i32
        %select_n3A_238 = arith.constant 0 : i32
        %select_n3A_239 = arith.select %eq3A_237, %select_n3A_238, %select_n3A_235 : i32
        %add3A_240 = arith.constant 1 : i32
        %add3A_241 = arith.addi %scan3A_205, %add3A_240 : i32
        %select_n3A_242 = arith.select %eq3A_237, %add3A_241, %scan3A_205 : i32
        %eq3A_243 = arith.constant 11 : i32
        %eq3A_244 = arith.cmpi eq, %select_n3A_242, %eq3A_243 : i32
        %select_n3A_245 = arith.constant 0 : i32
        %select_n3A_246 = arith.select %eq3A_244, %select_n3A_245, %select_n3A_242 : i32
        %add3A_247 = arith.addi %select_n3A_246, %mul3A_21 : i32
        %add3A_248 = arith.constant 0 : i32
        %add3A_249 = arith.addi %select_n3A_239, %add3A_248 : i32
        %add3A_250 = arith.constant 1 : i32
        %add3A_251 = arith.addi %select_n3A_239, %add3A_250 : i32
        %select_n3A_252 = arith.constant true
        %select_n3A_253 = arith.select %select_n3A_252, %add3A_251, %select_n3A_239 : i32
        %eq3A_254 = arith.constant 16 : i32
        %eq3A_255 = arith.cmpi eq, %select_n3A_253, %eq3A_254 : i32
        %select_n3A_256 = arith.constant 0 : i32
        %select_n3A_257 = arith.select %eq3A_255, %select_n3A_256, %select_n3A_253 : i32
        %add3A_258 = arith.constant 1 : i32
        %add3A_259 = arith.addi %select_n3A_246, %add3A_258 : i32
        %select_n3A_260 = arith.select %eq3A_255, %add3A_259, %select_n3A_246 : i32
        %eq3A_261 = arith.constant 11 : i32
        %eq3A_262 = arith.cmpi eq, %select_n3A_260, %eq3A_261 : i32
        %select_n3A_263 = arith.constant 0 : i32
        %select_n3A_264 = arith.select %eq3A_262, %select_n3A_263, %select_n3A_260 : i32
        %add3A_265 = arith.addi %select_n3A_264, %mul3A_21 : i32
        %add3A_266 = arith.constant 0 : i32
        %add3A_267 = arith.addi %select_n3A_257, %add3A_266 : i32
        %ne3A = arith.cmpi ne, %add3A_211, %add3A_247 : i32
        %ne3A_268 = arith.cmpi ne, %add3A_213, %add3A_249 : i32
        %or3A = arith.constant false
        %or3A_269 = arith.ori %or3A, %ne3A : i1
        %or3A_270 = arith.ori %or3A_269, %ne3A_268 : i1
        %ge3A = arith.constant 175 : i32
        %ge3A_271 = arith.cmpi sge, %scan3A_200, %ge3A : i32
        %not3A = arith.constant true
        %not3A_272 = arith.xori %ge3A_271, %not3A : i1
        %and3A = arith.andi %or3A_270, %not3A_272 : i1
        %convert_element_type3A = arith.extui %and3A : i1 to i32
        %cond3A = arith.constant 0 : i32
        %cond3A_273 = arith.cmpi ne, %convert_element_type3A, %cond3A : i32
        scf.if %cond3A_273 {
          "tpu.trace_start"() <{level = 10 : i32, message = "ep_copy_in"}> : () -> ()
          %rem3A_394 = arith.constant 2 : i32
          %rem3A_395 = arith.remui %scan3A_201, %rem3A_394 : i32
          %mul3A_396 = arith.constant 8 : i32
          %mul3A_397 = arith.muli %mul3A_396, %add3A_247 : i32
          %mul3A_398 = arith.constant 128 : i32
          %mul3A_399 = arith.muli %mul3A_398, %add3A_249 : i32
          %dma_start3A_400 = arith.constant 0 : i32
          %dma_start3A_401 = arith.constant 0 : i32
          %dma_start3A_402 = tpu.memref_slice %run_scoped3A[%rem3A_395, %dma_start3A_400, %dma_start3A_401] : memref<2x8x128xf32, #tpu.memory_space<vmem>> -> memref<1x8x128xf32, #tpu.memory_space<vmem>>
          %dma_start3A_403 = tpu.memref_squeeze %dma_start3A_402 : memref<1x8x128xf32, #tpu.memory_space<vmem>> -> memref<8x128xf32, #tpu.memory_space<vmem>>
          %dma_start3A_404 = tpu.memref_slice %arg5[%mul3A_397, %mul3A_399] : memref<16384x2048xf32, #tpu.memory_space<hbm>> -> memref<8x128xf32, #tpu.memory_space<hbm>>
          %dma_start3A_405 = tpu.memref_slice %run_scoped3A_22[%rem3A_395] : memref<2x!tpu.dma_semaphore, #tpu.memory_space<semaphore_mem>> -> memref<1x!tpu.dma_semaphore, #tpu.memory_space<semaphore_mem>>
          %dma_start3A_406 = tpu.memref_squeeze %dma_start3A_405 : memref<1x!tpu.dma_semaphore, #tpu.memory_space<semaphore_mem>> -> memref<!tpu.dma_semaphore, #tpu.memory_space<semaphore_mem>>
          %dma_start3A_407 = arith.constant 0 : i32
          %dma_start3A_408 = arith.constant 0 : i32
          %dma_start3A_409 = tpu.memref_slice %run_scoped3A[%rem3A_395, %dma_start3A_407, %dma_start3A_408] : memref<2x8x128xf32, #tpu.memory_space<vmem>> -> memref<1x8x128xf32, #tpu.memory_space<vmem>>
          %dma_start3A_410 = tpu.memref_squeeze %dma_start3A_409 : memref<1x8x128xf32, #tpu.memory_space<vmem>> -> memref<8x128xf32, #tpu.memory_space<vmem>>
          %dma_start3A_411 = tpu.memref_slice %arg5[%mul3A_397, %mul3A_399] : memref<16384x2048xf32, #tpu.memory_space<hbm>> -> memref<8x128xf32, #tpu.memory_space<hbm>>
          tpu.enqueue_dma source(%dma_start3A_411 : memref<8x128xf32, #tpu.memory_space<hbm>>) target(%dma_start3A_410 : memref<8x128xf32, #tpu.memory_space<vmem>>) target_semaphore(%dma_start3A_406 : memref<!tpu.dma_semaphore, #tpu.memory_space<semaphore_mem>>)
          "tpu.trace_stop"() : () -> ()
        } else {
        }
        %and3A_274 = arith.constant true
        %and3A_275 = arith.andi %and3A, %and3A_274 : i1
        %add3A_276 = arith.constant 1 : i32
        %add3A_277 = arith.addi %scan3A_201, %add3A_276 : i32
        %select_n3A_278 = arith.select %and3A_275, %add3A_277, %scan3A_201 : i32
        %ne3A_279 = arith.cmpi ne, %add3A_211, %add3A_247 : i32
        %ne3A_280 = arith.cmpi ne, %add3A_213, %add3A_249 : i32
        %or3A_281 = arith.constant false
        %or3A_282 = arith.ori %or3A_281, %ne3A_279 : i1
        %or3A_283 = arith.ori %or3A_282, %ne3A_280 : i1
        %ge3A_284 = arith.constant 175 : i32
        %ge3A_285 = arith.cmpi sge, %scan3A_200, %ge3A_284 : i32
        %not3A_286 = arith.constant true
        %not3A_287 = arith.xori %ge3A_285, %not3A_286 : i1
        %and3A_288 = arith.andi %or3A_283, %not3A_287 : i1
        %ne3A_289 = arith.cmpi ne, %add3A_211, %add3A_229 : i32
        %ne3A_290 = arith.cmpi ne, %add3A_213, %add3A_231 : i32
        %or3A_291 = arith.constant false
        %or3A_292 = arith.ori %or3A_291, %ne3A_289 : i1
        %or3A_293 = arith.ori %or3A_292, %ne3A_290 : i1
        %or3A_294 = arith.ori %or3A_293, %eq3A_208 : i1
        %convert_element_type3A_295 = arith.extui %or3A_294 : i1 to i32
        %cond3A_296 = arith.constant 0 : i32
        %cond3A_297 = arith.cmpi ne, %convert_element_type3A_295, %cond3A_296 : i32
        scf.if %cond3A_297 {
          "tpu.trace_start"() <{level = 10 : i32, message = "ep_wait_in"}> : () -> ()
          %mul3A_394 = arith.constant 8 : i32
          %mul3A_395 = arith.muli %mul3A_394, %add3A_211 : i32
          %mul3A_396 = arith.constant 128 : i32
          %mul3A_397 = arith.muli %mul3A_396, %add3A_213 : i32
          %rem3A_398 = arith.constant 2 : i32
          %rem3A_399 = arith.remui %scan3A_202, %rem3A_398 : i32
          %dma_wait3A_400 = arith.constant 0 : i32
          %dma_wait3A_401 = arith.constant 0 : i32
          %dma_wait3A_402 = tpu.memref_slice %run_scoped3A[%rem3A_399, %dma_wait3A_400, %dma_wait3A_401] : memref<2x8x128xf32, #tpu.memory_space<vmem>> -> memref<1x8x128xf32, #tpu.memory_space<vmem>>
          %dma_wait3A_403 = tpu.memref_squeeze %dma_wait3A_402 : memref<1x8x128xf32, #tpu.memory_space<vmem>> -> memref<8x128xf32, #tpu.memory_space<vmem>>
          %dma_wait3A_404 = tpu.memref_slice %arg5[%mul3A_395, %mul3A_397] : memref<16384x2048xf32, #tpu.memory_space<hbm>> -> memref<8x128xf32, #tpu.memory_space<hbm>>
          %dma_wait3A_405 = tpu.memref_slice %run_scoped3A_22[%rem3A_399] : memref<2x!tpu.dma_semaphore, #tpu.memory_space<semaphore_mem>> -> memref<1x!tpu.dma_semaphore, #tpu.memory_space<semaphore_mem>>
          %dma_wait3A_406 = tpu.memref_squeeze %dma_wait3A_405 : memref<1x!tpu.dma_semaphore, #tpu.memory_space<semaphore_mem>> -> memref<!tpu.dma_semaphore, #tpu.memory_space<semaphore_mem>>
          %dma_wait3A_407 = arith.constant 0 : i32
          %dma_wait3A_408 = arith.constant 0 : i32
          %dma_wait3A_409 = tpu.memref_slice %run_scoped3A[%rem3A_399, %dma_wait3A_407, %dma_wait3A_408] : memref<2x8x128xf32, #tpu.memory_space<vmem>> -> memref<1x8x128xf32, #tpu.memory_space<vmem>>
          %dma_wait3A_410 = tpu.memref_squeeze %dma_wait3A_409 : memref<1x8x128xf32, #tpu.memory_space<vmem>> -> memref<8x128xf32, #tpu.memory_space<vmem>>
          %dma_wait3A_411 = tpu.memref_slice %arg5[%mul3A_395, %mul3A_397] : memref<16384x2048xf32, #tpu.memory_space<hbm>> -> memref<8x128xf32, #tpu.memory_space<hbm>>
          tpu.wait_dma2 semaphore(%dma_wait3A_406 : memref<!tpu.dma_semaphore, #tpu.memory_space<semaphore_mem>>) src(%dma_wait3A_411 : memref<8x128xf32, #tpu.memory_space<hbm>>) dst(%dma_wait3A_410 : memref<8x128xf32, #tpu.memory_space<vmem>>)
          "tpu.trace_stop"() : () -> ()
        } else {
        }
        %ne3A_298 = arith.cmpi ne, %add3A_211, %add3A_229 : i32
        %ne3A_299 = arith.cmpi ne, %add3A_213, %add3A_231 : i32
        %or3A_300 = arith.constant false
        %or3A_301 = arith.ori %or3A_300, %ne3A_298 : i1
        %or3A_302 = arith.ori %or3A_301, %ne3A_299 : i1
        %or3A_303 = arith.ori %or3A_302, %eq3A_208 : i1
        %convert_element_type3A_304 = arith.extui %or3A_303 : i1 to i32
        %cond3A_305 = arith.constant 0 : i32
        %cond3A_306 = arith.cmpi ne, %convert_element_type3A_304, %cond3A_305 : i32
        scf.if %cond3A_306 {
        } else {
        }
        %rem3A_307 = arith.constant 2 : i32
        %rem3A_308 = arith.remui %scan3A_202, %rem3A_307 : i32
        %rem3A_309 = arith.constant 2 : i32
        %rem3A_310 = arith.remui %scan3A_203, %rem3A_309 : i32
        "tpu.trace_start"() <{level = 10 : i32, message = "ep_run_kernel"}> : () -> ()
        %scan3A_311 = arith.constant 0 : i32
        %scan3A_312 = arith.constant 8 : i32
        %scan3A_313 = arith.addi %scan3A_311, %scan3A_312 : i32
        %scan3A_314 = arith.constant 1 : i32
        scf.for %scan3A_394 = %scan3A_311 to %scan3A_313 step %scan3A_314  : i32 {
          %mul3A_395 = arith.constant 1 : i32
          %mul3A_396 = arith.muli %scan3A_394, %mul3A_395 : i32
          %add3A_397 = arith.constant 0 : i32
          %add3A_398 = arith.addi %add3A_397, %mul3A_396 : i32
          %scan3A_399 = arith.constant 0 : i32
          %scan3A_400 = arith.constant 8 : i32
          %scan3A_401 = arith.addi %scan3A_399, %scan3A_400 : i32
          %scan3A_402 = arith.constant 1 : i32
          scf.for %scan3A_404 = %scan3A_399 to %scan3A_401 step %scan3A_402  : i32 {
            %mul3A_405 = arith.constant 16 : i32
            %mul3A_406 = arith.muli %scan3A_404, %mul3A_405 : i32
            %add3A_407 = arith.constant 0 : i32
            %add3A_408 = arith.addi %add3A_407, %mul3A_406 : i32
            %get3A_409 = arith.constant 0 : i32
            %get3A_410 = arith.constant 0 : i32
            %get3A_411 = tpu.memref_slice %run_scoped3A[%rem3A_308, %get3A_409, %get3A_410] : memref<2x8x128xf32, #tpu.memory_space<vmem>> -> memref<1x8x128xf32, #tpu.memory_space<vmem>>
            %get3A_412 = tpu.memref_squeeze %get3A_411 : memref<1x8x128xf32, #tpu.memory_space<vmem>> -> memref<8x128xf32, #tpu.memory_space<vmem>>
            %get3A_413 = arith.index_cast %add3A_398 : i32 to index
            %get3A_414 = arith.index_cast %add3A_408 : i32 to index
            %get3A_415 = tpu.vector_load %get3A_412[%get3A_413, %get3A_414] {strides = array<i32>} : memref<8x128xf32, #tpu.memory_space<vmem>>, vector<16xf32>,
            %mul3A_416 = arith.mulf %get3A_415, %get3A_2 : vector<16xf32>
            %max3A = arith.constant -3.276800e+04 : f32
            %max3A_417 = vector.broadcast %max3A : f32 to vector<16xf32>
            %max3A_418 = arith.maximumf %mul3A_416, %max3A_417 : vector<16xf32>
            %min3A = arith.constant 3.276700e+04 : f32
            %min3A_419 = vector.broadcast %min3A : f32 to vector<16xf32>
            %min3A_420 = arith.minimumf %max3A_418, %min3A_419 : vector<16xf32>
            %convert_element_type3A_421 = arith.fptosi %min3A_420 : vector<16xf32> to vector<16xi32>
            %convert_element_type3A_422 = arith.sitofp %convert_element_type3A_421 : vector<16xi32> to vector<16xf32>
            %gt3A = arith.cmpf ogt, %convert_element_type3A_422, %min3A_420 : vector<16xf32>
            %sub3A_423 = arith.constant 1 : i32
            %sub3A_424 = vector.broadcast %sub3A_423 : i32 to vector<16xi32>
            %sub3A_425 = arith.subi %convert_element_type3A_421, %sub3A_424 : vector<16xi32>
            %select_n3A_426 = arith.select %gt3A, %sub3A_425, %convert_element_type3A_421 : vector<16xi1>, vector<16xi32>
            %shift_right_arithmetic3A = arith.constant 8 : i32
            %shift_right_arithmetic3A_427 = vector.broadcast %shift_right_arithmetic3A : i32 to vector<16xi32>
            %shift_right_arithmetic3A_428 = arith.shrsi %select_n3A_426, %shift_right_arithmetic3A_427 : vector<16xi32>
            %add3A_429 = arith.constant 128 : i32
            %add3A_430 = vector.broadcast %add3A_429 : i32 to vector<16xi32>
            %add3A_431 = arith.addi %shift_right_arithmetic3A_428, %add3A_430 : vector<16xi32>
            %and3A_432 = arith.constant 255 : i32
            %and3A_433 = vector.broadcast %and3A_432 : i32 to vector<16xi32>
            %and3A_434 = arith.andi %select_n3A_426, %and3A_433 : vector<16xi32>
            %gather3A = tpu.vector_load_idx %arg7[%add3A_431] : memref<256xi32, #tpu.memory_space<vmem>>[vector<16xi32>], vector<16xi32>,
            %shift_left3A = arith.constant 16 : i32
            %shift_left3A_435 = vector.broadcast %shift_left3A : i32 to vector<16xi32>
            %shift_left3A_436 = arith.shli %gather3A, %shift_left3A_435 : vector<16xi32>
            %shift_right_arithmetic3A_437 = arith.constant 16 : i32
            %shift_right_arithmetic3A_438 = vector.broadcast %shift_right_arithmetic3A_437 : i32 to vector<16xi32>
            %shift_right_arithmetic3A_439 = arith.shrsi %shift_left3A_436, %shift_right_arithmetic3A_438 : vector<16xi32>
            %mul3A_440 = arith.muli %and3A_434, %shift_right_arithmetic3A_439 : vector<16xi32>
            %shift_right_arithmetic3A_441 = arith.shrsi %mul3A_440, %get3A_10 : vector<16xi32>
            %shift_right_arithmetic3A_442 = arith.constant 16 : i32
            %shift_right_arithmetic3A_443 = vector.broadcast %shift_right_arithmetic3A_442 : i32 to vector<16xi32>
            %shift_right_arithmetic3A_444 = arith.shrsi %gather3A, %shift_right_arithmetic3A_443 : vector<16xi32>
            %shift_left3A_445 = arith.shli %shift_right_arithmetic3A_444, %get3A_14 : vector<16xi32>
            %add3A_446 = arith.addi %shift_left3A_445, %shift_right_arithmetic3A_441 : vector<16xi32>
            %convert_element_type3A_447 = arith.sitofp %add3A_446 : vector<16xi32> to vector<16xf32>
            %mul3A_448 = arith.mulf %convert_element_type3A_447, %get3A_6 : vector<16xf32>
            %swap3A = arith.constant 0 : i32
            %swap3A_449 = arith.constant 0 : i32
            %swap3A_450 = tpu.memref_slice %run_scoped3A_23[%rem3A_310, %swap3A, %swap3A_449] : memref<2x8x128xf32, #tpu.memory_space<vmem>> -> memref<1x8x128xf32, #tpu.memory_space<vmem>>
            %swap3A_451 = tpu.memref_squeeze %swap3A_450 : memref<1x8x128xf32, #tpu.memory_space<vmem>> -> memref<8x128xf32, #tpu.memory_space<vmem>>
            %swap3A_452 = arith.index_cast %add3A_398 : i32 to index
            %swap3A_453 = arith.index_cast %add3A_408 : i32 to index
            %swap3A_454 = tpu.vector_load %swap3A_451[%swap3A_452, %swap3A_453] {strides = array<i32>} : memref<8x128xf32, #tpu.memory_space<vmem>>, vector<16xf32>,
            tpu.vector_store %swap3A_451[%swap3A_452, %swap3A_453], %mul3A_448 {strides = array<i32>} : memref<8x128xf32, #tpu.memory_space<vmem>>, vector<16xf32>,
          }
          %scan3A_403 = arith.constant 8 : i32
        }
        %scan3A_315 = arith.constant 8 : i32
        "tpu.trace_stop"() : () -> ()
        %ne3A_316 = arith.cmpi ne, %add3A_211, %add3A_247 : i32
        %ne3A_317 = arith.cmpi ne, %add3A_213, %add3A_249 : i32
        %or3A_318 = arith.constant false
        %or3A_319 = arith.ori %or3A_318, %ne3A_316 : i1
        %or3A_320 = arith.ori %or3A_319, %ne3A_317 : i1
        %or3A_321 = arith.ori %or3A_320, %eq3A_210 : i1
        %convert_element_type3A_322 = arith.extui %or3A_321 : i1 to i32
        %cond3A_323 = arith.constant 0 : i32
        %cond3A_324 = arith.cmpi ne, %convert_element_type3A_322, %cond3A_323 : i32
        scf.if %cond3A_324 {
        } else {
        }
        %and3A_325 = arith.constant false
        %and3A_326 = arith.andi %or3A_321, %and3A_325 : i1
        %ne3A_327 = arith.cmpi ne, %add3A_211, %add3A_247 : i32
        %ne3A_328 = arith.cmpi ne, %add3A_213, %add3A_249 : i32
        %or3A_329 = arith.constant false
        %or3A_330 = arith.ori %or3A_329, %ne3A_327 : i1
        %or3A_331 = arith.ori %or3A_330, %ne3A_328 : i1
        %or3A_332 = arith.ori %or3A_331, %eq3A_210 : i1
        %convert_element_type3A_333 = arith.extui %or3A_332 : i1 to i32
        %cond3A_334 = arith.constant 0 : i32
        %cond3A_335 = arith.cmpi ne, %convert_element_type3A_333, %cond3A_334 : i32
        scf.if %cond3A_335 {
          "tpu.trace_start"() <{level = 10 : i32, message = "ep_copy_out"}> : () -> ()
          %rem3A_394 = arith.constant 2 : i32
          %rem3A_395 = arith.remui %scan3A_203, %rem3A_394 : i32
          %mul3A_396 = arith.constant 8 : i32
          %mul3A_397 = arith.muli %mul3A_396, %add3A_211 : i32
          %mul3A_398 = arith.constant 128 : i32
          %mul3A_399 = arith.muli %mul3A_398, %add3A_213 : i32
          %dma_start3A_400 = arith.constant 0 : i32
          %dma_start3A_401 = arith.constant 0 : i32
          %dma_start3A_402 = tpu.memref_slice %run_scoped3A_23[%rem3A_395, %dma_start3A_400, %dma_start3A_401] : memref<2x8x128xf32, #tpu.memory_space<vmem>> -> memref<1x8x128xf32, #tpu.memory_space<vmem>>
          %dma_start3A_403 = tpu.memref_squeeze %dma_start3A_402 : memref<1x8x128xf32, #tpu.memory_space<vmem>> -> memref<8x128xf32, #tpu.memory_space<vmem>>
          %dma_start3A_404 = tpu.memref_slice %arg6[%mul3A_397, %mul3A_399] : memref<2816x2048xf32, #tpu.memory_space<hbm>> -> memref<8x128xf32, #tpu.memory_space<hbm>>
          %dma_start3A_405 = tpu.memref_slice %run_scoped3A_24[%rem3A_395] : memref<2x!tpu.dma_semaphore, #tpu.memory_space<semaphore_mem>> -> memref<1x!tpu.dma_semaphore, #tpu.memory_space<semaphore_mem>>
          %dma_start3A_406 = tpu.memref_squeeze %dma_start3A_405 : memref<1x!tpu.dma_semaphore, #tpu.memory_space<semaphore_mem>> -> memref<!tpu.dma_semaphore, #tpu.memory_space<semaphore_mem>>
          %dma_start3A_407 = tpu.memref_slice %arg6[%mul3A_397, %mul3A_399] : memref<2816x2048xf32, #tpu.memory_space<hbm>> -> memref<8x128xf32, #tpu.memory_space<hbm>>
          %dma_start3A_408 = arith.constant 0 : i32
          %dma_start3A_409 = arith.constant 0 : i32
          %dma_start3A_410 = tpu.memref_slice %run_scoped3A_23[%rem3A_395, %dma_start3A_408, %dma_start3A_409] : memref<2x8x128xf32, #tpu.memory_space<vmem>> -> memref<1x8x128xf32, #tpu.memory_space<vmem>>
          %dma_start3A_411 = tpu.memref_squeeze %dma_start3A_410 : memref<1x8x128xf32, #tpu.memory_space<vmem>> -> memref<8x128xf32, #tpu.memory_space<vmem>>
          tpu.enqueue_dma source(%dma_start3A_411 : memref<8x128xf32, #tpu.memory_space<vmem>>) target(%dma_start3A_407 : memref<8x128xf32, #tpu.memory_space<hbm>>) target_semaphore(%dma_start3A_406 : memref<!tpu.dma_semaphore, #tpu.memory_space<semaphore_mem>>)
          "tpu.trace_stop"() : () -> ()
        } else {
        }
        %and3A_336 = arith.constant true
        %and3A_337 = arith.andi %or3A_332, %and3A_336 : i1
        %add3A_338 = arith.constant 1 : i32
        %add3A_339 = arith.addi %scan3A_203, %add3A_338 : i32
        %select_n3A_340 = arith.select %and3A_337, %add3A_339, %scan3A_203 : i32
        %ne3A_341 = arith.cmpi ne, %add3A_211, %add3A_229 : i32
        %ne3A_342 = arith.cmpi ne, %add3A_213, %add3A_231 : i32
        %or3A_343 = arith.constant false
        %or3A_344 = arith.ori %or3A_343, %ne3A_341 : i1
        %or3A_345 = arith.ori %or3A_344, %ne3A_342 : i1
        %not3A_346 = arith.constant true
        %not3A_347 = arith.xori %eq3A_208, %not3A_346 : i1
        %and3A_348 = arith.andi %or3A_345, %not3A_347 : i1
        %convert_element_type3A_349 = arith.extui %and3A_348 : i1 to i32
        %cond3A_350 = arith.constant 0 : i32
        %cond3A_351 = arith.cmpi ne, %convert_element_type3A_349, %cond3A_350 : i32
        scf.if %cond3A_351 {
        } else {
        }
        %and3A_352 = arith.constant false
        %and3A_353 = arith.andi %and3A_348, %and3A_352 : i1
        %ne3A_354 = arith.cmpi ne, %add3A_211, %add3A_229 : i32
        %ne3A_355 = arith.cmpi ne, %add3A_213, %add3A_231 : i32
        %or3A_356 = arith.constant false
        %or3A_357 = arith.ori %or3A_356, %ne3A_354 : i1
        %or3A_358 = arith.ori %or3A_357, %ne3A_355 : i1
        %not3A_359 = arith.constant true
        %not3A_360 = arith.xori %eq3A_208, %not3A_359 : i1
        %and3A_361 = arith.andi %or3A_358, %not3A_360 : i1
        %convert_element_type3A_362 = arith.extui %and3A_361 : i1 to i32
        %cond3A_363 = arith.constant 0 : i32
        %cond3A_364 = arith.cmpi ne, %convert_element_type3A_362, %cond3A_363 : i32
        scf.if %cond3A_364 {
          "tpu.trace_start"() <{level = 10 : i32, message = "ep_wait_out"}> : () -> ()
          %rem3A_394 = arith.constant 2 : i32
          %rem3A_395 = arith.remui %scan3A_204, %rem3A_394 : i32
          %mul3A_396 = arith.constant 8 : i32
          %mul3A_397 = arith.muli %mul3A_396, %add3A_229 : i32
          %mul3A_398 = arith.constant 128 : i32
          %mul3A_399 = arith.muli %mul3A_398, %add3A_231 : i32
          %dma_wait3A_400 = arith.constant 0 : i32
          %dma_wait3A_401 = arith.constant 0 : i32
          %dma_wait3A_402 = tpu.memref_slice %run_scoped3A_23[%rem3A_395, %dma_wait3A_400, %dma_wait3A_401] : memref<2x8x128xf32, #tpu.memory_space<vmem>> -> memref<1x8x128xf32, #tpu.memory_space<vmem>>
          %dma_wait3A_403 = tpu.memref_squeeze %dma_wait3A_402 : memref<1x8x128xf32, #tpu.memory_space<vmem>> -> memref<8x128xf32, #tpu.memory_space<vmem>>
          %dma_wait3A_404 = tpu.memref_slice %arg6[%mul3A_397, %mul3A_399] : memref<2816x2048xf32, #tpu.memory_space<hbm>> -> memref<8x128xf32, #tpu.memory_space<hbm>>
          %dma_wait3A_405 = tpu.memref_slice %run_scoped3A_24[%rem3A_395] : memref<2x!tpu.dma_semaphore, #tpu.memory_space<semaphore_mem>> -> memref<1x!tpu.dma_semaphore, #tpu.memory_space<semaphore_mem>>
          %dma_wait3A_406 = tpu.memref_squeeze %dma_wait3A_405 : memref<1x!tpu.dma_semaphore, #tpu.memory_space<semaphore_mem>> -> memref<!tpu.dma_semaphore, #tpu.memory_space<semaphore_mem>>
          %dma_wait3A_407 = tpu.memref_slice %arg6[%mul3A_397, %mul3A_399] : memref<2816x2048xf32, #tpu.memory_space<hbm>> -> memref<8x128xf32, #tpu.memory_space<hbm>>
          %dma_wait3A_408 = arith.constant 0 : i32
          %dma_wait3A_409 = arith.constant 0 : i32
          %dma_wait3A_410 = tpu.memref_slice %run_scoped3A_23[%rem3A_395, %dma_wait3A_408, %dma_wait3A_409] : memref<2x8x128xf32, #tpu.memory_space<vmem>> -> memref<1x8x128xf32, #tpu.memory_space<vmem>>
          %dma_wait3A_411 = tpu.memref_squeeze %dma_wait3A_410 : memref<1x8x128xf32, #tpu.memory_space<vmem>> -> memref<8x128xf32, #tpu.memory_space<vmem>>
          tpu.wait_dma2 semaphore(%dma_wait3A_406 : memref<!tpu.dma_semaphore, #tpu.memory_space<semaphore_mem>>) src(%dma_wait3A_411 : memref<8x128xf32, #tpu.memory_space<vmem>>) dst(%dma_wait3A_407 : memref<8x128xf32, #tpu.memory_space<hbm>>)
          "tpu.trace_stop"() : () -> ()
        } else {
        }
        %and3A_365 = arith.constant true
        %and3A_366 = arith.andi %and3A_361, %and3A_365 : i1
        %add3A_367 = arith.constant 1 : i32
        %add3A_368 = arith.addi %scan3A_204, %add3A_367 : i32
        %select_n3A_369 = arith.select %and3A_366, %add3A_368, %scan3A_204 : i32
        %ne3A_370 = arith.cmpi ne, %add3A_211, %add3A_247 : i32
        %ne3A_371 = arith.cmpi ne, %add3A_213, %add3A_249 : i32
        %or3A_372 = arith.constant false
        %or3A_373 = arith.ori %or3A_372, %ne3A_370 : i1
        %or3A_374 = arith.ori %or3A_373, %ne3A_371 : i1
        %or3A_375 = arith.ori %or3A_374, %eq3A_210 : i1
        %add3A_376 = arith.constant 1 : i32
        %add3A_377 = arith.addi %scan3A_202, %add3A_376 : i32
        %select_n3A_378 = arith.select %or3A_375, %add3A_377, %scan3A_202 : i32
        %add3A_379 = arith.constant 1 : i32
        %add3A_380 = arith.addi %scan3A_206, %add3A_379 : i32
        %select_n3A_381 = arith.constant true
        %select_n3A_382 = arith.select %select_n3A_381, %add3A_380, %scan3A_206 : i32
        %eq3A_383 = arith.constant 16 : i32
        %eq3A_384 = arith.cmpi eq, %select_n3A_382, %eq3A_383 : i32
        %select_n3A_385 = arith.constant 0 : i32
        %select_n3A_386 = arith.select %eq3A_384, %select_n3A_385, %select_n3A_382 : i32
        %add3A_387 = arith.constant 1 : i32
        %add3A_388 = arith.addi %scan3A_205, %add3A_387 : i32
        %select_n3A_389 = arith.select %eq3A_384, %add3A_388, %scan3A_205 : i32
        %eq3A_390 = arith.constant 11 : i32
        %eq3A_391 = arith.cmpi eq, %select_n3A_389, %eq3A_390 : i32
        %select_n3A_392 = arith.constant 0 : i32
        %select_n3A_393 = arith.select %eq3A_391, %select_n3A_392, %select_n3A_389 : i32
        scf.yield %select_n3A_278, %select_n3A_378, %select_n3A_340, %select_n3A_369, %select_n3A_393, %select_n3A_386 : i32, i32, i32, i32, i32, i32
      }
      %scan3A_111 = arith.constant 176 : i32
      %sub3A = arith.constant 1 : i32
      %sub3A_112 = arith.subi %scan3A_110#5, %sub3A : i32
      %select_n3A_113 = arith.constant true
      %select_n3A_114 = arith.select %select_n3A_113, %sub3A_112, %scan3A_110#5 : i32
      %eq3A_115 = arith.constant -1 : i32
      %eq3A_116 = arith.cmpi eq, %select_n3A_114, %eq3A_115 : i32
      %select_n3A_117 = arith.constant 15 : i32
      %select_n3A_118 = arith.select %eq3A_116, %select_n3A_117, %select_n3A_114 : i32
      %sub3A_119 = arith.constant 1 : i32
      %sub3A_120 = arith.subi %scan3A_110#4, %sub3A_119 : i32
      %select_n3A_121 = arith.select %eq3A_116, %sub3A_120, %scan3A_110#4 : i32
      %eq3A_122 = arith.constant -1 : i32
      %eq3A_123 = arith.cmpi eq, %select_n3A_121, %eq3A_122 : i32
      %select_n3A_124 = arith.constant 10 : i32
      %select_n3A_125 = arith.select %eq3A_123, %select_n3A_124, %select_n3A_121 : i32
      %add3A_126 = arith.addi %select_n3A_125, %mul3A_21 : i32
      %add3A_127 = arith.constant 0 : i32
      %add3A_128 = arith.addi %select_n3A_118, %add3A_127 : i32
      %sub3A_129 = arith.constant 1 : i32
      %sub3A_130 = arith.subi %select_n3A_118, %sub3A_129 : i32
      %select_n3A_131 = arith.constant true
      %select_n3A_132 = arith.select %select_n3A_131, %sub3A_130, %select_n3A_118 : i32
      %eq3A_133 = arith.constant -1 : i32
      %eq3A_134 = arith.cmpi eq, %select_n3A_132, %eq3A_133 : i32
      %select_n3A_135 = arith.constant 15 : i32
      %select_n3A_136 = arith.select %eq3A_134, %select_n3A_135, %select_n3A_132 : i32
      %sub3A_137 = arith.constant 1 : i32
      %sub3A_138 = arith.subi %select_n3A_125, %sub3A_137 : i32
      %select_n3A_139 = arith.select %eq3A_134, %sub3A_138, %select_n3A_125 : i32
      %eq3A_140 = arith.constant -1 : i32
      %eq3A_141 = arith.cmpi eq, %select_n3A_139, %eq3A_140 : i32
      %select_n3A_142 = arith.constant 10 : i32
      %select_n3A_143 = arith.select %eq3A_141, %select_n3A_142, %select_n3A_139 : i32
      %add3A_144 = arith.addi %select_n3A_143, %mul3A_21 : i32
      %add3A_145 = arith.constant 0 : i32
      %add3A_146 = arith.addi %select_n3A_136, %add3A_145 : i32
      %add3A_147 = arith.constant 1 : i32
      %add3A_148 = arith.addi %select_n3A_118, %add3A_147 : i32
      %select_n3A_149 = arith.constant true
      %select_n3A_150 = arith.select %select_n3A_149, %add3A_148, %select_n3A_118 : i32
      %eq3A_151 = arith.constant 16 : i32
      %eq3A_152 = arith.cmpi eq, %select_n3A_150, %eq3A_151 : i32
      %select_n3A_153 = arith.constant 0 : i32
      %select_n3A_154 = arith.select %eq3A_152, %select_n3A_153, %select_n3A_150 : i32
      %add3A_155 = arith.constant 1 : i32
      %add3A_156 = arith.addi %select_n3A_125, %add3A_155 : i32
      %select_n3A_157 = arith.select %eq3A_152, %add3A_156, %select_n3A_125 : i32
      %eq3A_158 = arith.constant 11 : i32
      %eq3A_159 = arith.cmpi eq, %select_n3A_157, %eq3A_158 : i32
      %select_n3A_160 = arith.constant 0 : i32
      %select_n3A_161 = arith.select %eq3A_159, %select_n3A_160, %select_n3A_157 : i32
      %add3A_162 = arith.addi %select_n3A_161, %mul3A_21 : i32
      %add3A_163 = arith.constant 0 : i32
      %add3A_164 = arith.addi %select_n3A_154, %add3A_163 : i32
      %add3A_165 = arith.constant 1 : i32
      %add3A_166 = arith.addi %select_n3A_154, %add3A_165 : i32
      %select_n3A_167 = arith.constant true
      %select_n3A_168 = arith.select %select_n3A_167, %add3A_166, %select_n3A_154 : i32
      %eq3A_169 = arith.constant 16 : i32
      %eq3A_170 = arith.cmpi eq, %select_n3A_168, %eq3A_169 : i32
      %select_n3A_171 = arith.constant 0 : i32
      %select_n3A_172 = arith.select %eq3A_170, %select_n3A_171, %select_n3A_168 : i32
      %add3A_173 = arith.constant 1 : i32
      %add3A_174 = arith.addi %select_n3A_161, %add3A_173 : i32
      %select_n3A_175 = arith.select %eq3A_170, %add3A_174, %select_n3A_161 : i32
      %eq3A_176 = arith.constant 11 : i32
      %eq3A_177 = arith.cmpi eq, %select_n3A_175, %eq3A_176 : i32
      %select_n3A_178 = arith.constant 0 : i32
      %select_n3A_179 = arith.select %eq3A_177, %select_n3A_178, %select_n3A_175 : i32
      %add3A_180 = arith.addi %select_n3A_179, %mul3A_21 : i32
      %add3A_181 = arith.constant 0 : i32
      %add3A_182 = arith.addi %select_n3A_172, %add3A_181 : i32
      "tpu.trace_start"() <{level = 10 : i32, message = "ep_finalize"}> : () -> ()
      %rem3A_183 = arith.constant 2 : i32
      %rem3A_184 = arith.remui %scan3A_110#3, %rem3A_183 : i32
      %mul3A_185 = arith.constant 8 : i32
      %mul3A_186 = arith.muli %mul3A_185, %add3A_126 : i32
      %mul3A_187 = arith.constant 128 : i32
      %mul3A_188 = arith.muli %mul3A_187, %add3A_128 : i32
      %dma_wait3A = arith.constant 0 : i32
      %dma_wait3A_189 = arith.constant 0 : i32
      %dma_wait3A_190 = tpu.memref_slice %run_scoped3A_23[%rem3A_184, %dma_wait3A, %dma_wait3A_189] : memref<2x8x128xf32, #tpu.memory_space<vmem>> -> memref<1x8x128xf32, #tpu.memory_space<vmem>>
      %dma_wait3A_191 = tpu.memref_squeeze %dma_wait3A_190 : memref<1x8x128xf32, #tpu.memory_space<vmem>> -> memref<8x128xf32, #tpu.memory_space<vmem>>
      %dma_wait3A_192 = tpu.memref_slice %arg6[%mul3A_186, %mul3A_188] : memref<2816x2048xf32, #tpu.memory_space<hbm>> -> memref<8x128xf32, #tpu.memory_space<hbm>>
      %dma_wait3A_193 = tpu.memref_slice %run_scoped3A_24[%rem3A_184] : memref<2x!tpu.dma_semaphore, #tpu.memory_space<semaphore_mem>> -> memref<1x!tpu.dma_semaphore, #tpu.memory_space<semaphore_mem>>
      %dma_wait3A_194 = tpu.memref_squeeze %dma_wait3A_193 : memref<1x!tpu.dma_semaphore, #tpu.memory_space<semaphore_mem>> -> memref<!tpu.dma_semaphore, #tpu.memory_space<semaphore_mem>>
      %dma_wait3A_195 = tpu.memref_slice %arg6[%mul3A_186, %mul3A_188] : memref<2816x2048xf32, #tpu.memory_space<hbm>> -> memref<8x128xf32, #tpu.memory_space<hbm>>
      %dma_wait3A_196 = arith.constant 0 : i32
      %dma_wait3A_197 = arith.constant 0 : i32
      %dma_wait3A_198 = tpu.memref_slice %run_scoped3A_23[%rem3A_184, %dma_wait3A_196, %dma_wait3A_197] : memref<2x8x128xf32, #tpu.memory_space<vmem>> -> memref<1x8x128xf32, #tpu.memory_space<vmem>>
      %dma_wait3A_199 = tpu.memref_squeeze %dma_wait3A_198 : memref<1x8x128xf32, #tpu.memory_space<vmem>> -> memref<8x128xf32, #tpu.memory_space<vmem>>
      tpu.wait_dma2 semaphore(%dma_wait3A_194 : memref<!tpu.dma_semaphore, #tpu.memory_space<semaphore_mem>>) src(%dma_wait3A_199 : memref<8x128xf32, #tpu.memory_space<vmem>>) dst(%dma_wait3A_195 : memref<8x128xf32, #tpu.memory_space<hbm>>)
      "tpu.trace_stop"() : () -> ()
      tpu.yield
    }) : () -> ()
    return
  }
}

module attributes {stable_mosaic.version = 14 : i64} {
  func.func @_body(%arg0: i32, %arg1: memref<2xf32, #tpu.memory_space<smem>>, %arg2: memref<2xi32, #tpu.memory_space<smem>>, %arg3: memref<256x2048xf32, #tpu.memory_space<vmem>>, %arg4: memref<8x128xi32, #tpu.memory_space<vmem>>, %arg5: memref<8x128xi32, #tpu.memory_space<vmem>>, %arg6: memref<256x2048xf32, #tpu.memory_space<vmem>>) attributes {dimension_semantics = [#tpu.dimension_semantics<parallel>], iteration_bounds = array<i64: 53>, scalar_prefetch = 0 : i64, scratch_operands = 0 : i64, tpu.core_type = #tpu.core_type<tc>, window_params = [{transform_indices = @transform_0, window_bounds = array<i64: 2>}, {transform_indices = @transform_1, window_bounds = array<i64: 2>}, {transform_indices = @transform_2, window_bounds = array<i64: 256, 2048>}, {pipeline_mode = #tpu.pipeline_mode<synchronous>, transform_indices = @transform_3, window_bounds = array<i64: 8, 128>}, {pipeline_mode = #tpu.pipeline_mode<synchronous>, transform_indices = @transform_4, window_bounds = array<i64: 8, 128>}, {transform_indices = @transform_5, window_bounds = array<i64: 256, 2048>}]} {
    %get3A = arith.constant 0 : index
    %get3A_0 = memref.load %arg1[%get3A] : memref<2xf32, #tpu.memory_space<smem>>
    %get3A_1 = arith.constant 1 : index
    %get3A_2 = memref.load %arg1[%get3A_1] : memref<2xf32, #tpu.memory_space<smem>>
    %get3A_3 = arith.constant 0 : index
    %get3A_4 = memref.load %arg2[%get3A_3] : memref<2xi32, #tpu.memory_space<smem>>
    %get3A_5 = arith.constant 1 : index
    %get3A_6 = memref.load %arg2[%get3A_5] : memref<2xi32, #tpu.memory_space<smem>>
    %get3A_7 = arith.constant 0 : index
    %get3A_8 = arith.constant 0 : index
    %get3A_9 = vector.load %arg4[%get3A_7, %get3A_8] : memref<8x128xi32, #tpu.memory_space<vmem>>, vector<8x128xi32>
    %get3A_10 = arith.constant 0 : index
    %get3A_11 = arith.constant 0 : index
    %get3A_12 = vector.load %arg5[%get3A_10, %get3A_11] : memref<8x128xi32, #tpu.memory_space<vmem>>, vector<8x128xi32>
    %get3A_13 = arith.constant 0 : index
    %get3A_14 = arith.constant 0 : index
    %get3A_15 = vector.load %arg3[%get3A_13, %get3A_14] : memref<256x2048xf32, #tpu.memory_space<vmem>>, vector<8x2048xf32>
    %mul3A = vector.broadcast %get3A_0 : f32 to vector<8x2048xf32>
    %mul3A_16 = arith.mulf %get3A_15, %mul3A : vector<8x2048xf32>
    %floor3A = math.floor %mul3A_16 : vector<8x2048xf32>
    %jit3A = arith.constant -3.276800e+04 : f32
    %jit3A_17 = arith.constant 3.276700e+04 : f32
    %max3A = vector.broadcast %jit3A : f32 to vector<8x2048xf32>
    %max3A_18 = arith.maximumf %max3A, %floor3A : vector<8x2048xf32>
    %min3A = vector.broadcast %jit3A_17 : f32 to vector<8x2048xf32>
    %min3A_19 = arith.minimumf %min3A, %max3A_18 : vector<8x2048xf32>
    %convert_element_type3A = arith.fptosi %min3A_19 : vector<8x2048xf32> to vector<8x2048xi32>
    %shift_right_arithmetic3A = arith.constant 8 : i32
    %shift_right_arithmetic3A_20 = vector.broadcast %shift_right_arithmetic3A : i32 to vector<8x2048xi32>
    %shift_right_arithmetic3A_21 = arith.shrsi %convert_element_type3A, %shift_right_arithmetic3A_20 : vector<8x2048xi32>
    %and3A = arith.constant 127 : i32
    %and3A_22 = vector.broadcast %and3A : i32 to vector<8x2048xi32>
    %and3A_23 = arith.andi %shift_right_arithmetic3A_21, %and3A_22 : vector<8x2048xi32>
    %ge3A = arith.constant 0 : i32
    %ge3A_24 = vector.broadcast %ge3A : i32 to vector<8x2048xi32>
    %ge3A_25 = arith.cmpi sge, %convert_element_type3A, %ge3A_24 : vector<8x2048xi32>
    %and3A_26 = arith.constant 255 : i32
    %and3A_27 = vector.broadcast %and3A_26 : i32 to vector<8x2048xi32>
    %and3A_28 = arith.andi %convert_element_type3A, %and3A_27 : vector<8x2048xi32>
    %reshape3A = vector.shape_cast %and3A_23 : vector<8x2048xi32> to vector<8x2048x1xi32>
    %gather3A = vector.shape_cast %reshape3A : vector<8x2048x1xi32> to vector<8x2048xi32>
    %gather3A_29 = tpu.dynamic_gather %get3A_9[%gather3A] in [1] : vector<8x128xi32>, vector<8x2048xi32> -> vector<8x2048xi32>
    %reshape3A_30 = vector.shape_cast %and3A_23 : vector<8x2048xi32> to vector<8x2048x1xi32>
    %gather3A_31 = vector.shape_cast %reshape3A_30 : vector<8x2048x1xi32> to vector<8x2048xi32>
    %gather3A_32 = tpu.dynamic_gather %get3A_12[%gather3A_31] in [1] : vector<8x128xi32>, vector<8x2048xi32> -> vector<8x2048xi32>
    %select_n3A = arith.select %ge3A_25, %gather3A_32, %gather3A_29 : vector<8x2048xi1>, vector<8x2048xi32>
    %shift_left3A = arith.constant 16 : i32
    %shift_left3A_33 = vector.broadcast %shift_left3A : i32 to vector<8x2048xi32>
    %shift_left3A_34 = arith.shli %select_n3A, %shift_left3A_33 : vector<8x2048xi32>
    %shift_right_arithmetic3A_35 = arith.constant 16 : i32
    %shift_right_arithmetic3A_36 = vector.broadcast %shift_right_arithmetic3A_35 : i32 to vector<8x2048xi32>
    %shift_right_arithmetic3A_37 = arith.shrsi %shift_left3A_34, %shift_right_arithmetic3A_36 : vector<8x2048xi32>
    %mul3A_38 = arith.muli %and3A_28, %shift_right_arithmetic3A_37 : vector<8x2048xi32>
    %shift_right_arithmetic3A_39 = vector.broadcast %get3A_4 : i32 to vector<8x2048xi32>
    %shift_right_arithmetic3A_40 = arith.shrsi %mul3A_38, %shift_right_arithmetic3A_39 : vector<8x2048xi32>
    %shift_right_arithmetic3A_41 = arith.constant 16 : i32
    %shift_right_arithmetic3A_42 = vector.broadcast %shift_right_arithmetic3A_41 : i32 to vector<8x2048xi32>
    %shift_right_arithmetic3A_43 = arith.shrsi %select_n3A, %shift_right_arithmetic3A_42 : vector<8x2048xi32>
    %shift_left3A_44 = vector.broadcast %get3A_6 : i32 to vector<8x2048xi32>
    %shift_left3A_45 = arith.shli %shift_right_arithmetic3A_43, %shift_left3A_44 : vector<8x2048xi32>
    %add3A = arith.addi %shift_left3A_45, %shift_right_arithmetic3A_40 : vector<8x2048xi32>
    %convert_element_type3A_46 = arith.sitofp %add3A : vector<8x2048xi32> to vector<8x2048xf32>
    %mul3A_47 = vector.broadcast %get3A_2 : f32 to vector<8x2048xf32>
    %mul3A_48 = arith.mulf %convert_element_type3A_46, %mul3A_47 : vector<8x2048xf32>
    %swap3A = arith.constant 0 : index
    %swap3A_49 = arith.constant 0 : index
    %swap3A_50 = vector.load %arg6[%swap3A, %swap3A_49] : memref<256x2048xf32, #tpu.memory_space<vmem>>, vector<8x2048xf32>
    tpu.vector_store %arg6[%swap3A, %swap3A_49], %mul3A_48 {strides = array<i32>} : memref<256x2048xf32, #tpu.memory_space<vmem>>, vector<8x2048xf32>,
    %get3A_51 = arith.constant 8 : index
    %get3A_52 = arith.constant 0 : index
    %get3A_53 = vector.load %arg3[%get3A_51, %get3A_52] : memref<256x2048xf32, #tpu.memory_space<vmem>>, vector<8x2048xf32>
    %mul3A_54 = vector.broadcast %get3A_0 : f32 to vector<8x2048xf32>
    %mul3A_55 = arith.mulf %get3A_53, %mul3A_54 : vector<8x2048xf32>
    %floor3A_56 = math.floor %mul3A_55 : vector<8x2048xf32>
    %jit3A_57 = arith.constant -3.276800e+04 : f32
    %jit3A_58 = arith.constant 3.276700e+04 : f32
    %max3A_59 = vector.broadcast %jit3A_57 : f32 to vector<8x2048xf32>
    %max3A_60 = arith.maximumf %max3A_59, %floor3A_56 : vector<8x2048xf32>
    %min3A_61 = vector.broadcast %jit3A_58 : f32 to vector<8x2048xf32>
    %min3A_62 = arith.minimumf %min3A_61, %max3A_60 : vector<8x2048xf32>
    %convert_element_type3A_63 = arith.fptosi %min3A_62 : vector<8x2048xf32> to vector<8x2048xi32>
    %shift_right_arithmetic3A_64 = arith.constant 8 : i32
    %shift_right_arithmetic3A_65 = vector.broadcast %shift_right_arithmetic3A_64 : i32 to vector<8x2048xi32>
    %shift_right_arithmetic3A_66 = arith.shrsi %convert_element_type3A_63, %shift_right_arithmetic3A_65 : vector<8x2048xi32>
    %and3A_67 = arith.constant 127 : i32
    %and3A_68 = vector.broadcast %and3A_67 : i32 to vector<8x2048xi32>
    %and3A_69 = arith.andi %shift_right_arithmetic3A_66, %and3A_68 : vector<8x2048xi32>
    %ge3A_70 = arith.constant 0 : i32
    %ge3A_71 = vector.broadcast %ge3A_70 : i32 to vector<8x2048xi32>
    %ge3A_72 = arith.cmpi sge, %convert_element_type3A_63, %ge3A_71 : vector<8x2048xi32>
    %and3A_73 = arith.constant 255 : i32
    %and3A_74 = vector.broadcast %and3A_73 : i32 to vector<8x2048xi32>
    %and3A_75 = arith.andi %convert_element_type3A_63, %and3A_74 : vector<8x2048xi32>
    %reshape3A_76 = vector.shape_cast %and3A_69 : vector<8x2048xi32> to vector<8x2048x1xi32>
    %gather3A_77 = vector.shape_cast %reshape3A_76 : vector<8x2048x1xi32> to vector<8x2048xi32>
    %gather3A_78 = tpu.dynamic_gather %get3A_9[%gather3A_77] in [1] : vector<8x128xi32>, vector<8x2048xi32> -> vector<8x2048xi32>
    %reshape3A_79 = vector.shape_cast %and3A_69 : vector<8x2048xi32> to vector<8x2048x1xi32>
    %gather3A_80 = vector.shape_cast %reshape3A_79 : vector<8x2048x1xi32> to vector<8x2048xi32>
    %gather3A_81 = tpu.dynamic_gather %get3A_12[%gather3A_80] in [1] : vector<8x128xi32>, vector<8x2048xi32> -> vector<8x2048xi32>
    %select_n3A_82 = arith.select %ge3A_72, %gather3A_81, %gather3A_78 : vector<8x2048xi1>, vector<8x2048xi32>
    %shift_left3A_83 = arith.constant 16 : i32
    %shift_left3A_84 = vector.broadcast %shift_left3A_83 : i32 to vector<8x2048xi32>
    %shift_left3A_85 = arith.shli %select_n3A_82, %shift_left3A_84 : vector<8x2048xi32>
    %shift_right_arithmetic3A_86 = arith.constant 16 : i32
    %shift_right_arithmetic3A_87 = vector.broadcast %shift_right_arithmetic3A_86 : i32 to vector<8x2048xi32>
    %shift_right_arithmetic3A_88 = arith.shrsi %shift_left3A_85, %shift_right_arithmetic3A_87 : vector<8x2048xi32>
    %mul3A_89 = arith.muli %and3A_75, %shift_right_arithmetic3A_88 : vector<8x2048xi32>
    %shift_right_arithmetic3A_90 = vector.broadcast %get3A_4 : i32 to vector<8x2048xi32>
    %shift_right_arithmetic3A_91 = arith.shrsi %mul3A_89, %shift_right_arithmetic3A_90 : vector<8x2048xi32>
    %shift_right_arithmetic3A_92 = arith.constant 16 : i32
    %shift_right_arithmetic3A_93 = vector.broadcast %shift_right_arithmetic3A_92 : i32 to vector<8x2048xi32>
    %shift_right_arithmetic3A_94 = arith.shrsi %select_n3A_82, %shift_right_arithmetic3A_93 : vector<8x2048xi32>
    %shift_left3A_95 = vector.broadcast %get3A_6 : i32 to vector<8x2048xi32>
    %shift_left3A_96 = arith.shli %shift_right_arithmetic3A_94, %shift_left3A_95 : vector<8x2048xi32>
    %add3A_97 = arith.addi %shift_left3A_96, %shift_right_arithmetic3A_91 : vector<8x2048xi32>
    %convert_element_type3A_98 = arith.sitofp %add3A_97 : vector<8x2048xi32> to vector<8x2048xf32>
    %mul3A_99 = vector.broadcast %get3A_2 : f32 to vector<8x2048xf32>
    %mul3A_100 = arith.mulf %convert_element_type3A_98, %mul3A_99 : vector<8x2048xf32>
    %swap3A_101 = arith.constant 8 : index
    %swap3A_102 = arith.constant 0 : index
    %swap3A_103 = vector.load %arg6[%swap3A_101, %swap3A_102] : memref<256x2048xf32, #tpu.memory_space<vmem>>, vector<8x2048xf32>
    tpu.vector_store %arg6[%swap3A_101, %swap3A_102], %mul3A_100 {strides = array<i32>} : memref<256x2048xf32, #tpu.memory_space<vmem>>, vector<8x2048xf32>,
    %get3A_104 = arith.constant 16 : index
    %get3A_105 = arith.constant 0 : index
    %get3A_106 = vector.load %arg3[%get3A_104, %get3A_105] : memref<256x2048xf32, #tpu.memory_space<vmem>>, vector<8x2048xf32>
    %mul3A_107 = vector.broadcast %get3A_0 : f32 to vector<8x2048xf32>
    %mul3A_108 = arith.mulf %get3A_106, %mul3A_107 : vector<8x2048xf32>
    %floor3A_109 = math.floor %mul3A_108 : vector<8x2048xf32>
    %jit3A_110 = arith.constant -3.276800e+04 : f32
    %jit3A_111 = arith.constant 3.276700e+04 : f32
    %max3A_112 = vector.broadcast %jit3A_110 : f32 to vector<8x2048xf32>
    %max3A_113 = arith.maximumf %max3A_112, %floor3A_109 : vector<8x2048xf32>
    %min3A_114 = vector.broadcast %jit3A_111 : f32 to vector<8x2048xf32>
    %min3A_115 = arith.minimumf %min3A_114, %max3A_113 : vector<8x2048xf32>
    %convert_element_type3A_116 = arith.fptosi %min3A_115 : vector<8x2048xf32> to vector<8x2048xi32>
    %shift_right_arithmetic3A_117 = arith.constant 8 : i32
    %shift_right_arithmetic3A_118 = vector.broadcast %shift_right_arithmetic3A_117 : i32 to vector<8x2048xi32>
    %shift_right_arithmetic3A_119 = arith.shrsi %convert_element_type3A_116, %shift_right_arithmetic3A_118 : vector<8x2048xi32>
    %and3A_120 = arith.constant 127 : i32
    %and3A_121 = vector.broadcast %and3A_120 : i32 to vector<8x2048xi32>
    %and3A_122 = arith.andi %shift_right_arithmetic3A_119, %and3A_121 : vector<8x2048xi32>
    %ge3A_123 = arith.constant 0 : i32
    %ge3A_124 = vector.broadcast %ge3A_123 : i32 to vector<8x2048xi32>
    %ge3A_125 = arith.cmpi sge, %convert_element_type3A_116, %ge3A_124 : vector<8x2048xi32>
    %and3A_126 = arith.constant 255 : i32
    %and3A_127 = vector.broadcast %and3A_126 : i32 to vector<8x2048xi32>
    %and3A_128 = arith.andi %convert_element_type3A_116, %and3A_127 : vector<8x2048xi32>
    %reshape3A_129 = vector.shape_cast %and3A_122 : vector<8x2048xi32> to vector<8x2048x1xi32>
    %gather3A_130 = vector.shape_cast %reshape3A_129 : vector<8x2048x1xi32> to vector<8x2048xi32>
    %gather3A_131 = tpu.dynamic_gather %get3A_9[%gather3A_130] in [1] : vector<8x128xi32>, vector<8x2048xi32> -> vector<8x2048xi32>
    %reshape3A_132 = vector.shape_cast %and3A_122 : vector<8x2048xi32> to vector<8x2048x1xi32>
    %gather3A_133 = vector.shape_cast %reshape3A_132 : vector<8x2048x1xi32> to vector<8x2048xi32>
    %gather3A_134 = tpu.dynamic_gather %get3A_12[%gather3A_133] in [1] : vector<8x128xi32>, vector<8x2048xi32> -> vector<8x2048xi32>
    %select_n3A_135 = arith.select %ge3A_125, %gather3A_134, %gather3A_131 : vector<8x2048xi1>, vector<8x2048xi32>
    %shift_left3A_136 = arith.constant 16 : i32
    %shift_left3A_137 = vector.broadcast %shift_left3A_136 : i32 to vector<8x2048xi32>
    %shift_left3A_138 = arith.shli %select_n3A_135, %shift_left3A_137 : vector<8x2048xi32>
    %shift_right_arithmetic3A_139 = arith.constant 16 : i32
    %shift_right_arithmetic3A_140 = vector.broadcast %shift_right_arithmetic3A_139 : i32 to vector<8x2048xi32>
    %shift_right_arithmetic3A_141 = arith.shrsi %shift_left3A_138, %shift_right_arithmetic3A_140 : vector<8x2048xi32>
    %mul3A_142 = arith.muli %and3A_128, %shift_right_arithmetic3A_141 : vector<8x2048xi32>
    %shift_right_arithmetic3A_143 = vector.broadcast %get3A_4 : i32 to vector<8x2048xi32>
    %shift_right_arithmetic3A_144 = arith.shrsi %mul3A_142, %shift_right_arithmetic3A_143 : vector<8x2048xi32>
    %shift_right_arithmetic3A_145 = arith.constant 16 : i32
    %shift_right_arithmetic3A_146 = vector.broadcast %shift_right_arithmetic3A_145 : i32 to vector<8x2048xi32>
    %shift_right_arithmetic3A_147 = arith.shrsi %select_n3A_135, %shift_right_arithmetic3A_146 : vector<8x2048xi32>
    %shift_left3A_148 = vector.broadcast %get3A_6 : i32 to vector<8x2048xi32>
    %shift_left3A_149 = arith.shli %shift_right_arithmetic3A_147, %shift_left3A_148 : vector<8x2048xi32>
    %add3A_150 = arith.addi %shift_left3A_149, %shift_right_arithmetic3A_144 : vector<8x2048xi32>
    %convert_element_type3A_151 = arith.sitofp %add3A_150 : vector<8x2048xi32> to vector<8x2048xf32>
    %mul3A_152 = vector.broadcast %get3A_2 : f32 to vector<8x2048xf32>
    %mul3A_153 = arith.mulf %convert_element_type3A_151, %mul3A_152 : vector<8x2048xf32>
    %swap3A_154 = arith.constant 16 : index
    %swap3A_155 = arith.constant 0 : index
    %swap3A_156 = vector.load %arg6[%swap3A_154, %swap3A_155] : memref<256x2048xf32, #tpu.memory_space<vmem>>, vector<8x2048xf32>
    tpu.vector_store %arg6[%swap3A_154, %swap3A_155], %mul3A_153 {strides = array<i32>} : memref<256x2048xf32, #tpu.memory_space<vmem>>, vector<8x2048xf32>,
    %get3A_157 = arith.constant 24 : index
    %get3A_158 = arith.constant 0 : index
    %get3A_159 = vector.load %arg3[%get3A_157, %get3A_158] : memref<256x2048xf32, #tpu.memory_space<vmem>>, vector<8x2048xf32>
    %mul3A_160 = vector.broadcast %get3A_0 : f32 to vector<8x2048xf32>
    %mul3A_161 = arith.mulf %get3A_159, %mul3A_160 : vector<8x2048xf32>
    %floor3A_162 = math.floor %mul3A_161 : vector<8x2048xf32>
    %jit3A_163 = arith.constant -3.276800e+04 : f32
    %jit3A_164 = arith.constant 3.276700e+04 : f32
    %max3A_165 = vector.broadcast %jit3A_163 : f32 to vector<8x2048xf32>
    %max3A_166 = arith.maximumf %max3A_165, %floor3A_162 : vector<8x2048xf32>
    %min3A_167 = vector.broadcast %jit3A_164 : f32 to vector<8x2048xf32>
    %min3A_168 = arith.minimumf %min3A_167, %max3A_166 : vector<8x2048xf32>
    %convert_element_type3A_169 = arith.fptosi %min3A_168 : vector<8x2048xf32> to vector<8x2048xi32>
    %shift_right_arithmetic3A_170 = arith.constant 8 : i32
    %shift_right_arithmetic3A_171 = vector.broadcast %shift_right_arithmetic3A_170 : i32 to vector<8x2048xi32>
    %shift_right_arithmetic3A_172 = arith.shrsi %convert_element_type3A_169, %shift_right_arithmetic3A_171 : vector<8x2048xi32>
    %and3A_173 = arith.constant 127 : i32
    %and3A_174 = vector.broadcast %and3A_173 : i32 to vector<8x2048xi32>
    %and3A_175 = arith.andi %shift_right_arithmetic3A_172, %and3A_174 : vector<8x2048xi32>
    %ge3A_176 = arith.constant 0 : i32
    %ge3A_177 = vector.broadcast %ge3A_176 : i32 to vector<8x2048xi32>
    %ge3A_178 = arith.cmpi sge, %convert_element_type3A_169, %ge3A_177 : vector<8x2048xi32>
    %and3A_179 = arith.constant 255 : i32
    %and3A_180 = vector.broadcast %and3A_179 : i32 to vector<8x2048xi32>
    %and3A_181 = arith.andi %convert_element_type3A_169, %and3A_180 : vector<8x2048xi32>
    %reshape3A_182 = vector.shape_cast %and3A_175 : vector<8x2048xi32> to vector<8x2048x1xi32>
    %gather3A_183 = vector.shape_cast %reshape3A_182 : vector<8x2048x1xi32> to vector<8x2048xi32>
    %gather3A_184 = tpu.dynamic_gather %get3A_9[%gather3A_183] in [1] : vector<8x128xi32>, vector<8x2048xi32> -> vector<8x2048xi32>
    %reshape3A_185 = vector.shape_cast %and3A_175 : vector<8x2048xi32> to vector<8x2048x1xi32>
    %gather3A_186 = vector.shape_cast %reshape3A_185 : vector<8x2048x1xi32> to vector<8x2048xi32>
    %gather3A_187 = tpu.dynamic_gather %get3A_12[%gather3A_186] in [1] : vector<8x128xi32>, vector<8x2048xi32> -> vector<8x2048xi32>
    %select_n3A_188 = arith.select %ge3A_178, %gather3A_187, %gather3A_184 : vector<8x2048xi1>, vector<8x2048xi32>
    %shift_left3A_189 = arith.constant 16 : i32
    %shift_left3A_190 = vector.broadcast %shift_left3A_189 : i32 to vector<8x2048xi32>
    %shift_left3A_191 = arith.shli %select_n3A_188, %shift_left3A_190 : vector<8x2048xi32>
    %shift_right_arithmetic3A_192 = arith.constant 16 : i32
    %shift_right_arithmetic3A_193 = vector.broadcast %shift_right_arithmetic3A_192 : i32 to vector<8x2048xi32>
    %shift_right_arithmetic3A_194 = arith.shrsi %shift_left3A_191, %shift_right_arithmetic3A_193 : vector<8x2048xi32>
    %mul3A_195 = arith.muli %and3A_181, %shift_right_arithmetic3A_194 : vector<8x2048xi32>
    %shift_right_arithmetic3A_196 = vector.broadcast %get3A_4 : i32 to vector<8x2048xi32>
    %shift_right_arithmetic3A_197 = arith.shrsi %mul3A_195, %shift_right_arithmetic3A_196 : vector<8x2048xi32>
    %shift_right_arithmetic3A_198 = arith.constant 16 : i32
    %shift_right_arithmetic3A_199 = vector.broadcast %shift_right_arithmetic3A_198 : i32 to vector<8x2048xi32>
    %shift_right_arithmetic3A_200 = arith.shrsi %select_n3A_188, %shift_right_arithmetic3A_199 : vector<8x2048xi32>
    %shift_left3A_201 = vector.broadcast %get3A_6 : i32 to vector<8x2048xi32>
    %shift_left3A_202 = arith.shli %shift_right_arithmetic3A_200, %shift_left3A_201 : vector<8x2048xi32>
    %add3A_203 = arith.addi %shift_left3A_202, %shift_right_arithmetic3A_197 : vector<8x2048xi32>
    %convert_element_type3A_204 = arith.sitofp %add3A_203 : vector<8x2048xi32> to vector<8x2048xf32>
    %mul3A_205 = vector.broadcast %get3A_2 : f32 to vector<8x2048xf32>
    %mul3A_206 = arith.mulf %convert_element_type3A_204, %mul3A_205 : vector<8x2048xf32>
    %swap3A_207 = arith.constant 24 : index
    %swap3A_208 = arith.constant 0 : index
    %swap3A_209 = vector.load %arg6[%swap3A_207, %swap3A_208] : memref<256x2048xf32, #tpu.memory_space<vmem>>, vector<8x2048xf32>
    tpu.vector_store %arg6[%swap3A_207, %swap3A_208], %mul3A_206 {strides = array<i32>} : memref<256x2048xf32, #tpu.memory_space<vmem>>, vector<8x2048xf32>,
    %get3A_210 = arith.constant 32 : index
    %get3A_211 = arith.constant 0 : index
    %get3A_212 = vector.load %arg3[%get3A_210, %get3A_211] : memref<256x2048xf32, #tpu.memory_space<vmem>>, vector<8x2048xf32>
    %mul3A_213 = vector.broadcast %get3A_0 : f32 to vector<8x2048xf32>
    %mul3A_214 = arith.mulf %get3A_212, %mul3A_213 : vector<8x2048xf32>
    %floor3A_215 = math.floor %mul3A_214 : vector<8x2048xf32>
    %jit3A_216 = arith.constant -3.276800e+04 : f32
    %jit3A_217 = arith.constant 3.276700e+04 : f32
    %max3A_218 = vector.broadcast %jit3A_216 : f32 to vector<8x2048xf32>
    %max3A_219 = arith.maximumf %max3A_218, %floor3A_215 : vector<8x2048xf32>
    %min3A_220 = vector.broadcast %jit3A_217 : f32 to vector<8x2048xf32>
    %min3A_221 = arith.minimumf %min3A_220, %max3A_219 : vector<8x2048xf32>
    %convert_element_type3A_222 = arith.fptosi %min3A_221 : vector<8x2048xf32> to vector<8x2048xi32>
    %shift_right_arithmetic3A_223 = arith.constant 8 : i32
    %shift_right_arithmetic3A_224 = vector.broadcast %shift_right_arithmetic3A_223 : i32 to vector<8x2048xi32>
    %shift_right_arithmetic3A_225 = arith.shrsi %convert_element_type3A_222, %shift_right_arithmetic3A_224 : vector<8x2048xi32>
    %and3A_226 = arith.constant 127 : i32
    %and3A_227 = vector.broadcast %and3A_226 : i32 to vector<8x2048xi32>
    %and3A_228 = arith.andi %shift_right_arithmetic3A_225, %and3A_227 : vector<8x2048xi32>
    %ge3A_229 = arith.constant 0 : i32
    %ge3A_230 = vector.broadcast %ge3A_229 : i32 to vector<8x2048xi32>
    %ge3A_231 = arith.cmpi sge, %convert_element_type3A_222, %ge3A_230 : vector<8x2048xi32>
    %and3A_232 = arith.constant 255 : i32
    %and3A_233 = vector.broadcast %and3A_232 : i32 to vector<8x2048xi32>
    %and3A_234 = arith.andi %convert_element_type3A_222, %and3A_233 : vector<8x2048xi32>
    %reshape3A_235 = vector.shape_cast %and3A_228 : vector<8x2048xi32> to vector<8x2048x1xi32>
    %gather3A_236 = vector.shape_cast %reshape3A_235 : vector<8x2048x1xi32> to vector<8x2048xi32>
    %gather3A_237 = tpu.dynamic_gather %get3A_9[%gather3A_236] in [1] : vector<8x128xi32>, vector<8x2048xi32> -> vector<8x2048xi32>
    %reshape3A_238 = vector.shape_cast %and3A_228 : vector<8x2048xi32> to vector<8x2048x1xi32>
    %gather3A_239 = vector.shape_cast %reshape3A_238 : vector<8x2048x1xi32> to vector<8x2048xi32>
    %gather3A_240 = tpu.dynamic_gather %get3A_12[%gather3A_239] in [1] : vector<8x128xi32>, vector<8x2048xi32> -> vector<8x2048xi32>
    %select_n3A_241 = arith.select %ge3A_231, %gather3A_240, %gather3A_237 : vector<8x2048xi1>, vector<8x2048xi32>
    %shift_left3A_242 = arith.constant 16 : i32
    %shift_left3A_243 = vector.broadcast %shift_left3A_242 : i32 to vector<8x2048xi32>
    %shift_left3A_244 = arith.shli %select_n3A_241, %shift_left3A_243 : vector<8x2048xi32>
    %shift_right_arithmetic3A_245 = arith.constant 16 : i32
    %shift_right_arithmetic3A_246 = vector.broadcast %shift_right_arithmetic3A_245 : i32 to vector<8x2048xi32>
    %shift_right_arithmetic3A_247 = arith.shrsi %shift_left3A_244, %shift_right_arithmetic3A_246 : vector<8x2048xi32>
    %mul3A_248 = arith.muli %and3A_234, %shift_right_arithmetic3A_247 : vector<8x2048xi32>
    %shift_right_arithmetic3A_249 = vector.broadcast %get3A_4 : i32 to vector<8x2048xi32>
    %shift_right_arithmetic3A_250 = arith.shrsi %mul3A_248, %shift_right_arithmetic3A_249 : vector<8x2048xi32>
    %shift_right_arithmetic3A_251 = arith.constant 16 : i32
    %shift_right_arithmetic3A_252 = vector.broadcast %shift_right_arithmetic3A_251 : i32 to vector<8x2048xi32>
    %shift_right_arithmetic3A_253 = arith.shrsi %select_n3A_241, %shift_right_arithmetic3A_252 : vector<8x2048xi32>
    %shift_left3A_254 = vector.broadcast %get3A_6 : i32 to vector<8x2048xi32>
    %shift_left3A_255 = arith.shli %shift_right_arithmetic3A_253, %shift_left3A_254 : vector<8x2048xi32>
    %add3A_256 = arith.addi %shift_left3A_255, %shift_right_arithmetic3A_250 : vector<8x2048xi32>
    %convert_element_type3A_257 = arith.sitofp %add3A_256 : vector<8x2048xi32> to vector<8x2048xf32>
    %mul3A_258 = vector.broadcast %get3A_2 : f32 to vector<8x2048xf32>
    %mul3A_259 = arith.mulf %convert_element_type3A_257, %mul3A_258 : vector<8x2048xf32>
    %swap3A_260 = arith.constant 32 : index
    %swap3A_261 = arith.constant 0 : index
    %swap3A_262 = vector.load %arg6[%swap3A_260, %swap3A_261] : memref<256x2048xf32, #tpu.memory_space<vmem>>, vector<8x2048xf32>
    tpu.vector_store %arg6[%swap3A_260, %swap3A_261], %mul3A_259 {strides = array<i32>} : memref<256x2048xf32, #tpu.memory_space<vmem>>, vector<8x2048xf32>,
    %get3A_263 = arith.constant 40 : index
    %get3A_264 = arith.constant 0 : index
    %get3A_265 = vector.load %arg3[%get3A_263, %get3A_264] : memref<256x2048xf32, #tpu.memory_space<vmem>>, vector<8x2048xf32>
    %mul3A_266 = vector.broadcast %get3A_0 : f32 to vector<8x2048xf32>
    %mul3A_267 = arith.mulf %get3A_265, %mul3A_266 : vector<8x2048xf32>
    %floor3A_268 = math.floor %mul3A_267 : vector<8x2048xf32>
    %jit3A_269 = arith.constant -3.276800e+04 : f32
    %jit3A_270 = arith.constant 3.276700e+04 : f32
    %max3A_271 = vector.broadcast %jit3A_269 : f32 to vector<8x2048xf32>
    %max3A_272 = arith.maximumf %max3A_271, %floor3A_268 : vector<8x2048xf32>
    %min3A_273 = vector.broadcast %jit3A_270 : f32 to vector<8x2048xf32>
    %min3A_274 = arith.minimumf %min3A_273, %max3A_272 : vector<8x2048xf32>
    %convert_element_type3A_275 = arith.fptosi %min3A_274 : vector<8x2048xf32> to vector<8x2048xi32>
    %shift_right_arithmetic3A_276 = arith.constant 8 : i32
    %shift_right_arithmetic3A_277 = vector.broadcast %shift_right_arithmetic3A_276 : i32 to vector<8x2048xi32>
    %shift_right_arithmetic3A_278 = arith.shrsi %convert_element_type3A_275, %shift_right_arithmetic3A_277 : vector<8x2048xi32>
    %and3A_279 = arith.constant 127 : i32
    %and3A_280 = vector.broadcast %and3A_279 : i32 to vector<8x2048xi32>
    %and3A_281 = arith.andi %shift_right_arithmetic3A_278, %and3A_280 : vector<8x2048xi32>
    %ge3A_282 = arith.constant 0 : i32
    %ge3A_283 = vector.broadcast %ge3A_282 : i32 to vector<8x2048xi32>
    %ge3A_284 = arith.cmpi sge, %convert_element_type3A_275, %ge3A_283 : vector<8x2048xi32>
    %and3A_285 = arith.constant 255 : i32
    %and3A_286 = vector.broadcast %and3A_285 : i32 to vector<8x2048xi32>
    %and3A_287 = arith.andi %convert_element_type3A_275, %and3A_286 : vector<8x2048xi32>
    %reshape3A_288 = vector.shape_cast %and3A_281 : vector<8x2048xi32> to vector<8x2048x1xi32>
    %gather3A_289 = vector.shape_cast %reshape3A_288 : vector<8x2048x1xi32> to vector<8x2048xi32>
    %gather3A_290 = tpu.dynamic_gather %get3A_9[%gather3A_289] in [1] : vector<8x128xi32>, vector<8x2048xi32> -> vector<8x2048xi32>
    %reshape3A_291 = vector.shape_cast %and3A_281 : vector<8x2048xi32> to vector<8x2048x1xi32>
    %gather3A_292 = vector.shape_cast %reshape3A_291 : vector<8x2048x1xi32> to vector<8x2048xi32>
    %gather3A_293 = tpu.dynamic_gather %get3A_12[%gather3A_292] in [1] : vector<8x128xi32>, vector<8x2048xi32> -> vector<8x2048xi32>
    %select_n3A_294 = arith.select %ge3A_284, %gather3A_293, %gather3A_290 : vector<8x2048xi1>, vector<8x2048xi32>
    %shift_left3A_295 = arith.constant 16 : i32
    %shift_left3A_296 = vector.broadcast %shift_left3A_295 : i32 to vector<8x2048xi32>
    %shift_left3A_297 = arith.shli %select_n3A_294, %shift_left3A_296 : vector<8x2048xi32>
    %shift_right_arithmetic3A_298 = arith.constant 16 : i32
    %shift_right_arithmetic3A_299 = vector.broadcast %shift_right_arithmetic3A_298 : i32 to vector<8x2048xi32>
    %shift_right_arithmetic3A_300 = arith.shrsi %shift_left3A_297, %shift_right_arithmetic3A_299 : vector<8x2048xi32>
    %mul3A_301 = arith.muli %and3A_287, %shift_right_arithmetic3A_300 : vector<8x2048xi32>
    %shift_right_arithmetic3A_302 = vector.broadcast %get3A_4 : i32 to vector<8x2048xi32>
    %shift_right_arithmetic3A_303 = arith.shrsi %mul3A_301, %shift_right_arithmetic3A_302 : vector<8x2048xi32>
    %shift_right_arithmetic3A_304 = arith.constant 16 : i32
    %shift_right_arithmetic3A_305 = vector.broadcast %shift_right_arithmetic3A_304 : i32 to vector<8x2048xi32>
    %shift_right_arithmetic3A_306 = arith.shrsi %select_n3A_294, %shift_right_arithmetic3A_305 : vector<8x2048xi32>
    %shift_left3A_307 = vector.broadcast %get3A_6 : i32 to vector<8x2048xi32>
    %shift_left3A_308 = arith.shli %shift_right_arithmetic3A_306, %shift_left3A_307 : vector<8x2048xi32>
    %add3A_309 = arith.addi %shift_left3A_308, %shift_right_arithmetic3A_303 : vector<8x2048xi32>
    %convert_element_type3A_310 = arith.sitofp %add3A_309 : vector<8x2048xi32> to vector<8x2048xf32>
    %mul3A_311 = vector.broadcast %get3A_2 : f32 to vector<8x2048xf32>
    %mul3A_312 = arith.mulf %convert_element_type3A_310, %mul3A_311 : vector<8x2048xf32>
    %swap3A_313 = arith.constant 40 : index
    %swap3A_314 = arith.constant 0 : index
    %swap3A_315 = vector.load %arg6[%swap3A_313, %swap3A_314] : memref<256x2048xf32, #tpu.memory_space<vmem>>, vector<8x2048xf32>
    tpu.vector_store %arg6[%swap3A_313, %swap3A_314], %mul3A_312 {strides = array<i32>} : memref<256x2048xf32, #tpu.memory_space<vmem>>, vector<8x2048xf32>,
    %get3A_316 = arith.constant 48 : index
    %get3A_317 = arith.constant 0 : index
    %get3A_318 = vector.load %arg3[%get3A_316, %get3A_317] : memref<256x2048xf32, #tpu.memory_space<vmem>>, vector<8x2048xf32>
    %mul3A_319 = vector.broadcast %get3A_0 : f32 to vector<8x2048xf32>
    %mul3A_320 = arith.mulf %get3A_318, %mul3A_319 : vector<8x2048xf32>
    %floor3A_321 = math.floor %mul3A_320 : vector<8x2048xf32>
    %jit3A_322 = arith.constant -3.276800e+04 : f32
    %jit3A_323 = arith.constant 3.276700e+04 : f32
    %max3A_324 = vector.broadcast %jit3A_322 : f32 to vector<8x2048xf32>
    %max3A_325 = arith.maximumf %max3A_324, %floor3A_321 : vector<8x2048xf32>
    %min3A_326 = vector.broadcast %jit3A_323 : f32 to vector<8x2048xf32>
    %min3A_327 = arith.minimumf %min3A_326, %max3A_325 : vector<8x2048xf32>
    %convert_element_type3A_328 = arith.fptosi %min3A_327 : vector<8x2048xf32> to vector<8x2048xi32>
    %shift_right_arithmetic3A_329 = arith.constant 8 : i32
    %shift_right_arithmetic3A_330 = vector.broadcast %shift_right_arithmetic3A_329 : i32 to vector<8x2048xi32>
    %shift_right_arithmetic3A_331 = arith.shrsi %convert_element_type3A_328, %shift_right_arithmetic3A_330 : vector<8x2048xi32>
    %and3A_332 = arith.constant 127 : i32
    %and3A_333 = vector.broadcast %and3A_332 : i32 to vector<8x2048xi32>
    %and3A_334 = arith.andi %shift_right_arithmetic3A_331, %and3A_333 : vector<8x2048xi32>
    %ge3A_335 = arith.constant 0 : i32
    %ge3A_336 = vector.broadcast %ge3A_335 : i32 to vector<8x2048xi32>
    %ge3A_337 = arith.cmpi sge, %convert_element_type3A_328, %ge3A_336 : vector<8x2048xi32>
    %and3A_338 = arith.constant 255 : i32
    %and3A_339 = vector.broadcast %and3A_338 : i32 to vector<8x2048xi32>
    %and3A_340 = arith.andi %convert_element_type3A_328, %and3A_339 : vector<8x2048xi32>
    %reshape3A_341 = vector.shape_cast %and3A_334 : vector<8x2048xi32> to vector<8x2048x1xi32>
    %gather3A_342 = vector.shape_cast %reshape3A_341 : vector<8x2048x1xi32> to vector<8x2048xi32>
    %gather3A_343 = tpu.dynamic_gather %get3A_9[%gather3A_342] in [1] : vector<8x128xi32>, vector<8x2048xi32> -> vector<8x2048xi32>
    %reshape3A_344 = vector.shape_cast %and3A_334 : vector<8x2048xi32> to vector<8x2048x1xi32>
    %gather3A_345 = vector.shape_cast %reshape3A_344 : vector<8x2048x1xi32> to vector<8x2048xi32>
    %gather3A_346 = tpu.dynamic_gather %get3A_12[%gather3A_345] in [1] : vector<8x128xi32>, vector<8x2048xi32> -> vector<8x2048xi32>
    %select_n3A_347 = arith.select %ge3A_337, %gather3A_346, %gather3A_343 : vector<8x2048xi1>, vector<8x2048xi32>
    %shift_left3A_348 = arith.constant 16 : i32
    %shift_left3A_349 = vector.broadcast %shift_left3A_348 : i32 to vector<8x2048xi32>
    %shift_left3A_350 = arith.shli %select_n3A_347, %shift_left3A_349 : vector<8x2048xi32>
    %shift_right_arithmetic3A_351 = arith.constant 16 : i32
    %shift_right_arithmetic3A_352 = vector.broadcast %shift_right_arithmetic3A_351 : i32 to vector<8x2048xi32>
    %shift_right_arithmetic3A_353 = arith.shrsi %shift_left3A_350, %shift_right_arithmetic3A_352 : vector<8x2048xi32>
    %mul3A_354 = arith.muli %and3A_340, %shift_right_arithmetic3A_353 : vector<8x2048xi32>
    %shift_right_arithmetic3A_355 = vector.broadcast %get3A_4 : i32 to vector<8x2048xi32>
    %shift_right_arithmetic3A_356 = arith.shrsi %mul3A_354, %shift_right_arithmetic3A_355 : vector<8x2048xi32>
    %shift_right_arithmetic3A_357 = arith.constant 16 : i32
    %shift_right_arithmetic3A_358 = vector.broadcast %shift_right_arithmetic3A_357 : i32 to vector<8x2048xi32>
    %shift_right_arithmetic3A_359 = arith.shrsi %select_n3A_347, %shift_right_arithmetic3A_358 : vector<8x2048xi32>
    %shift_left3A_360 = vector.broadcast %get3A_6 : i32 to vector<8x2048xi32>
    %shift_left3A_361 = arith.shli %shift_right_arithmetic3A_359, %shift_left3A_360 : vector<8x2048xi32>
    %add3A_362 = arith.addi %shift_left3A_361, %shift_right_arithmetic3A_356 : vector<8x2048xi32>
    %convert_element_type3A_363 = arith.sitofp %add3A_362 : vector<8x2048xi32> to vector<8x2048xf32>
    %mul3A_364 = vector.broadcast %get3A_2 : f32 to vector<8x2048xf32>
    %mul3A_365 = arith.mulf %convert_element_type3A_363, %mul3A_364 : vector<8x2048xf32>
    %swap3A_366 = arith.constant 48 : index
    %swap3A_367 = arith.constant 0 : index
    %swap3A_368 = vector.load %arg6[%swap3A_366, %swap3A_367] : memref<256x2048xf32, #tpu.memory_space<vmem>>, vector<8x2048xf32>
    tpu.vector_store %arg6[%swap3A_366, %swap3A_367], %mul3A_365 {strides = array<i32>} : memref<256x2048xf32, #tpu.memory_space<vmem>>, vector<8x2048xf32>,
    %get3A_369 = arith.constant 56 : index
    %get3A_370 = arith.constant 0 : index
    %get3A_371 = vector.load %arg3[%get3A_369, %get3A_370] : memref<256x2048xf32, #tpu.memory_space<vmem>>, vector<8x2048xf32>
    %mul3A_372 = vector.broadcast %get3A_0 : f32 to vector<8x2048xf32>
    %mul3A_373 = arith.mulf %get3A_371, %mul3A_372 : vector<8x2048xf32>
    %floor3A_374 = math.floor %mul3A_373 : vector<8x2048xf32>
    %jit3A_375 = arith.constant -3.276800e+04 : f32
    %jit3A_376 = arith.constant 3.276700e+04 : f32
    %max3A_377 = vector.broadcast %jit3A_375 : f32 to vector<8x2048xf32>
    %max3A_378 = arith.maximumf %max3A_377, %floor3A_374 : vector<8x2048xf32>
    %min3A_379 = vector.broadcast %jit3A_376 : f32 to vector<8x2048xf32>
    %min3A_380 = arith.minimumf %min3A_379, %max3A_378 : vector<8x2048xf32>
    %convert_element_type3A_381 = arith.fptosi %min3A_380 : vector<8x2048xf32> to vector<8x2048xi32>
    %shift_right_arithmetic3A_382 = arith.constant 8 : i32
    %shift_right_arithmetic3A_383 = vector.broadcast %shift_right_arithmetic3A_382 : i32 to vector<8x2048xi32>
    %shift_right_arithmetic3A_384 = arith.shrsi %convert_element_type3A_381, %shift_right_arithmetic3A_383 : vector<8x2048xi32>
    %and3A_385 = arith.constant 127 : i32
    %and3A_386 = vector.broadcast %and3A_385 : i32 to vector<8x2048xi32>
    %and3A_387 = arith.andi %shift_right_arithmetic3A_384, %and3A_386 : vector<8x2048xi32>
    %ge3A_388 = arith.constant 0 : i32
    %ge3A_389 = vector.broadcast %ge3A_388 : i32 to vector<8x2048xi32>
    %ge3A_390 = arith.cmpi sge, %convert_element_type3A_381, %ge3A_389 : vector<8x2048xi32>
    %and3A_391 = arith.constant 255 : i32
    %and3A_392 = vector.broadcast %and3A_391 : i32 to vector<8x2048xi32>
    %and3A_393 = arith.andi %convert_element_type3A_381, %and3A_392 : vector<8x2048xi32>
    %reshape3A_394 = vector.shape_cast %and3A_387 : vector<8x2048xi32> to vector<8x2048x1xi32>
    %gather3A_395 = vector.shape_cast %reshape3A_394 : vector<8x2048x1xi32> to vector<8x2048xi32>
    %gather3A_396 = tpu.dynamic_gather %get3A_9[%gather3A_395] in [1] : vector<8x128xi32>, vector<8x2048xi32> -> vector<8x2048xi32>
    %reshape3A_397 = vector.shape_cast %and3A_387 : vector<8x2048xi32> to vector<8x2048x1xi32>
    %gather3A_398 = vector.shape_cast %reshape3A_397 : vector<8x2048x1xi32> to vector<8x2048xi32>
    %gather3A_399 = tpu.dynamic_gather %get3A_12[%gather3A_398] in [1] : vector<8x128xi32>, vector<8x2048xi32> -> vector<8x2048xi32>
    %select_n3A_400 = arith.select %ge3A_390, %gather3A_399, %gather3A_396 : vector<8x2048xi1>, vector<8x2048xi32>
    %shift_left3A_401 = arith.constant 16 : i32
    %shift_left3A_402 = vector.broadcast %shift_left3A_401 : i32 to vector<8x2048xi32>
    %shift_left3A_403 = arith.shli %select_n3A_400, %shift_left3A_402 : vector<8x2048xi32>
    %shift_right_arithmetic3A_404 = arith.constant 16 : i32
    %shift_right_arithmetic3A_405 = vector.broadcast %shift_right_arithmetic3A_404 : i32 to vector<8x2048xi32>
    %shift_right_arithmetic3A_406 = arith.shrsi %shift_left3A_403, %shift_right_arithmetic3A_405 : vector<8x2048xi32>
    %mul3A_407 = arith.muli %and3A_393, %shift_right_arithmetic3A_406 : vector<8x2048xi32>
    %shift_right_arithmetic3A_408 = vector.broadcast %get3A_4 : i32 to vector<8x2048xi32>
    %shift_right_arithmetic3A_409 = arith.shrsi %mul3A_407, %shift_right_arithmetic3A_408 : vector<8x2048xi32>
    %shift_right_arithmetic3A_410 = arith.constant 16 : i32
    %shift_right_arithmetic3A_411 = vector.broadcast %shift_right_arithmetic3A_410 : i32 to vector<8x2048xi32>
    %shift_right_arithmetic3A_412 = arith.shrsi %select_n3A_400, %shift_right_arithmetic3A_411 : vector<8x2048xi32>
    %shift_left3A_413 = vector.broadcast %get3A_6 : i32 to vector<8x2048xi32>
    %shift_left3A_414 = arith.shli %shift_right_arithmetic3A_412, %shift_left3A_413 : vector<8x2048xi32>
    %add3A_415 = arith.addi %shift_left3A_414, %shift_right_arithmetic3A_409 : vector<8x2048xi32>
    %convert_element_type3A_416 = arith.sitofp %add3A_415 : vector<8x2048xi32> to vector<8x2048xf32>
    %mul3A_417 = vector.broadcast %get3A_2 : f32 to vector<8x2048xf32>
    %mul3A_418 = arith.mulf %convert_element_type3A_416, %mul3A_417 : vector<8x2048xf32>
    %swap3A_419 = arith.constant 56 : index
    %swap3A_420 = arith.constant 0 : index
    %swap3A_421 = vector.load %arg6[%swap3A_419, %swap3A_420] : memref<256x2048xf32, #tpu.memory_space<vmem>>, vector<8x2048xf32>
    tpu.vector_store %arg6[%swap3A_419, %swap3A_420], %mul3A_418 {strides = array<i32>} : memref<256x2048xf32, #tpu.memory_space<vmem>>, vector<8x2048xf32>,
    %get3A_422 = arith.constant 64 : index
    %get3A_423 = arith.constant 0 : index
    %get3A_424 = vector.load %arg3[%get3A_422, %get3A_423] : memref<256x2048xf32, #tpu.memory_space<vmem>>, vector<8x2048xf32>
    %mul3A_425 = vector.broadcast %get3A_0 : f32 to vector<8x2048xf32>
    %mul3A_426 = arith.mulf %get3A_424, %mul3A_425 : vector<8x2048xf32>
    %floor3A_427 = math.floor %mul3A_426 : vector<8x2048xf32>
    %jit3A_428 = arith.constant -3.276800e+04 : f32
    %jit3A_429 = arith.constant 3.276700e+04 : f32
    %max3A_430 = vector.broadcast %jit3A_428 : f32 to vector<8x2048xf32>
    %max3A_431 = arith.maximumf %max3A_430, %floor3A_427 : vector<8x2048xf32>
    %min3A_432 = vector.broadcast %jit3A_429 : f32 to vector<8x2048xf32>
    %min3A_433 = arith.minimumf %min3A_432, %max3A_431 : vector<8x2048xf32>
    %convert_element_type3A_434 = arith.fptosi %min3A_433 : vector<8x2048xf32> to vector<8x2048xi32>
    %shift_right_arithmetic3A_435 = arith.constant 8 : i32
    %shift_right_arithmetic3A_436 = vector.broadcast %shift_right_arithmetic3A_435 : i32 to vector<8x2048xi32>
    %shift_right_arithmetic3A_437 = arith.shrsi %convert_element_type3A_434, %shift_right_arithmetic3A_436 : vector<8x2048xi32>
    %and3A_438 = arith.constant 127 : i32
    %and3A_439 = vector.broadcast %and3A_438 : i32 to vector<8x2048xi32>
    %and3A_440 = arith.andi %shift_right_arithmetic3A_437, %and3A_439 : vector<8x2048xi32>
    %ge3A_441 = arith.constant 0 : i32
    %ge3A_442 = vector.broadcast %ge3A_441 : i32 to vector<8x2048xi32>
    %ge3A_443 = arith.cmpi sge, %convert_element_type3A_434, %ge3A_442 : vector<8x2048xi32>
    %and3A_444 = arith.constant 255 : i32
    %and3A_445 = vector.broadcast %and3A_444 : i32 to vector<8x2048xi32>
    %and3A_446 = arith.andi %convert_element_type3A_434, %and3A_445 : vector<8x2048xi32>
    %reshape3A_447 = vector.shape_cast %and3A_440 : vector<8x2048xi32> to vector<8x2048x1xi32>
    %gather3A_448 = vector.shape_cast %reshape3A_447 : vector<8x2048x1xi32> to vector<8x2048xi32>
    %gather3A_449 = tpu.dynamic_gather %get3A_9[%gather3A_448] in [1] : vector<8x128xi32>, vector<8x2048xi32> -> vector<8x2048xi32>
    %reshape3A_450 = vector.shape_cast %and3A_440 : vector<8x2048xi32> to vector<8x2048x1xi32>
    %gather3A_451 = vector.shape_cast %reshape3A_450 : vector<8x2048x1xi32> to vector<8x2048xi32>
    %gather3A_452 = tpu.dynamic_gather %get3A_12[%gather3A_451] in [1] : vector<8x128xi32>, vector<8x2048xi32> -> vector<8x2048xi32>
    %select_n3A_453 = arith.select %ge3A_443, %gather3A_452, %gather3A_449 : vector<8x2048xi1>, vector<8x2048xi32>
    %shift_left3A_454 = arith.constant 16 : i32
    %shift_left3A_455 = vector.broadcast %shift_left3A_454 : i32 to vector<8x2048xi32>
    %shift_left3A_456 = arith.shli %select_n3A_453, %shift_left3A_455 : vector<8x2048xi32>
    %shift_right_arithmetic3A_457 = arith.constant 16 : i32
    %shift_right_arithmetic3A_458 = vector.broadcast %shift_right_arithmetic3A_457 : i32 to vector<8x2048xi32>
    %shift_right_arithmetic3A_459 = arith.shrsi %shift_left3A_456, %shift_right_arithmetic3A_458 : vector<8x2048xi32>
    %mul3A_460 = arith.muli %and3A_446, %shift_right_arithmetic3A_459 : vector<8x2048xi32>
    %shift_right_arithmetic3A_461 = vector.broadcast %get3A_4 : i32 to vector<8x2048xi32>
    %shift_right_arithmetic3A_462 = arith.shrsi %mul3A_460, %shift_right_arithmetic3A_461 : vector<8x2048xi32>
    %shift_right_arithmetic3A_463 = arith.constant 16 : i32
    %shift_right_arithmetic3A_464 = vector.broadcast %shift_right_arithmetic3A_463 : i32 to vector<8x2048xi32>
    %shift_right_arithmetic3A_465 = arith.shrsi %select_n3A_453, %shift_right_arithmetic3A_464 : vector<8x2048xi32>
    %shift_left3A_466 = vector.broadcast %get3A_6 : i32 to vector<8x2048xi32>
    %shift_left3A_467 = arith.shli %shift_right_arithmetic3A_465, %shift_left3A_466 : vector<8x2048xi32>
    %add3A_468 = arith.addi %shift_left3A_467, %shift_right_arithmetic3A_462 : vector<8x2048xi32>
    %convert_element_type3A_469 = arith.sitofp %add3A_468 : vector<8x2048xi32> to vector<8x2048xf32>
    %mul3A_470 = vector.broadcast %get3A_2 : f32 to vector<8x2048xf32>
    %mul3A_471 = arith.mulf %convert_element_type3A_469, %mul3A_470 : vector<8x2048xf32>
    %swap3A_472 = arith.constant 64 : index
    %swap3A_473 = arith.constant 0 : index
    %swap3A_474 = vector.load %arg6[%swap3A_472, %swap3A_473] : memref<256x2048xf32, #tpu.memory_space<vmem>>, vector<8x2048xf32>
    tpu.vector_store %arg6[%swap3A_472, %swap3A_473], %mul3A_471 {strides = array<i32>} : memref<256x2048xf32, #tpu.memory_space<vmem>>, vector<8x2048xf32>,
    %get3A_475 = arith.constant 72 : index
    %get3A_476 = arith.constant 0 : index
    %get3A_477 = vector.load %arg3[%get3A_475, %get3A_476] : memref<256x2048xf32, #tpu.memory_space<vmem>>, vector<8x2048xf32>
    %mul3A_478 = vector.broadcast %get3A_0 : f32 to vector<8x2048xf32>
    %mul3A_479 = arith.mulf %get3A_477, %mul3A_478 : vector<8x2048xf32>
    %floor3A_480 = math.floor %mul3A_479 : vector<8x2048xf32>
    %jit3A_481 = arith.constant -3.276800e+04 : f32
    %jit3A_482 = arith.constant 3.276700e+04 : f32
    %max3A_483 = vector.broadcast %jit3A_481 : f32 to vector<8x2048xf32>
    %max3A_484 = arith.maximumf %max3A_483, %floor3A_480 : vector<8x2048xf32>
    %min3A_485 = vector.broadcast %jit3A_482 : f32 to vector<8x2048xf32>
    %min3A_486 = arith.minimumf %min3A_485, %max3A_484 : vector<8x2048xf32>
    %convert_element_type3A_487 = arith.fptosi %min3A_486 : vector<8x2048xf32> to vector<8x2048xi32>
    %shift_right_arithmetic3A_488 = arith.constant 8 : i32
    %shift_right_arithmetic3A_489 = vector.broadcast %shift_right_arithmetic3A_488 : i32 to vector<8x2048xi32>
    %shift_right_arithmetic3A_490 = arith.shrsi %convert_element_type3A_487, %shift_right_arithmetic3A_489 : vector<8x2048xi32>
    %and3A_491 = arith.constant 127 : i32
    %and3A_492 = vector.broadcast %and3A_491 : i32 to vector<8x2048xi32>
    %and3A_493 = arith.andi %shift_right_arithmetic3A_490, %and3A_492 : vector<8x2048xi32>
    %ge3A_494 = arith.constant 0 : i32
    %ge3A_495 = vector.broadcast %ge3A_494 : i32 to vector<8x2048xi32>
    %ge3A_496 = arith.cmpi sge, %convert_element_type3A_487, %ge3A_495 : vector<8x2048xi32>
    %and3A_497 = arith.constant 255 : i32
    %and3A_498 = vector.broadcast %and3A_497 : i32 to vector<8x2048xi32>
    %and3A_499 = arith.andi %convert_element_type3A_487, %and3A_498 : vector<8x2048xi32>
    %reshape3A_500 = vector.shape_cast %and3A_493 : vector<8x2048xi32> to vector<8x2048x1xi32>
    %gather3A_501 = vector.shape_cast %reshape3A_500 : vector<8x2048x1xi32> to vector<8x2048xi32>
    %gather3A_502 = tpu.dynamic_gather %get3A_9[%gather3A_501] in [1] : vector<8x128xi32>, vector<8x2048xi32> -> vector<8x2048xi32>
    %reshape3A_503 = vector.shape_cast %and3A_493 : vector<8x2048xi32> to vector<8x2048x1xi32>
    %gather3A_504 = vector.shape_cast %reshape3A_503 : vector<8x2048x1xi32> to vector<8x2048xi32>
    %gather3A_505 = tpu.dynamic_gather %get3A_12[%gather3A_504] in [1] : vector<8x128xi32>, vector<8x2048xi32> -> vector<8x2048xi32>
    %select_n3A_506 = arith.select %ge3A_496, %gather3A_505, %gather3A_502 : vector<8x2048xi1>, vector<8x2048xi32>
    %shift_left3A_507 = arith.constant 16 : i32
    %shift_left3A_508 = vector.broadcast %shift_left3A_507 : i32 to vector<8x2048xi32>
    %shift_left3A_509 = arith.shli %select_n3A_506, %shift_left3A_508 : vector<8x2048xi32>
    %shift_right_arithmetic3A_510 = arith.constant 16 : i32
    %shift_right_arithmetic3A_511 = vector.broadcast %shift_right_arithmetic3A_510 : i32 to vector<8x2048xi32>
    %shift_right_arithmetic3A_512 = arith.shrsi %shift_left3A_509, %shift_right_arithmetic3A_511 : vector<8x2048xi32>
    %mul3A_513 = arith.muli %and3A_499, %shift_right_arithmetic3A_512 : vector<8x2048xi32>
    %shift_right_arithmetic3A_514 = vector.broadcast %get3A_4 : i32 to vector<8x2048xi32>
    %shift_right_arithmetic3A_515 = arith.shrsi %mul3A_513, %shift_right_arithmetic3A_514 : vector<8x2048xi32>
    %shift_right_arithmetic3A_516 = arith.constant 16 : i32
    %shift_right_arithmetic3A_517 = vector.broadcast %shift_right_arithmetic3A_516 : i32 to vector<8x2048xi32>
    %shift_right_arithmetic3A_518 = arith.shrsi %select_n3A_506, %shift_right_arithmetic3A_517 : vector<8x2048xi32>
    %shift_left3A_519 = vector.broadcast %get3A_6 : i32 to vector<8x2048xi32>
    %shift_left3A_520 = arith.shli %shift_right_arithmetic3A_518, %shift_left3A_519 : vector<8x2048xi32>
    %add3A_521 = arith.addi %shift_left3A_520, %shift_right_arithmetic3A_515 : vector<8x2048xi32>
    %convert_element_type3A_522 = arith.sitofp %add3A_521 : vector<8x2048xi32> to vector<8x2048xf32>
    %mul3A_523 = vector.broadcast %get3A_2 : f32 to vector<8x2048xf32>
    %mul3A_524 = arith.mulf %convert_element_type3A_522, %mul3A_523 : vector<8x2048xf32>
    %swap3A_525 = arith.constant 72 : index
    %swap3A_526 = arith.constant 0 : index
    %swap3A_527 = vector.load %arg6[%swap3A_525, %swap3A_526] : memref<256x2048xf32, #tpu.memory_space<vmem>>, vector<8x2048xf32>
    tpu.vector_store %arg6[%swap3A_525, %swap3A_526], %mul3A_524 {strides = array<i32>} : memref<256x2048xf32, #tpu.memory_space<vmem>>, vector<8x2048xf32>,
    %get3A_528 = arith.constant 80 : index
    %get3A_529 = arith.constant 0 : index
    %get3A_530 = vector.load %arg3[%get3A_528, %get3A_529] : memref<256x2048xf32, #tpu.memory_space<vmem>>, vector<8x2048xf32>
    %mul3A_531 = vector.broadcast %get3A_0 : f32 to vector<8x2048xf32>
    %mul3A_532 = arith.mulf %get3A_530, %mul3A_531 : vector<8x2048xf32>
    %floor3A_533 = math.floor %mul3A_532 : vector<8x2048xf32>
    %jit3A_534 = arith.constant -3.276800e+04 : f32
    %jit3A_535 = arith.constant 3.276700e+04 : f32
    %max3A_536 = vector.broadcast %jit3A_534 : f32 to vector<8x2048xf32>
    %max3A_537 = arith.maximumf %max3A_536, %floor3A_533 : vector<8x2048xf32>
    %min3A_538 = vector.broadcast %jit3A_535 : f32 to vector<8x2048xf32>
    %min3A_539 = arith.minimumf %min3A_538, %max3A_537 : vector<8x2048xf32>
    %convert_element_type3A_540 = arith.fptosi %min3A_539 : vector<8x2048xf32> to vector<8x2048xi32>
    %shift_right_arithmetic3A_541 = arith.constant 8 : i32
    %shift_right_arithmetic3A_542 = vector.broadcast %shift_right_arithmetic3A_541 : i32 to vector<8x2048xi32>
    %shift_right_arithmetic3A_543 = arith.shrsi %convert_element_type3A_540, %shift_right_arithmetic3A_542 : vector<8x2048xi32>
    %and3A_544 = arith.constant 127 : i32
    %and3A_545 = vector.broadcast %and3A_544 : i32 to vector<8x2048xi32>
    %and3A_546 = arith.andi %shift_right_arithmetic3A_543, %and3A_545 : vector<8x2048xi32>
    %ge3A_547 = arith.constant 0 : i32
    %ge3A_548 = vector.broadcast %ge3A_547 : i32 to vector<8x2048xi32>
    %ge3A_549 = arith.cmpi sge, %convert_element_type3A_540, %ge3A_548 : vector<8x2048xi32>
    %and3A_550 = arith.constant 255 : i32
    %and3A_551 = vector.broadcast %and3A_550 : i32 to vector<8x2048xi32>
    %and3A_552 = arith.andi %convert_element_type3A_540, %and3A_551 : vector<8x2048xi32>
    %reshape3A_553 = vector.shape_cast %and3A_546 : vector<8x2048xi32> to vector<8x2048x1xi32>
    %gather3A_554 = vector.shape_cast %reshape3A_553 : vector<8x2048x1xi32> to vector<8x2048xi32>
    %gather3A_555 = tpu.dynamic_gather %get3A_9[%gather3A_554] in [1] : vector<8x128xi32>, vector<8x2048xi32> -> vector<8x2048xi32>
    %reshape3A_556 = vector.shape_cast %and3A_546 : vector<8x2048xi32> to vector<8x2048x1xi32>
    %gather3A_557 = vector.shape_cast %reshape3A_556 : vector<8x2048x1xi32> to vector<8x2048xi32>
    %gather3A_558 = tpu.dynamic_gather %get3A_12[%gather3A_557] in [1] : vector<8x128xi32>, vector<8x2048xi32> -> vector<8x2048xi32>
    %select_n3A_559 = arith.select %ge3A_549, %gather3A_558, %gather3A_555 : vector<8x2048xi1>, vector<8x2048xi32>
    %shift_left3A_560 = arith.constant 16 : i32
    %shift_left3A_561 = vector.broadcast %shift_left3A_560 : i32 to vector<8x2048xi32>
    %shift_left3A_562 = arith.shli %select_n3A_559, %shift_left3A_561 : vector<8x2048xi32>
    %shift_right_arithmetic3A_563 = arith.constant 16 : i32
    %shift_right_arithmetic3A_564 = vector.broadcast %shift_right_arithmetic3A_563 : i32 to vector<8x2048xi32>
    %shift_right_arithmetic3A_565 = arith.shrsi %shift_left3A_562, %shift_right_arithmetic3A_564 : vector<8x2048xi32>
    %mul3A_566 = arith.muli %and3A_552, %shift_right_arithmetic3A_565 : vector<8x2048xi32>
    %shift_right_arithmetic3A_567 = vector.broadcast %get3A_4 : i32 to vector<8x2048xi32>
    %shift_right_arithmetic3A_568 = arith.shrsi %mul3A_566, %shift_right_arithmetic3A_567 : vector<8x2048xi32>
    %shift_right_arithmetic3A_569 = arith.constant 16 : i32
    %shift_right_arithmetic3A_570 = vector.broadcast %shift_right_arithmetic3A_569 : i32 to vector<8x2048xi32>
    %shift_right_arithmetic3A_571 = arith.shrsi %select_n3A_559, %shift_right_arithmetic3A_570 : vector<8x2048xi32>
    %shift_left3A_572 = vector.broadcast %get3A_6 : i32 to vector<8x2048xi32>
    %shift_left3A_573 = arith.shli %shift_right_arithmetic3A_571, %shift_left3A_572 : vector<8x2048xi32>
    %add3A_574 = arith.addi %shift_left3A_573, %shift_right_arithmetic3A_568 : vector<8x2048xi32>
    %convert_element_type3A_575 = arith.sitofp %add3A_574 : vector<8x2048xi32> to vector<8x2048xf32>
    %mul3A_576 = vector.broadcast %get3A_2 : f32 to vector<8x2048xf32>
    %mul3A_577 = arith.mulf %convert_element_type3A_575, %mul3A_576 : vector<8x2048xf32>
    %swap3A_578 = arith.constant 80 : index
    %swap3A_579 = arith.constant 0 : index
    %swap3A_580 = vector.load %arg6[%swap3A_578, %swap3A_579] : memref<256x2048xf32, #tpu.memory_space<vmem>>, vector<8x2048xf32>
    tpu.vector_store %arg6[%swap3A_578, %swap3A_579], %mul3A_577 {strides = array<i32>} : memref<256x2048xf32, #tpu.memory_space<vmem>>, vector<8x2048xf32>,
    %get3A_581 = arith.constant 88 : index
    %get3A_582 = arith.constant 0 : index
    %get3A_583 = vector.load %arg3[%get3A_581, %get3A_582] : memref<256x2048xf32, #tpu.memory_space<vmem>>, vector<8x2048xf32>
    %mul3A_584 = vector.broadcast %get3A_0 : f32 to vector<8x2048xf32>
    %mul3A_585 = arith.mulf %get3A_583, %mul3A_584 : vector<8x2048xf32>
    %floor3A_586 = math.floor %mul3A_585 : vector<8x2048xf32>
    %jit3A_587 = arith.constant -3.276800e+04 : f32
    %jit3A_588 = arith.constant 3.276700e+04 : f32
    %max3A_589 = vector.broadcast %jit3A_587 : f32 to vector<8x2048xf32>
    %max3A_590 = arith.maximumf %max3A_589, %floor3A_586 : vector<8x2048xf32>
    %min3A_591 = vector.broadcast %jit3A_588 : f32 to vector<8x2048xf32>
    %min3A_592 = arith.minimumf %min3A_591, %max3A_590 : vector<8x2048xf32>
    %convert_element_type3A_593 = arith.fptosi %min3A_592 : vector<8x2048xf32> to vector<8x2048xi32>
    %shift_right_arithmetic3A_594 = arith.constant 8 : i32
    %shift_right_arithmetic3A_595 = vector.broadcast %shift_right_arithmetic3A_594 : i32 to vector<8x2048xi32>
    %shift_right_arithmetic3A_596 = arith.shrsi %convert_element_type3A_593, %shift_right_arithmetic3A_595 : vector<8x2048xi32>
    %and3A_597 = arith.constant 127 : i32
    %and3A_598 = vector.broadcast %and3A_597 : i32 to vector<8x2048xi32>
    %and3A_599 = arith.andi %shift_right_arithmetic3A_596, %and3A_598 : vector<8x2048xi32>
    %ge3A_600 = arith.constant 0 : i32
    %ge3A_601 = vector.broadcast %ge3A_600 : i32 to vector<8x2048xi32>
    %ge3A_602 = arith.cmpi sge, %convert_element_type3A_593, %ge3A_601 : vector<8x2048xi32>
    %and3A_603 = arith.constant 255 : i32
    %and3A_604 = vector.broadcast %and3A_603 : i32 to vector<8x2048xi32>
    %and3A_605 = arith.andi %convert_element_type3A_593, %and3A_604 : vector<8x2048xi32>
    %reshape3A_606 = vector.shape_cast %and3A_599 : vector<8x2048xi32> to vector<8x2048x1xi32>
    %gather3A_607 = vector.shape_cast %reshape3A_606 : vector<8x2048x1xi32> to vector<8x2048xi32>
    %gather3A_608 = tpu.dynamic_gather %get3A_9[%gather3A_607] in [1] : vector<8x128xi32>, vector<8x2048xi32> -> vector<8x2048xi32>
    %reshape3A_609 = vector.shape_cast %and3A_599 : vector<8x2048xi32> to vector<8x2048x1xi32>
    %gather3A_610 = vector.shape_cast %reshape3A_609 : vector<8x2048x1xi32> to vector<8x2048xi32>
    %gather3A_611 = tpu.dynamic_gather %get3A_12[%gather3A_610] in [1] : vector<8x128xi32>, vector<8x2048xi32> -> vector<8x2048xi32>
    %select_n3A_612 = arith.select %ge3A_602, %gather3A_611, %gather3A_608 : vector<8x2048xi1>, vector<8x2048xi32>
    %shift_left3A_613 = arith.constant 16 : i32
    %shift_left3A_614 = vector.broadcast %shift_left3A_613 : i32 to vector<8x2048xi32>
    %shift_left3A_615 = arith.shli %select_n3A_612, %shift_left3A_614 : vector<8x2048xi32>
    %shift_right_arithmetic3A_616 = arith.constant 16 : i32
    %shift_right_arithmetic3A_617 = vector.broadcast %shift_right_arithmetic3A_616 : i32 to vector<8x2048xi32>
    %shift_right_arithmetic3A_618 = arith.shrsi %shift_left3A_615, %shift_right_arithmetic3A_617 : vector<8x2048xi32>
    %mul3A_619 = arith.muli %and3A_605, %shift_right_arithmetic3A_618 : vector<8x2048xi32>
    %shift_right_arithmetic3A_620 = vector.broadcast %get3A_4 : i32 to vector<8x2048xi32>
    %shift_right_arithmetic3A_621 = arith.shrsi %mul3A_619, %shift_right_arithmetic3A_620 : vector<8x2048xi32>
    %shift_right_arithmetic3A_622 = arith.constant 16 : i32
    %shift_right_arithmetic3A_623 = vector.broadcast %shift_right_arithmetic3A_622 : i32 to vector<8x2048xi32>
    %shift_right_arithmetic3A_624 = arith.shrsi %select_n3A_612, %shift_right_arithmetic3A_623 : vector<8x2048xi32>
    %shift_left3A_625 = vector.broadcast %get3A_6 : i32 to vector<8x2048xi32>
    %shift_left3A_626 = arith.shli %shift_right_arithmetic3A_624, %shift_left3A_625 : vector<8x2048xi32>
    %add3A_627 = arith.addi %shift_left3A_626, %shift_right_arithmetic3A_621 : vector<8x2048xi32>
    %convert_element_type3A_628 = arith.sitofp %add3A_627 : vector<8x2048xi32> to vector<8x2048xf32>
    %mul3A_629 = vector.broadcast %get3A_2 : f32 to vector<8x2048xf32>
    %mul3A_630 = arith.mulf %convert_element_type3A_628, %mul3A_629 : vector<8x2048xf32>
    %swap3A_631 = arith.constant 88 : index
    %swap3A_632 = arith.constant 0 : index
    %swap3A_633 = vector.load %arg6[%swap3A_631, %swap3A_632] : memref<256x2048xf32, #tpu.memory_space<vmem>>, vector<8x2048xf32>
    tpu.vector_store %arg6[%swap3A_631, %swap3A_632], %mul3A_630 {strides = array<i32>} : memref<256x2048xf32, #tpu.memory_space<vmem>>, vector<8x2048xf32>,
    %get3A_634 = arith.constant 96 : index
    %get3A_635 = arith.constant 0 : index
    %get3A_636 = vector.load %arg3[%get3A_634, %get3A_635] : memref<256x2048xf32, #tpu.memory_space<vmem>>, vector<8x2048xf32>
    %mul3A_637 = vector.broadcast %get3A_0 : f32 to vector<8x2048xf32>
    %mul3A_638 = arith.mulf %get3A_636, %mul3A_637 : vector<8x2048xf32>
    %floor3A_639 = math.floor %mul3A_638 : vector<8x2048xf32>
    %jit3A_640 = arith.constant -3.276800e+04 : f32
    %jit3A_641 = arith.constant 3.276700e+04 : f32
    %max3A_642 = vector.broadcast %jit3A_640 : f32 to vector<8x2048xf32>
    %max3A_643 = arith.maximumf %max3A_642, %floor3A_639 : vector<8x2048xf32>
    %min3A_644 = vector.broadcast %jit3A_641 : f32 to vector<8x2048xf32>
    %min3A_645 = arith.minimumf %min3A_644, %max3A_643 : vector<8x2048xf32>
    %convert_element_type3A_646 = arith.fptosi %min3A_645 : vector<8x2048xf32> to vector<8x2048xi32>
    %shift_right_arithmetic3A_647 = arith.constant 8 : i32
    %shift_right_arithmetic3A_648 = vector.broadcast %shift_right_arithmetic3A_647 : i32 to vector<8x2048xi32>
    %shift_right_arithmetic3A_649 = arith.shrsi %convert_element_type3A_646, %shift_right_arithmetic3A_648 : vector<8x2048xi32>
    %and3A_650 = arith.constant 127 : i32
    %and3A_651 = vector.broadcast %and3A_650 : i32 to vector<8x2048xi32>
    %and3A_652 = arith.andi %shift_right_arithmetic3A_649, %and3A_651 : vector<8x2048xi32>
    %ge3A_653 = arith.constant 0 : i32
    %ge3A_654 = vector.broadcast %ge3A_653 : i32 to vector<8x2048xi32>
    %ge3A_655 = arith.cmpi sge, %convert_element_type3A_646, %ge3A_654 : vector<8x2048xi32>
    %and3A_656 = arith.constant 255 : i32
    %and3A_657 = vector.broadcast %and3A_656 : i32 to vector<8x2048xi32>
    %and3A_658 = arith.andi %convert_element_type3A_646, %and3A_657 : vector<8x2048xi32>
    %reshape3A_659 = vector.shape_cast %and3A_652 : vector<8x2048xi32> to vector<8x2048x1xi32>
    %gather3A_660 = vector.shape_cast %reshape3A_659 : vector<8x2048x1xi32> to vector<8x2048xi32>
    %gather3A_661 = tpu.dynamic_gather %get3A_9[%gather3A_660] in [1] : vector<8x128xi32>, vector<8x2048xi32> -> vector<8x2048xi32>
    %reshape3A_662 = vector.shape_cast %and3A_652 : vector<8x2048xi32> to vector<8x2048x1xi32>
    %gather3A_663 = vector.shape_cast %reshape3A_662 : vector<8x2048x1xi32> to vector<8x2048xi32>
    %gather3A_664 = tpu.dynamic_gather %get3A_12[%gather3A_663] in [1] : vector<8x128xi32>, vector<8x2048xi32> -> vector<8x2048xi32>
    %select_n3A_665 = arith.select %ge3A_655, %gather3A_664, %gather3A_661 : vector<8x2048xi1>, vector<8x2048xi32>
    %shift_left3A_666 = arith.constant 16 : i32
    %shift_left3A_667 = vector.broadcast %shift_left3A_666 : i32 to vector<8x2048xi32>
    %shift_left3A_668 = arith.shli %select_n3A_665, %shift_left3A_667 : vector<8x2048xi32>
    %shift_right_arithmetic3A_669 = arith.constant 16 : i32
    %shift_right_arithmetic3A_670 = vector.broadcast %shift_right_arithmetic3A_669 : i32 to vector<8x2048xi32>
    %shift_right_arithmetic3A_671 = arith.shrsi %shift_left3A_668, %shift_right_arithmetic3A_670 : vector<8x2048xi32>
    %mul3A_672 = arith.muli %and3A_658, %shift_right_arithmetic3A_671 : vector<8x2048xi32>
    %shift_right_arithmetic3A_673 = vector.broadcast %get3A_4 : i32 to vector<8x2048xi32>
    %shift_right_arithmetic3A_674 = arith.shrsi %mul3A_672, %shift_right_arithmetic3A_673 : vector<8x2048xi32>
    %shift_right_arithmetic3A_675 = arith.constant 16 : i32
    %shift_right_arithmetic3A_676 = vector.broadcast %shift_right_arithmetic3A_675 : i32 to vector<8x2048xi32>
    %shift_right_arithmetic3A_677 = arith.shrsi %select_n3A_665, %shift_right_arithmetic3A_676 : vector<8x2048xi32>
    %shift_left3A_678 = vector.broadcast %get3A_6 : i32 to vector<8x2048xi32>
    %shift_left3A_679 = arith.shli %shift_right_arithmetic3A_677, %shift_left3A_678 : vector<8x2048xi32>
    %add3A_680 = arith.addi %shift_left3A_679, %shift_right_arithmetic3A_674 : vector<8x2048xi32>
    %convert_element_type3A_681 = arith.sitofp %add3A_680 : vector<8x2048xi32> to vector<8x2048xf32>
    %mul3A_682 = vector.broadcast %get3A_2 : f32 to vector<8x2048xf32>
    %mul3A_683 = arith.mulf %convert_element_type3A_681, %mul3A_682 : vector<8x2048xf32>
    %swap3A_684 = arith.constant 96 : index
    %swap3A_685 = arith.constant 0 : index
    %swap3A_686 = vector.load %arg6[%swap3A_684, %swap3A_685] : memref<256x2048xf32, #tpu.memory_space<vmem>>, vector<8x2048xf32>
    tpu.vector_store %arg6[%swap3A_684, %swap3A_685], %mul3A_683 {strides = array<i32>} : memref<256x2048xf32, #tpu.memory_space<vmem>>, vector<8x2048xf32>,
    %get3A_687 = arith.constant 104 : index
    %get3A_688 = arith.constant 0 : index
    %get3A_689 = vector.load %arg3[%get3A_687, %get3A_688] : memref<256x2048xf32, #tpu.memory_space<vmem>>, vector<8x2048xf32>
    %mul3A_690 = vector.broadcast %get3A_0 : f32 to vector<8x2048xf32>
    %mul3A_691 = arith.mulf %get3A_689, %mul3A_690 : vector<8x2048xf32>
    %floor3A_692 = math.floor %mul3A_691 : vector<8x2048xf32>
    %jit3A_693 = arith.constant -3.276800e+04 : f32
    %jit3A_694 = arith.constant 3.276700e+04 : f32
    %max3A_695 = vector.broadcast %jit3A_693 : f32 to vector<8x2048xf32>
    %max3A_696 = arith.maximumf %max3A_695, %floor3A_692 : vector<8x2048xf32>
    %min3A_697 = vector.broadcast %jit3A_694 : f32 to vector<8x2048xf32>
    %min3A_698 = arith.minimumf %min3A_697, %max3A_696 : vector<8x2048xf32>
    %convert_element_type3A_699 = arith.fptosi %min3A_698 : vector<8x2048xf32> to vector<8x2048xi32>
    %shift_right_arithmetic3A_700 = arith.constant 8 : i32
    %shift_right_arithmetic3A_701 = vector.broadcast %shift_right_arithmetic3A_700 : i32 to vector<8x2048xi32>
    %shift_right_arithmetic3A_702 = arith.shrsi %convert_element_type3A_699, %shift_right_arithmetic3A_701 : vector<8x2048xi32>
    %and3A_703 = arith.constant 127 : i32
    %and3A_704 = vector.broadcast %and3A_703 : i32 to vector<8x2048xi32>
    %and3A_705 = arith.andi %shift_right_arithmetic3A_702, %and3A_704 : vector<8x2048xi32>
    %ge3A_706 = arith.constant 0 : i32
    %ge3A_707 = vector.broadcast %ge3A_706 : i32 to vector<8x2048xi32>
    %ge3A_708 = arith.cmpi sge, %convert_element_type3A_699, %ge3A_707 : vector<8x2048xi32>
    %and3A_709 = arith.constant 255 : i32
    %and3A_710 = vector.broadcast %and3A_709 : i32 to vector<8x2048xi32>
    %and3A_711 = arith.andi %convert_element_type3A_699, %and3A_710 : vector<8x2048xi32>
    %reshape3A_712 = vector.shape_cast %and3A_705 : vector<8x2048xi32> to vector<8x2048x1xi32>
    %gather3A_713 = vector.shape_cast %reshape3A_712 : vector<8x2048x1xi32> to vector<8x2048xi32>
    %gather3A_714 = tpu.dynamic_gather %get3A_9[%gather3A_713] in [1] : vector<8x128xi32>, vector<8x2048xi32> -> vector<8x2048xi32>
    %reshape3A_715 = vector.shape_cast %and3A_705 : vector<8x2048xi32> to vector<8x2048x1xi32>
    %gather3A_716 = vector.shape_cast %reshape3A_715 : vector<8x2048x1xi32> to vector<8x2048xi32>
    %gather3A_717 = tpu.dynamic_gather %get3A_12[%gather3A_716] in [1] : vector<8x128xi32>, vector<8x2048xi32> -> vector<8x2048xi32>
    %select_n3A_718 = arith.select %ge3A_708, %gather3A_717, %gather3A_714 : vector<8x2048xi1>, vector<8x2048xi32>
    %shift_left3A_719 = arith.constant 16 : i32
    %shift_left3A_720 = vector.broadcast %shift_left3A_719 : i32 to vector<8x2048xi32>
    %shift_left3A_721 = arith.shli %select_n3A_718, %shift_left3A_720 : vector<8x2048xi32>
    %shift_right_arithmetic3A_722 = arith.constant 16 : i32
    %shift_right_arithmetic3A_723 = vector.broadcast %shift_right_arithmetic3A_722 : i32 to vector<8x2048xi32>
    %shift_right_arithmetic3A_724 = arith.shrsi %shift_left3A_721, %shift_right_arithmetic3A_723 : vector<8x2048xi32>
    %mul3A_725 = arith.muli %and3A_711, %shift_right_arithmetic3A_724 : vector<8x2048xi32>
    %shift_right_arithmetic3A_726 = vector.broadcast %get3A_4 : i32 to vector<8x2048xi32>
    %shift_right_arithmetic3A_727 = arith.shrsi %mul3A_725, %shift_right_arithmetic3A_726 : vector<8x2048xi32>
    %shift_right_arithmetic3A_728 = arith.constant 16 : i32
    %shift_right_arithmetic3A_729 = vector.broadcast %shift_right_arithmetic3A_728 : i32 to vector<8x2048xi32>
    %shift_right_arithmetic3A_730 = arith.shrsi %select_n3A_718, %shift_right_arithmetic3A_729 : vector<8x2048xi32>
    %shift_left3A_731 = vector.broadcast %get3A_6 : i32 to vector<8x2048xi32>
    %shift_left3A_732 = arith.shli %shift_right_arithmetic3A_730, %shift_left3A_731 : vector<8x2048xi32>
    %add3A_733 = arith.addi %shift_left3A_732, %shift_right_arithmetic3A_727 : vector<8x2048xi32>
    %convert_element_type3A_734 = arith.sitofp %add3A_733 : vector<8x2048xi32> to vector<8x2048xf32>
    %mul3A_735 = vector.broadcast %get3A_2 : f32 to vector<8x2048xf32>
    %mul3A_736 = arith.mulf %convert_element_type3A_734, %mul3A_735 : vector<8x2048xf32>
    %swap3A_737 = arith.constant 104 : index
    %swap3A_738 = arith.constant 0 : index
    %swap3A_739 = vector.load %arg6[%swap3A_737, %swap3A_738] : memref<256x2048xf32, #tpu.memory_space<vmem>>, vector<8x2048xf32>
    tpu.vector_store %arg6[%swap3A_737, %swap3A_738], %mul3A_736 {strides = array<i32>} : memref<256x2048xf32, #tpu.memory_space<vmem>>, vector<8x2048xf32>,
    %get3A_740 = arith.constant 112 : index
    %get3A_741 = arith.constant 0 : index
    %get3A_742 = vector.load %arg3[%get3A_740, %get3A_741] : memref<256x2048xf32, #tpu.memory_space<vmem>>, vector<8x2048xf32>
    %mul3A_743 = vector.broadcast %get3A_0 : f32 to vector<8x2048xf32>
    %mul3A_744 = arith.mulf %get3A_742, %mul3A_743 : vector<8x2048xf32>
    %floor3A_745 = math.floor %mul3A_744 : vector<8x2048xf32>
    %jit3A_746 = arith.constant -3.276800e+04 : f32
    %jit3A_747 = arith.constant 3.276700e+04 : f32
    %max3A_748 = vector.broadcast %jit3A_746 : f32 to vector<8x2048xf32>
    %max3A_749 = arith.maximumf %max3A_748, %floor3A_745 : vector<8x2048xf32>
    %min3A_750 = vector.broadcast %jit3A_747 : f32 to vector<8x2048xf32>
    %min3A_751 = arith.minimumf %min3A_750, %max3A_749 : vector<8x2048xf32>
    %convert_element_type3A_752 = arith.fptosi %min3A_751 : vector<8x2048xf32> to vector<8x2048xi32>
    %shift_right_arithmetic3A_753 = arith.constant 8 : i32
    %shift_right_arithmetic3A_754 = vector.broadcast %shift_right_arithmetic3A_753 : i32 to vector<8x2048xi32>
    %shift_right_arithmetic3A_755 = arith.shrsi %convert_element_type3A_752, %shift_right_arithmetic3A_754 : vector<8x2048xi32>
    %and3A_756 = arith.constant 127 : i32
    %and3A_757 = vector.broadcast %and3A_756 : i32 to vector<8x2048xi32>
    %and3A_758 = arith.andi %shift_right_arithmetic3A_755, %and3A_757 : vector<8x2048xi32>
    %ge3A_759 = arith.constant 0 : i32
    %ge3A_760 = vector.broadcast %ge3A_759 : i32 to vector<8x2048xi32>
    %ge3A_761 = arith.cmpi sge, %convert_element_type3A_752, %ge3A_760 : vector<8x2048xi32>
    %and3A_762 = arith.constant 255 : i32
    %and3A_763 = vector.broadcast %and3A_762 : i32 to vector<8x2048xi32>
    %and3A_764 = arith.andi %convert_element_type3A_752, %and3A_763 : vector<8x2048xi32>
    %reshape3A_765 = vector.shape_cast %and3A_758 : vector<8x2048xi32> to vector<8x2048x1xi32>
    %gather3A_766 = vector.shape_cast %reshape3A_765 : vector<8x2048x1xi32> to vector<8x2048xi32>
    %gather3A_767 = tpu.dynamic_gather %get3A_9[%gather3A_766] in [1] : vector<8x128xi32>, vector<8x2048xi32> -> vector<8x2048xi32>
    %reshape3A_768 = vector.shape_cast %and3A_758 : vector<8x2048xi32> to vector<8x2048x1xi32>
    %gather3A_769 = vector.shape_cast %reshape3A_768 : vector<8x2048x1xi32> to vector<8x2048xi32>
    %gather3A_770 = tpu.dynamic_gather %get3A_12[%gather3A_769] in [1] : vector<8x128xi32>, vector<8x2048xi32> -> vector<8x2048xi32>
    %select_n3A_771 = arith.select %ge3A_761, %gather3A_770, %gather3A_767 : vector<8x2048xi1>, vector<8x2048xi32>
    %shift_left3A_772 = arith.constant 16 : i32
    %shift_left3A_773 = vector.broadcast %shift_left3A_772 : i32 to vector<8x2048xi32>
    %shift_left3A_774 = arith.shli %select_n3A_771, %shift_left3A_773 : vector<8x2048xi32>
    %shift_right_arithmetic3A_775 = arith.constant 16 : i32
    %shift_right_arithmetic3A_776 = vector.broadcast %shift_right_arithmetic3A_775 : i32 to vector<8x2048xi32>
    %shift_right_arithmetic3A_777 = arith.shrsi %shift_left3A_774, %shift_right_arithmetic3A_776 : vector<8x2048xi32>
    %mul3A_778 = arith.muli %and3A_764, %shift_right_arithmetic3A_777 : vector<8x2048xi32>
    %shift_right_arithmetic3A_779 = vector.broadcast %get3A_4 : i32 to vector<8x2048xi32>
    %shift_right_arithmetic3A_780 = arith.shrsi %mul3A_778, %shift_right_arithmetic3A_779 : vector<8x2048xi32>
    %shift_right_arithmetic3A_781 = arith.constant 16 : i32
    %shift_right_arithmetic3A_782 = vector.broadcast %shift_right_arithmetic3A_781 : i32 to vector<8x2048xi32>
    %shift_right_arithmetic3A_783 = arith.shrsi %select_n3A_771, %shift_right_arithmetic3A_782 : vector<8x2048xi32>
    %shift_left3A_784 = vector.broadcast %get3A_6 : i32 to vector<8x2048xi32>
    %shift_left3A_785 = arith.shli %shift_right_arithmetic3A_783, %shift_left3A_784 : vector<8x2048xi32>
    %add3A_786 = arith.addi %shift_left3A_785, %shift_right_arithmetic3A_780 : vector<8x2048xi32>
    %convert_element_type3A_787 = arith.sitofp %add3A_786 : vector<8x2048xi32> to vector<8x2048xf32>
    %mul3A_788 = vector.broadcast %get3A_2 : f32 to vector<8x2048xf32>
    %mul3A_789 = arith.mulf %convert_element_type3A_787, %mul3A_788 : vector<8x2048xf32>
    %swap3A_790 = arith.constant 112 : index
    %swap3A_791 = arith.constant 0 : index
    %swap3A_792 = vector.load %arg6[%swap3A_790, %swap3A_791] : memref<256x2048xf32, #tpu.memory_space<vmem>>, vector<8x2048xf32>
    tpu.vector_store %arg6[%swap3A_790, %swap3A_791], %mul3A_789 {strides = array<i32>} : memref<256x2048xf32, #tpu.memory_space<vmem>>, vector<8x2048xf32>,
    %get3A_793 = arith.constant 120 : index
    %get3A_794 = arith.constant 0 : index
    %get3A_795 = vector.load %arg3[%get3A_793, %get3A_794] : memref<256x2048xf32, #tpu.memory_space<vmem>>, vector<8x2048xf32>
    %mul3A_796 = vector.broadcast %get3A_0 : f32 to vector<8x2048xf32>
    %mul3A_797 = arith.mulf %get3A_795, %mul3A_796 : vector<8x2048xf32>
    %floor3A_798 = math.floor %mul3A_797 : vector<8x2048xf32>
    %jit3A_799 = arith.constant -3.276800e+04 : f32
    %jit3A_800 = arith.constant 3.276700e+04 : f32
    %max3A_801 = vector.broadcast %jit3A_799 : f32 to vector<8x2048xf32>
    %max3A_802 = arith.maximumf %max3A_801, %floor3A_798 : vector<8x2048xf32>
    %min3A_803 = vector.broadcast %jit3A_800 : f32 to vector<8x2048xf32>
    %min3A_804 = arith.minimumf %min3A_803, %max3A_802 : vector<8x2048xf32>
    %convert_element_type3A_805 = arith.fptosi %min3A_804 : vector<8x2048xf32> to vector<8x2048xi32>
    %shift_right_arithmetic3A_806 = arith.constant 8 : i32
    %shift_right_arithmetic3A_807 = vector.broadcast %shift_right_arithmetic3A_806 : i32 to vector<8x2048xi32>
    %shift_right_arithmetic3A_808 = arith.shrsi %convert_element_type3A_805, %shift_right_arithmetic3A_807 : vector<8x2048xi32>
    %and3A_809 = arith.constant 127 : i32
    %and3A_810 = vector.broadcast %and3A_809 : i32 to vector<8x2048xi32>
    %and3A_811 = arith.andi %shift_right_arithmetic3A_808, %and3A_810 : vector<8x2048xi32>
    %ge3A_812 = arith.constant 0 : i32
    %ge3A_813 = vector.broadcast %ge3A_812 : i32 to vector<8x2048xi32>
    %ge3A_814 = arith.cmpi sge, %convert_element_type3A_805, %ge3A_813 : vector<8x2048xi32>
    %and3A_815 = arith.constant 255 : i32
    %and3A_816 = vector.broadcast %and3A_815 : i32 to vector<8x2048xi32>
    %and3A_817 = arith.andi %convert_element_type3A_805, %and3A_816 : vector<8x2048xi32>
    %reshape3A_818 = vector.shape_cast %and3A_811 : vector<8x2048xi32> to vector<8x2048x1xi32>
    %gather3A_819 = vector.shape_cast %reshape3A_818 : vector<8x2048x1xi32> to vector<8x2048xi32>
    %gather3A_820 = tpu.dynamic_gather %get3A_9[%gather3A_819] in [1] : vector<8x128xi32>, vector<8x2048xi32> -> vector<8x2048xi32>
    %reshape3A_821 = vector.shape_cast %and3A_811 : vector<8x2048xi32> to vector<8x2048x1xi32>
    %gather3A_822 = vector.shape_cast %reshape3A_821 : vector<8x2048x1xi32> to vector<8x2048xi32>
    %gather3A_823 = tpu.dynamic_gather %get3A_12[%gather3A_822] in [1] : vector<8x128xi32>, vector<8x2048xi32> -> vector<8x2048xi32>
    %select_n3A_824 = arith.select %ge3A_814, %gather3A_823, %gather3A_820 : vector<8x2048xi1>, vector<8x2048xi32>
    %shift_left3A_825 = arith.constant 16 : i32
    %shift_left3A_826 = vector.broadcast %shift_left3A_825 : i32 to vector<8x2048xi32>
    %shift_left3A_827 = arith.shli %select_n3A_824, %shift_left3A_826 : vector<8x2048xi32>
    %shift_right_arithmetic3A_828 = arith.constant 16 : i32
    %shift_right_arithmetic3A_829 = vector.broadcast %shift_right_arithmetic3A_828 : i32 to vector<8x2048xi32>
    %shift_right_arithmetic3A_830 = arith.shrsi %shift_left3A_827, %shift_right_arithmetic3A_829 : vector<8x2048xi32>
    %mul3A_831 = arith.muli %and3A_817, %shift_right_arithmetic3A_830 : vector<8x2048xi32>
    %shift_right_arithmetic3A_832 = vector.broadcast %get3A_4 : i32 to vector<8x2048xi32>
    %shift_right_arithmetic3A_833 = arith.shrsi %mul3A_831, %shift_right_arithmetic3A_832 : vector<8x2048xi32>
    %shift_right_arithmetic3A_834 = arith.constant 16 : i32
    %shift_right_arithmetic3A_835 = vector.broadcast %shift_right_arithmetic3A_834 : i32 to vector<8x2048xi32>
    %shift_right_arithmetic3A_836 = arith.shrsi %select_n3A_824, %shift_right_arithmetic3A_835 : vector<8x2048xi32>
    %shift_left3A_837 = vector.broadcast %get3A_6 : i32 to vector<8x2048xi32>
    %shift_left3A_838 = arith.shli %shift_right_arithmetic3A_836, %shift_left3A_837 : vector<8x2048xi32>
    %add3A_839 = arith.addi %shift_left3A_838, %shift_right_arithmetic3A_833 : vector<8x2048xi32>
    %convert_element_type3A_840 = arith.sitofp %add3A_839 : vector<8x2048xi32> to vector<8x2048xf32>
    %mul3A_841 = vector.broadcast %get3A_2 : f32 to vector<8x2048xf32>
    %mul3A_842 = arith.mulf %convert_element_type3A_840, %mul3A_841 : vector<8x2048xf32>
    %swap3A_843 = arith.constant 120 : index
    %swap3A_844 = arith.constant 0 : index
    %swap3A_845 = vector.load %arg6[%swap3A_843, %swap3A_844] : memref<256x2048xf32, #tpu.memory_space<vmem>>, vector<8x2048xf32>
    tpu.vector_store %arg6[%swap3A_843, %swap3A_844], %mul3A_842 {strides = array<i32>} : memref<256x2048xf32, #tpu.memory_space<vmem>>, vector<8x2048xf32>,
    %get3A_846 = arith.constant 128 : index
    %get3A_847 = arith.constant 0 : index
    %get3A_848 = vector.load %arg3[%get3A_846, %get3A_847] : memref<256x2048xf32, #tpu.memory_space<vmem>>, vector<8x2048xf32>
    %mul3A_849 = vector.broadcast %get3A_0 : f32 to vector<8x2048xf32>
    %mul3A_850 = arith.mulf %get3A_848, %mul3A_849 : vector<8x2048xf32>
    %floor3A_851 = math.floor %mul3A_850 : vector<8x2048xf32>
    %jit3A_852 = arith.constant -3.276800e+04 : f32
    %jit3A_853 = arith.constant 3.276700e+04 : f32
    %max3A_854 = vector.broadcast %jit3A_852 : f32 to vector<8x2048xf32>
    %max3A_855 = arith.maximumf %max3A_854, %floor3A_851 : vector<8x2048xf32>
    %min3A_856 = vector.broadcast %jit3A_853 : f32 to vector<8x2048xf32>
    %min3A_857 = arith.minimumf %min3A_856, %max3A_855 : vector<8x2048xf32>
    %convert_element_type3A_858 = arith.fptosi %min3A_857 : vector<8x2048xf32> to vector<8x2048xi32>
    %shift_right_arithmetic3A_859 = arith.constant 8 : i32
    %shift_right_arithmetic3A_860 = vector.broadcast %shift_right_arithmetic3A_859 : i32 to vector<8x2048xi32>
    %shift_right_arithmetic3A_861 = arith.shrsi %convert_element_type3A_858, %shift_right_arithmetic3A_860 : vector<8x2048xi32>
    %and3A_862 = arith.constant 127 : i32
    %and3A_863 = vector.broadcast %and3A_862 : i32 to vector<8x2048xi32>
    %and3A_864 = arith.andi %shift_right_arithmetic3A_861, %and3A_863 : vector<8x2048xi32>
    %ge3A_865 = arith.constant 0 : i32
    %ge3A_866 = vector.broadcast %ge3A_865 : i32 to vector<8x2048xi32>
    %ge3A_867 = arith.cmpi sge, %convert_element_type3A_858, %ge3A_866 : vector<8x2048xi32>
    %and3A_868 = arith.constant 255 : i32
    %and3A_869 = vector.broadcast %and3A_868 : i32 to vector<8x2048xi32>
    %and3A_870 = arith.andi %convert_element_type3A_858, %and3A_869 : vector<8x2048xi32>
    %reshape3A_871 = vector.shape_cast %and3A_864 : vector<8x2048xi32> to vector<8x2048x1xi32>
    %gather3A_872 = vector.shape_cast %reshape3A_871 : vector<8x2048x1xi32> to vector<8x2048xi32>
    %gather3A_873 = tpu.dynamic_gather %get3A_9[%gather3A_872] in [1] : vector<8x128xi32>, vector<8x2048xi32> -> vector<8x2048xi32>
    %reshape3A_874 = vector.shape_cast %and3A_864 : vector<8x2048xi32> to vector<8x2048x1xi32>
    %gather3A_875 = vector.shape_cast %reshape3A_874 : vector<8x2048x1xi32> to vector<8x2048xi32>
    %gather3A_876 = tpu.dynamic_gather %get3A_12[%gather3A_875] in [1] : vector<8x128xi32>, vector<8x2048xi32> -> vector<8x2048xi32>
    %select_n3A_877 = arith.select %ge3A_867, %gather3A_876, %gather3A_873 : vector<8x2048xi1>, vector<8x2048xi32>
    %shift_left3A_878 = arith.constant 16 : i32
    %shift_left3A_879 = vector.broadcast %shift_left3A_878 : i32 to vector<8x2048xi32>
    %shift_left3A_880 = arith.shli %select_n3A_877, %shift_left3A_879 : vector<8x2048xi32>
    %shift_right_arithmetic3A_881 = arith.constant 16 : i32
    %shift_right_arithmetic3A_882 = vector.broadcast %shift_right_arithmetic3A_881 : i32 to vector<8x2048xi32>
    %shift_right_arithmetic3A_883 = arith.shrsi %shift_left3A_880, %shift_right_arithmetic3A_882 : vector<8x2048xi32>
    %mul3A_884 = arith.muli %and3A_870, %shift_right_arithmetic3A_883 : vector<8x2048xi32>
    %shift_right_arithmetic3A_885 = vector.broadcast %get3A_4 : i32 to vector<8x2048xi32>
    %shift_right_arithmetic3A_886 = arith.shrsi %mul3A_884, %shift_right_arithmetic3A_885 : vector<8x2048xi32>
    %shift_right_arithmetic3A_887 = arith.constant 16 : i32
    %shift_right_arithmetic3A_888 = vector.broadcast %shift_right_arithmetic3A_887 : i32 to vector<8x2048xi32>
    %shift_right_arithmetic3A_889 = arith.shrsi %select_n3A_877, %shift_right_arithmetic3A_888 : vector<8x2048xi32>
    %shift_left3A_890 = vector.broadcast %get3A_6 : i32 to vector<8x2048xi32>
    %shift_left3A_891 = arith.shli %shift_right_arithmetic3A_889, %shift_left3A_890 : vector<8x2048xi32>
    %add3A_892 = arith.addi %shift_left3A_891, %shift_right_arithmetic3A_886 : vector<8x2048xi32>
    %convert_element_type3A_893 = arith.sitofp %add3A_892 : vector<8x2048xi32> to vector<8x2048xf32>
    %mul3A_894 = vector.broadcast %get3A_2 : f32 to vector<8x2048xf32>
    %mul3A_895 = arith.mulf %convert_element_type3A_893, %mul3A_894 : vector<8x2048xf32>
    %swap3A_896 = arith.constant 128 : index
    %swap3A_897 = arith.constant 0 : index
    %swap3A_898 = vector.load %arg6[%swap3A_896, %swap3A_897] : memref<256x2048xf32, #tpu.memory_space<vmem>>, vector<8x2048xf32>
    tpu.vector_store %arg6[%swap3A_896, %swap3A_897], %mul3A_895 {strides = array<i32>} : memref<256x2048xf32, #tpu.memory_space<vmem>>, vector<8x2048xf32>,
    %get3A_899 = arith.constant 136 : index
    %get3A_900 = arith.constant 0 : index
    %get3A_901 = vector.load %arg3[%get3A_899, %get3A_900] : memref<256x2048xf32, #tpu.memory_space<vmem>>, vector<8x2048xf32>
    %mul3A_902 = vector.broadcast %get3A_0 : f32 to vector<8x2048xf32>
    %mul3A_903 = arith.mulf %get3A_901, %mul3A_902 : vector<8x2048xf32>
    %floor3A_904 = math.floor %mul3A_903 : vector<8x2048xf32>
    %jit3A_905 = arith.constant -3.276800e+04 : f32
    %jit3A_906 = arith.constant 3.276700e+04 : f32
    %max3A_907 = vector.broadcast %jit3A_905 : f32 to vector<8x2048xf32>
    %max3A_908 = arith.maximumf %max3A_907, %floor3A_904 : vector<8x2048xf32>
    %min3A_909 = vector.broadcast %jit3A_906 : f32 to vector<8x2048xf32>
    %min3A_910 = arith.minimumf %min3A_909, %max3A_908 : vector<8x2048xf32>
    %convert_element_type3A_911 = arith.fptosi %min3A_910 : vector<8x2048xf32> to vector<8x2048xi32>
    %shift_right_arithmetic3A_912 = arith.constant 8 : i32
    %shift_right_arithmetic3A_913 = vector.broadcast %shift_right_arithmetic3A_912 : i32 to vector<8x2048xi32>
    %shift_right_arithmetic3A_914 = arith.shrsi %convert_element_type3A_911, %shift_right_arithmetic3A_913 : vector<8x2048xi32>
    %and3A_915 = arith.constant 127 : i32
    %and3A_916 = vector.broadcast %and3A_915 : i32 to vector<8x2048xi32>
    %and3A_917 = arith.andi %shift_right_arithmetic3A_914, %and3A_916 : vector<8x2048xi32>
    %ge3A_918 = arith.constant 0 : i32
    %ge3A_919 = vector.broadcast %ge3A_918 : i32 to vector<8x2048xi32>
    %ge3A_920 = arith.cmpi sge, %convert_element_type3A_911, %ge3A_919 : vector<8x2048xi32>
    %and3A_921 = arith.constant 255 : i32
    %and3A_922 = vector.broadcast %and3A_921 : i32 to vector<8x2048xi32>
    %and3A_923 = arith.andi %convert_element_type3A_911, %and3A_922 : vector<8x2048xi32>
    %reshape3A_924 = vector.shape_cast %and3A_917 : vector<8x2048xi32> to vector<8x2048x1xi32>
    %gather3A_925 = vector.shape_cast %reshape3A_924 : vector<8x2048x1xi32> to vector<8x2048xi32>
    %gather3A_926 = tpu.dynamic_gather %get3A_9[%gather3A_925] in [1] : vector<8x128xi32>, vector<8x2048xi32> -> vector<8x2048xi32>
    %reshape3A_927 = vector.shape_cast %and3A_917 : vector<8x2048xi32> to vector<8x2048x1xi32>
    %gather3A_928 = vector.shape_cast %reshape3A_927 : vector<8x2048x1xi32> to vector<8x2048xi32>
    %gather3A_929 = tpu.dynamic_gather %get3A_12[%gather3A_928] in [1] : vector<8x128xi32>, vector<8x2048xi32> -> vector<8x2048xi32>
    %select_n3A_930 = arith.select %ge3A_920, %gather3A_929, %gather3A_926 : vector<8x2048xi1>, vector<8x2048xi32>
    %shift_left3A_931 = arith.constant 16 : i32
    %shift_left3A_932 = vector.broadcast %shift_left3A_931 : i32 to vector<8x2048xi32>
    %shift_left3A_933 = arith.shli %select_n3A_930, %shift_left3A_932 : vector<8x2048xi32>
    %shift_right_arithmetic3A_934 = arith.constant 16 : i32
    %shift_right_arithmetic3A_935 = vector.broadcast %shift_right_arithmetic3A_934 : i32 to vector<8x2048xi32>
    %shift_right_arithmetic3A_936 = arith.shrsi %shift_left3A_933, %shift_right_arithmetic3A_935 : vector<8x2048xi32>
    %mul3A_937 = arith.muli %and3A_923, %shift_right_arithmetic3A_936 : vector<8x2048xi32>
    %shift_right_arithmetic3A_938 = vector.broadcast %get3A_4 : i32 to vector<8x2048xi32>
    %shift_right_arithmetic3A_939 = arith.shrsi %mul3A_937, %shift_right_arithmetic3A_938 : vector<8x2048xi32>
    %shift_right_arithmetic3A_940 = arith.constant 16 : i32
    %shift_right_arithmetic3A_941 = vector.broadcast %shift_right_arithmetic3A_940 : i32 to vector<8x2048xi32>
    %shift_right_arithmetic3A_942 = arith.shrsi %select_n3A_930, %shift_right_arithmetic3A_941 : vector<8x2048xi32>
    %shift_left3A_943 = vector.broadcast %get3A_6 : i32 to vector<8x2048xi32>
    %shift_left3A_944 = arith.shli %shift_right_arithmetic3A_942, %shift_left3A_943 : vector<8x2048xi32>
    %add3A_945 = arith.addi %shift_left3A_944, %shift_right_arithmetic3A_939 : vector<8x2048xi32>
    %convert_element_type3A_946 = arith.sitofp %add3A_945 : vector<8x2048xi32> to vector<8x2048xf32>
    %mul3A_947 = vector.broadcast %get3A_2 : f32 to vector<8x2048xf32>
    %mul3A_948 = arith.mulf %convert_element_type3A_946, %mul3A_947 : vector<8x2048xf32>
    %swap3A_949 = arith.constant 136 : index
    %swap3A_950 = arith.constant 0 : index
    %swap3A_951 = vector.load %arg6[%swap3A_949, %swap3A_950] : memref<256x2048xf32, #tpu.memory_space<vmem>>, vector<8x2048xf32>
    tpu.vector_store %arg6[%swap3A_949, %swap3A_950], %mul3A_948 {strides = array<i32>} : memref<256x2048xf32, #tpu.memory_space<vmem>>, vector<8x2048xf32>,
    %get3A_952 = arith.constant 144 : index
    %get3A_953 = arith.constant 0 : index
    %get3A_954 = vector.load %arg3[%get3A_952, %get3A_953] : memref<256x2048xf32, #tpu.memory_space<vmem>>, vector<8x2048xf32>
    %mul3A_955 = vector.broadcast %get3A_0 : f32 to vector<8x2048xf32>
    %mul3A_956 = arith.mulf %get3A_954, %mul3A_955 : vector<8x2048xf32>
    %floor3A_957 = math.floor %mul3A_956 : vector<8x2048xf32>
    %jit3A_958 = arith.constant -3.276800e+04 : f32
    %jit3A_959 = arith.constant 3.276700e+04 : f32
    %max3A_960 = vector.broadcast %jit3A_958 : f32 to vector<8x2048xf32>
    %max3A_961 = arith.maximumf %max3A_960, %floor3A_957 : vector<8x2048xf32>
    %min3A_962 = vector.broadcast %jit3A_959 : f32 to vector<8x2048xf32>
    %min3A_963 = arith.minimumf %min3A_962, %max3A_961 : vector<8x2048xf32>
    %convert_element_type3A_964 = arith.fptosi %min3A_963 : vector<8x2048xf32> to vector<8x2048xi32>
    %shift_right_arithmetic3A_965 = arith.constant 8 : i32
    %shift_right_arithmetic3A_966 = vector.broadcast %shift_right_arithmetic3A_965 : i32 to vector<8x2048xi32>
    %shift_right_arithmetic3A_967 = arith.shrsi %convert_element_type3A_964, %shift_right_arithmetic3A_966 : vector<8x2048xi32>
    %and3A_968 = arith.constant 127 : i32
    %and3A_969 = vector.broadcast %and3A_968 : i32 to vector<8x2048xi32>
    %and3A_970 = arith.andi %shift_right_arithmetic3A_967, %and3A_969 : vector<8x2048xi32>
    %ge3A_971 = arith.constant 0 : i32
    %ge3A_972 = vector.broadcast %ge3A_971 : i32 to vector<8x2048xi32>
    %ge3A_973 = arith.cmpi sge, %convert_element_type3A_964, %ge3A_972 : vector<8x2048xi32>
    %and3A_974 = arith.constant 255 : i32
    %and3A_975 = vector.broadcast %and3A_974 : i32 to vector<8x2048xi32>
    %and3A_976 = arith.andi %convert_element_type3A_964, %and3A_975 : vector<8x2048xi32>
    %reshape3A_977 = vector.shape_cast %and3A_970 : vector<8x2048xi32> to vector<8x2048x1xi32>
    %gather3A_978 = vector.shape_cast %reshape3A_977 : vector<8x2048x1xi32> to vector<8x2048xi32>
    %gather3A_979 = tpu.dynamic_gather %get3A_9[%gather3A_978] in [1] : vector<8x128xi32>, vector<8x2048xi32> -> vector<8x2048xi32>
    %reshape3A_980 = vector.shape_cast %and3A_970 : vector<8x2048xi32> to vector<8x2048x1xi32>
    %gather3A_981 = vector.shape_cast %reshape3A_980 : vector<8x2048x1xi32> to vector<8x2048xi32>
    %gather3A_982 = tpu.dynamic_gather %get3A_12[%gather3A_981] in [1] : vector<8x128xi32>, vector<8x2048xi32> -> vector<8x2048xi32>
    %select_n3A_983 = arith.select %ge3A_973, %gather3A_982, %gather3A_979 : vector<8x2048xi1>, vector<8x2048xi32>
    %shift_left3A_984 = arith.constant 16 : i32
    %shift_left3A_985 = vector.broadcast %shift_left3A_984 : i32 to vector<8x2048xi32>
    %shift_left3A_986 = arith.shli %select_n3A_983, %shift_left3A_985 : vector<8x2048xi32>
    %shift_right_arithmetic3A_987 = arith.constant 16 : i32
    %shift_right_arithmetic3A_988 = vector.broadcast %shift_right_arithmetic3A_987 : i32 to vector<8x2048xi32>
    %shift_right_arithmetic3A_989 = arith.shrsi %shift_left3A_986, %shift_right_arithmetic3A_988 : vector<8x2048xi32>
    %mul3A_990 = arith.muli %and3A_976, %shift_right_arithmetic3A_989 : vector<8x2048xi32>
    %shift_right_arithmetic3A_991 = vector.broadcast %get3A_4 : i32 to vector<8x2048xi32>
    %shift_right_arithmetic3A_992 = arith.shrsi %mul3A_990, %shift_right_arithmetic3A_991 : vector<8x2048xi32>
    %shift_right_arithmetic3A_993 = arith.constant 16 : i32
    %shift_right_arithmetic3A_994 = vector.broadcast %shift_right_arithmetic3A_993 : i32 to vector<8x2048xi32>
    %shift_right_arithmetic3A_995 = arith.shrsi %select_n3A_983, %shift_right_arithmetic3A_994 : vector<8x2048xi32>
    %shift_left3A_996 = vector.broadcast %get3A_6 : i32 to vector<8x2048xi32>
    %shift_left3A_997 = arith.shli %shift_right_arithmetic3A_995, %shift_left3A_996 : vector<8x2048xi32>
    %add3A_998 = arith.addi %shift_left3A_997, %shift_right_arithmetic3A_992 : vector<8x2048xi32>
    %convert_element_type3A_999 = arith.sitofp %add3A_998 : vector<8x2048xi32> to vector<8x2048xf32>
    %mul3A_1000 = vector.broadcast %get3A_2 : f32 to vector<8x2048xf32>
    %mul3A_1001 = arith.mulf %convert_element_type3A_999, %mul3A_1000 : vector<8x2048xf32>
    %swap3A_1002 = arith.constant 144 : index
    %swap3A_1003 = arith.constant 0 : index
    %swap3A_1004 = vector.load %arg6[%swap3A_1002, %swap3A_1003] : memref<256x2048xf32, #tpu.memory_space<vmem>>, vector<8x2048xf32>
    tpu.vector_store %arg6[%swap3A_1002, %swap3A_1003], %mul3A_1001 {strides = array<i32>} : memref<256x2048xf32, #tpu.memory_space<vmem>>, vector<8x2048xf32>,
    %get3A_1005 = arith.constant 152 : index
    %get3A_1006 = arith.constant 0 : index
    %get3A_1007 = vector.load %arg3[%get3A_1005, %get3A_1006] : memref<256x2048xf32, #tpu.memory_space<vmem>>, vector<8x2048xf32>
    %mul3A_1008 = vector.broadcast %get3A_0 : f32 to vector<8x2048xf32>
    %mul3A_1009 = arith.mulf %get3A_1007, %mul3A_1008 : vector<8x2048xf32>
    %floor3A_1010 = math.floor %mul3A_1009 : vector<8x2048xf32>
    %jit3A_1011 = arith.constant -3.276800e+04 : f32
    %jit3A_1012 = arith.constant 3.276700e+04 : f32
    %max3A_1013 = vector.broadcast %jit3A_1011 : f32 to vector<8x2048xf32>
    %max3A_1014 = arith.maximumf %max3A_1013, %floor3A_1010 : vector<8x2048xf32>
    %min3A_1015 = vector.broadcast %jit3A_1012 : f32 to vector<8x2048xf32>
    %min3A_1016 = arith.minimumf %min3A_1015, %max3A_1014 : vector<8x2048xf32>
    %convert_element_type3A_1017 = arith.fptosi %min3A_1016 : vector<8x2048xf32> to vector<8x2048xi32>
    %shift_right_arithmetic3A_1018 = arith.constant 8 : i32
    %shift_right_arithmetic3A_1019 = vector.broadcast %shift_right_arithmetic3A_1018 : i32 to vector<8x2048xi32>
    %shift_right_arithmetic3A_1020 = arith.shrsi %convert_element_type3A_1017, %shift_right_arithmetic3A_1019 : vector<8x2048xi32>
    %and3A_1021 = arith.constant 127 : i32
    %and3A_1022 = vector.broadcast %and3A_1021 : i32 to vector<8x2048xi32>
    %and3A_1023 = arith.andi %shift_right_arithmetic3A_1020, %and3A_1022 : vector<8x2048xi32>
    %ge3A_1024 = arith.constant 0 : i32
    %ge3A_1025 = vector.broadcast %ge3A_1024 : i32 to vector<8x2048xi32>
    %ge3A_1026 = arith.cmpi sge, %convert_element_type3A_1017, %ge3A_1025 : vector<8x2048xi32>
    %and3A_1027 = arith.constant 255 : i32
    %and3A_1028 = vector.broadcast %and3A_1027 : i32 to vector<8x2048xi32>
    %and3A_1029 = arith.andi %convert_element_type3A_1017, %and3A_1028 : vector<8x2048xi32>
    %reshape3A_1030 = vector.shape_cast %and3A_1023 : vector<8x2048xi32> to vector<8x2048x1xi32>
    %gather3A_1031 = vector.shape_cast %reshape3A_1030 : vector<8x2048x1xi32> to vector<8x2048xi32>
    %gather3A_1032 = tpu.dynamic_gather %get3A_9[%gather3A_1031] in [1] : vector<8x128xi32>, vector<8x2048xi32> -> vector<8x2048xi32>
    %reshape3A_1033 = vector.shape_cast %and3A_1023 : vector<8x2048xi32> to vector<8x2048x1xi32>
    %gather3A_1034 = vector.shape_cast %reshape3A_1033 : vector<8x2048x1xi32> to vector<8x2048xi32>
    %gather3A_1035 = tpu.dynamic_gather %get3A_12[%gather3A_1034] in [1] : vector<8x128xi32>, vector<8x2048xi32> -> vector<8x2048xi32>
    %select_n3A_1036 = arith.select %ge3A_1026, %gather3A_1035, %gather3A_1032 : vector<8x2048xi1>, vector<8x2048xi32>
    %shift_left3A_1037 = arith.constant 16 : i32
    %shift_left3A_1038 = vector.broadcast %shift_left3A_1037 : i32 to vector<8x2048xi32>
    %shift_left3A_1039 = arith.shli %select_n3A_1036, %shift_left3A_1038 : vector<8x2048xi32>
    %shift_right_arithmetic3A_1040 = arith.constant 16 : i32
    %shift_right_arithmetic3A_1041 = vector.broadcast %shift_right_arithmetic3A_1040 : i32 to vector<8x2048xi32>
    %shift_right_arithmetic3A_1042 = arith.shrsi %shift_left3A_1039, %shift_right_arithmetic3A_1041 : vector<8x2048xi32>
    %mul3A_1043 = arith.muli %and3A_1029, %shift_right_arithmetic3A_1042 : vector<8x2048xi32>
    %shift_right_arithmetic3A_1044 = vector.broadcast %get3A_4 : i32 to vector<8x2048xi32>
    %shift_right_arithmetic3A_1045 = arith.shrsi %mul3A_1043, %shift_right_arithmetic3A_1044 : vector<8x2048xi32>
    %shift_right_arithmetic3A_1046 = arith.constant 16 : i32
    %shift_right_arithmetic3A_1047 = vector.broadcast %shift_right_arithmetic3A_1046 : i32 to vector<8x2048xi32>
    %shift_right_arithmetic3A_1048 = arith.shrsi %select_n3A_1036, %shift_right_arithmetic3A_1047 : vector<8x2048xi32>
    %shift_left3A_1049 = vector.broadcast %get3A_6 : i32 to vector<8x2048xi32>
    %shift_left3A_1050 = arith.shli %shift_right_arithmetic3A_1048, %shift_left3A_1049 : vector<8x2048xi32>
    %add3A_1051 = arith.addi %shift_left3A_1050, %shift_right_arithmetic3A_1045 : vector<8x2048xi32>
    %convert_element_type3A_1052 = arith.sitofp %add3A_1051 : vector<8x2048xi32> to vector<8x2048xf32>
    %mul3A_1053 = vector.broadcast %get3A_2 : f32 to vector<8x2048xf32>
    %mul3A_1054 = arith.mulf %convert_element_type3A_1052, %mul3A_1053 : vector<8x2048xf32>
    %swap3A_1055 = arith.constant 152 : index
    %swap3A_1056 = arith.constant 0 : index
    %swap3A_1057 = vector.load %arg6[%swap3A_1055, %swap3A_1056] : memref<256x2048xf32, #tpu.memory_space<vmem>>, vector<8x2048xf32>
    tpu.vector_store %arg6[%swap3A_1055, %swap3A_1056], %mul3A_1054 {strides = array<i32>} : memref<256x2048xf32, #tpu.memory_space<vmem>>, vector<8x2048xf32>,
    %get3A_1058 = arith.constant 160 : index
    %get3A_1059 = arith.constant 0 : index
    %get3A_1060 = vector.load %arg3[%get3A_1058, %get3A_1059] : memref<256x2048xf32, #tpu.memory_space<vmem>>, vector<8x2048xf32>
    %mul3A_1061 = vector.broadcast %get3A_0 : f32 to vector<8x2048xf32>
    %mul3A_1062 = arith.mulf %get3A_1060, %mul3A_1061 : vector<8x2048xf32>
    %floor3A_1063 = math.floor %mul3A_1062 : vector<8x2048xf32>
    %jit3A_1064 = arith.constant -3.276800e+04 : f32
    %jit3A_1065 = arith.constant 3.276700e+04 : f32
    %max3A_1066 = vector.broadcast %jit3A_1064 : f32 to vector<8x2048xf32>
    %max3A_1067 = arith.maximumf %max3A_1066, %floor3A_1063 : vector<8x2048xf32>
    %min3A_1068 = vector.broadcast %jit3A_1065 : f32 to vector<8x2048xf32>
    %min3A_1069 = arith.minimumf %min3A_1068, %max3A_1067 : vector<8x2048xf32>
    %convert_element_type3A_1070 = arith.fptosi %min3A_1069 : vector<8x2048xf32> to vector<8x2048xi32>
    %shift_right_arithmetic3A_1071 = arith.constant 8 : i32
    %shift_right_arithmetic3A_1072 = vector.broadcast %shift_right_arithmetic3A_1071 : i32 to vector<8x2048xi32>
    %shift_right_arithmetic3A_1073 = arith.shrsi %convert_element_type3A_1070, %shift_right_arithmetic3A_1072 : vector<8x2048xi32>
    %and3A_1074 = arith.constant 127 : i32
    %and3A_1075 = vector.broadcast %and3A_1074 : i32 to vector<8x2048xi32>
    %and3A_1076 = arith.andi %shift_right_arithmetic3A_1073, %and3A_1075 : vector<8x2048xi32>
    %ge3A_1077 = arith.constant 0 : i32
    %ge3A_1078 = vector.broadcast %ge3A_1077 : i32 to vector<8x2048xi32>
    %ge3A_1079 = arith.cmpi sge, %convert_element_type3A_1070, %ge3A_1078 : vector<8x2048xi32>
    %and3A_1080 = arith.constant 255 : i32
    %and3A_1081 = vector.broadcast %and3A_1080 : i32 to vector<8x2048xi32>
    %and3A_1082 = arith.andi %convert_element_type3A_1070, %and3A_1081 : vector<8x2048xi32>
    %reshape3A_1083 = vector.shape_cast %and3A_1076 : vector<8x2048xi32> to vector<8x2048x1xi32>
    %gather3A_1084 = vector.shape_cast %reshape3A_1083 : vector<8x2048x1xi32> to vector<8x2048xi32>
    %gather3A_1085 = tpu.dynamic_gather %get3A_9[%gather3A_1084] in [1] : vector<8x128xi32>, vector<8x2048xi32> -> vector<8x2048xi32>
    %reshape3A_1086 = vector.shape_cast %and3A_1076 : vector<8x2048xi32> to vector<8x2048x1xi32>
    %gather3A_1087 = vector.shape_cast %reshape3A_1086 : vector<8x2048x1xi32> to vector<8x2048xi32>
    %gather3A_1088 = tpu.dynamic_gather %get3A_12[%gather3A_1087] in [1] : vector<8x128xi32>, vector<8x2048xi32> -> vector<8x2048xi32>
    %select_n3A_1089 = arith.select %ge3A_1079, %gather3A_1088, %gather3A_1085 : vector<8x2048xi1>, vector<8x2048xi32>
    %shift_left3A_1090 = arith.constant 16 : i32
    %shift_left3A_1091 = vector.broadcast %shift_left3A_1090 : i32 to vector<8x2048xi32>
    %shift_left3A_1092 = arith.shli %select_n3A_1089, %shift_left3A_1091 : vector<8x2048xi32>
    %shift_right_arithmetic3A_1093 = arith.constant 16 : i32
    %shift_right_arithmetic3A_1094 = vector.broadcast %shift_right_arithmetic3A_1093 : i32 to vector<8x2048xi32>
    %shift_right_arithmetic3A_1095 = arith.shrsi %shift_left3A_1092, %shift_right_arithmetic3A_1094 : vector<8x2048xi32>
    %mul3A_1096 = arith.muli %and3A_1082, %shift_right_arithmetic3A_1095 : vector<8x2048xi32>
    %shift_right_arithmetic3A_1097 = vector.broadcast %get3A_4 : i32 to vector<8x2048xi32>
    %shift_right_arithmetic3A_1098 = arith.shrsi %mul3A_1096, %shift_right_arithmetic3A_1097 : vector<8x2048xi32>
    %shift_right_arithmetic3A_1099 = arith.constant 16 : i32
    %shift_right_arithmetic3A_1100 = vector.broadcast %shift_right_arithmetic3A_1099 : i32 to vector<8x2048xi32>
    %shift_right_arithmetic3A_1101 = arith.shrsi %select_n3A_1089, %shift_right_arithmetic3A_1100 : vector<8x2048xi32>
    %shift_left3A_1102 = vector.broadcast %get3A_6 : i32 to vector<8x2048xi32>
    %shift_left3A_1103 = arith.shli %shift_right_arithmetic3A_1101, %shift_left3A_1102 : vector<8x2048xi32>
    %add3A_1104 = arith.addi %shift_left3A_1103, %shift_right_arithmetic3A_1098 : vector<8x2048xi32>
    %convert_element_type3A_1105 = arith.sitofp %add3A_1104 : vector<8x2048xi32> to vector<8x2048xf32>
    %mul3A_1106 = vector.broadcast %get3A_2 : f32 to vector<8x2048xf32>
    %mul3A_1107 = arith.mulf %convert_element_type3A_1105, %mul3A_1106 : vector<8x2048xf32>
    %swap3A_1108 = arith.constant 160 : index
    %swap3A_1109 = arith.constant 0 : index
    %swap3A_1110 = vector.load %arg6[%swap3A_1108, %swap3A_1109] : memref<256x2048xf32, #tpu.memory_space<vmem>>, vector<8x2048xf32>
    tpu.vector_store %arg6[%swap3A_1108, %swap3A_1109], %mul3A_1107 {strides = array<i32>} : memref<256x2048xf32, #tpu.memory_space<vmem>>, vector<8x2048xf32>,
    %get3A_1111 = arith.constant 168 : index
    %get3A_1112 = arith.constant 0 : index
    %get3A_1113 = vector.load %arg3[%get3A_1111, %get3A_1112] : memref<256x2048xf32, #tpu.memory_space<vmem>>, vector<8x2048xf32>
    %mul3A_1114 = vector.broadcast %get3A_0 : f32 to vector<8x2048xf32>
    %mul3A_1115 = arith.mulf %get3A_1113, %mul3A_1114 : vector<8x2048xf32>
    %floor3A_1116 = math.floor %mul3A_1115 : vector<8x2048xf32>
    %jit3A_1117 = arith.constant -3.276800e+04 : f32
    %jit3A_1118 = arith.constant 3.276700e+04 : f32
    %max3A_1119 = vector.broadcast %jit3A_1117 : f32 to vector<8x2048xf32>
    %max3A_1120 = arith.maximumf %max3A_1119, %floor3A_1116 : vector<8x2048xf32>
    %min3A_1121 = vector.broadcast %jit3A_1118 : f32 to vector<8x2048xf32>
    %min3A_1122 = arith.minimumf %min3A_1121, %max3A_1120 : vector<8x2048xf32>
    %convert_element_type3A_1123 = arith.fptosi %min3A_1122 : vector<8x2048xf32> to vector<8x2048xi32>
    %shift_right_arithmetic3A_1124 = arith.constant 8 : i32
    %shift_right_arithmetic3A_1125 = vector.broadcast %shift_right_arithmetic3A_1124 : i32 to vector<8x2048xi32>
    %shift_right_arithmetic3A_1126 = arith.shrsi %convert_element_type3A_1123, %shift_right_arithmetic3A_1125 : vector<8x2048xi32>
    %and3A_1127 = arith.constant 127 : i32
    %and3A_1128 = vector.broadcast %and3A_1127 : i32 to vector<8x2048xi32>
    %and3A_1129 = arith.andi %shift_right_arithmetic3A_1126, %and3A_1128 : vector<8x2048xi32>
    %ge3A_1130 = arith.constant 0 : i32
    %ge3A_1131 = vector.broadcast %ge3A_1130 : i32 to vector<8x2048xi32>
    %ge3A_1132 = arith.cmpi sge, %convert_element_type3A_1123, %ge3A_1131 : vector<8x2048xi32>
    %and3A_1133 = arith.constant 255 : i32
    %and3A_1134 = vector.broadcast %and3A_1133 : i32 to vector<8x2048xi32>
    %and3A_1135 = arith.andi %convert_element_type3A_1123, %and3A_1134 : vector<8x2048xi32>
    %reshape3A_1136 = vector.shape_cast %and3A_1129 : vector<8x2048xi32> to vector<8x2048x1xi32>
    %gather3A_1137 = vector.shape_cast %reshape3A_1136 : vector<8x2048x1xi32> to vector<8x2048xi32>
    %gather3A_1138 = tpu.dynamic_gather %get3A_9[%gather3A_1137] in [1] : vector<8x128xi32>, vector<8x2048xi32> -> vector<8x2048xi32>
    %reshape3A_1139 = vector.shape_cast %and3A_1129 : vector<8x2048xi32> to vector<8x2048x1xi32>
    %gather3A_1140 = vector.shape_cast %reshape3A_1139 : vector<8x2048x1xi32> to vector<8x2048xi32>
    %gather3A_1141 = tpu.dynamic_gather %get3A_12[%gather3A_1140] in [1] : vector<8x128xi32>, vector<8x2048xi32> -> vector<8x2048xi32>
    %select_n3A_1142 = arith.select %ge3A_1132, %gather3A_1141, %gather3A_1138 : vector<8x2048xi1>, vector<8x2048xi32>
    %shift_left3A_1143 = arith.constant 16 : i32
    %shift_left3A_1144 = vector.broadcast %shift_left3A_1143 : i32 to vector<8x2048xi32>
    %shift_left3A_1145 = arith.shli %select_n3A_1142, %shift_left3A_1144 : vector<8x2048xi32>
    %shift_right_arithmetic3A_1146 = arith.constant 16 : i32
    %shift_right_arithmetic3A_1147 = vector.broadcast %shift_right_arithmetic3A_1146 : i32 to vector<8x2048xi32>
    %shift_right_arithmetic3A_1148 = arith.shrsi %shift_left3A_1145, %shift_right_arithmetic3A_1147 : vector<8x2048xi32>
    %mul3A_1149 = arith.muli %and3A_1135, %shift_right_arithmetic3A_1148 : vector<8x2048xi32>
    %shift_right_arithmetic3A_1150 = vector.broadcast %get3A_4 : i32 to vector<8x2048xi32>
    %shift_right_arithmetic3A_1151 = arith.shrsi %mul3A_1149, %shift_right_arithmetic3A_1150 : vector<8x2048xi32>
    %shift_right_arithmetic3A_1152 = arith.constant 16 : i32
    %shift_right_arithmetic3A_1153 = vector.broadcast %shift_right_arithmetic3A_1152 : i32 to vector<8x2048xi32>
    %shift_right_arithmetic3A_1154 = arith.shrsi %select_n3A_1142, %shift_right_arithmetic3A_1153 : vector<8x2048xi32>
    %shift_left3A_1155 = vector.broadcast %get3A_6 : i32 to vector<8x2048xi32>
    %shift_left3A_1156 = arith.shli %shift_right_arithmetic3A_1154, %shift_left3A_1155 : vector<8x2048xi32>
    %add3A_1157 = arith.addi %shift_left3A_1156, %shift_right_arithmetic3A_1151 : vector<8x2048xi32>
    %convert_element_type3A_1158 = arith.sitofp %add3A_1157 : vector<8x2048xi32> to vector<8x2048xf32>
    %mul3A_1159 = vector.broadcast %get3A_2 : f32 to vector<8x2048xf32>
    %mul3A_1160 = arith.mulf %convert_element_type3A_1158, %mul3A_1159 : vector<8x2048xf32>
    %swap3A_1161 = arith.constant 168 : index
    %swap3A_1162 = arith.constant 0 : index
    %swap3A_1163 = vector.load %arg6[%swap3A_1161, %swap3A_1162] : memref<256x2048xf32, #tpu.memory_space<vmem>>, vector<8x2048xf32>
    tpu.vector_store %arg6[%swap3A_1161, %swap3A_1162], %mul3A_1160 {strides = array<i32>} : memref<256x2048xf32, #tpu.memory_space<vmem>>, vector<8x2048xf32>,
    %get3A_1164 = arith.constant 176 : index
    %get3A_1165 = arith.constant 0 : index
    %get3A_1166 = vector.load %arg3[%get3A_1164, %get3A_1165] : memref<256x2048xf32, #tpu.memory_space<vmem>>, vector<8x2048xf32>
    %mul3A_1167 = vector.broadcast %get3A_0 : f32 to vector<8x2048xf32>
    %mul3A_1168 = arith.mulf %get3A_1166, %mul3A_1167 : vector<8x2048xf32>
    %floor3A_1169 = math.floor %mul3A_1168 : vector<8x2048xf32>
    %jit3A_1170 = arith.constant -3.276800e+04 : f32
    %jit3A_1171 = arith.constant 3.276700e+04 : f32
    %max3A_1172 = vector.broadcast %jit3A_1170 : f32 to vector<8x2048xf32>
    %max3A_1173 = arith.maximumf %max3A_1172, %floor3A_1169 : vector<8x2048xf32>
    %min3A_1174 = vector.broadcast %jit3A_1171 : f32 to vector<8x2048xf32>
    %min3A_1175 = arith.minimumf %min3A_1174, %max3A_1173 : vector<8x2048xf32>
    %convert_element_type3A_1176 = arith.fptosi %min3A_1175 : vector<8x2048xf32> to vector<8x2048xi32>
    %shift_right_arithmetic3A_1177 = arith.constant 8 : i32
    %shift_right_arithmetic3A_1178 = vector.broadcast %shift_right_arithmetic3A_1177 : i32 to vector<8x2048xi32>
    %shift_right_arithmetic3A_1179 = arith.shrsi %convert_element_type3A_1176, %shift_right_arithmetic3A_1178 : vector<8x2048xi32>
    %and3A_1180 = arith.constant 127 : i32
    %and3A_1181 = vector.broadcast %and3A_1180 : i32 to vector<8x2048xi32>
    %and3A_1182 = arith.andi %shift_right_arithmetic3A_1179, %and3A_1181 : vector<8x2048xi32>
    %ge3A_1183 = arith.constant 0 : i32
    %ge3A_1184 = vector.broadcast %ge3A_1183 : i32 to vector<8x2048xi32>
    %ge3A_1185 = arith.cmpi sge, %convert_element_type3A_1176, %ge3A_1184 : vector<8x2048xi32>
    %and3A_1186 = arith.constant 255 : i32
    %and3A_1187 = vector.broadcast %and3A_1186 : i32 to vector<8x2048xi32>
    %and3A_1188 = arith.andi %convert_element_type3A_1176, %and3A_1187 : vector<8x2048xi32>
    %reshape3A_1189 = vector.shape_cast %and3A_1182 : vector<8x2048xi32> to vector<8x2048x1xi32>
    %gather3A_1190 = vector.shape_cast %reshape3A_1189 : vector<8x2048x1xi32> to vector<8x2048xi32>
    %gather3A_1191 = tpu.dynamic_gather %get3A_9[%gather3A_1190] in [1] : vector<8x128xi32>, vector<8x2048xi32> -> vector<8x2048xi32>
    %reshape3A_1192 = vector.shape_cast %and3A_1182 : vector<8x2048xi32> to vector<8x2048x1xi32>
    %gather3A_1193 = vector.shape_cast %reshape3A_1192 : vector<8x2048x1xi32> to vector<8x2048xi32>
    %gather3A_1194 = tpu.dynamic_gather %get3A_12[%gather3A_1193] in [1] : vector<8x128xi32>, vector<8x2048xi32> -> vector<8x2048xi32>
    %select_n3A_1195 = arith.select %ge3A_1185, %gather3A_1194, %gather3A_1191 : vector<8x2048xi1>, vector<8x2048xi32>
    %shift_left3A_1196 = arith.constant 16 : i32
    %shift_left3A_1197 = vector.broadcast %shift_left3A_1196 : i32 to vector<8x2048xi32>
    %shift_left3A_1198 = arith.shli %select_n3A_1195, %shift_left3A_1197 : vector<8x2048xi32>
    %shift_right_arithmetic3A_1199 = arith.constant 16 : i32
    %shift_right_arithmetic3A_1200 = vector.broadcast %shift_right_arithmetic3A_1199 : i32 to vector<8x2048xi32>
    %shift_right_arithmetic3A_1201 = arith.shrsi %shift_left3A_1198, %shift_right_arithmetic3A_1200 : vector<8x2048xi32>
    %mul3A_1202 = arith.muli %and3A_1188, %shift_right_arithmetic3A_1201 : vector<8x2048xi32>
    %shift_right_arithmetic3A_1203 = vector.broadcast %get3A_4 : i32 to vector<8x2048xi32>
    %shift_right_arithmetic3A_1204 = arith.shrsi %mul3A_1202, %shift_right_arithmetic3A_1203 : vector<8x2048xi32>
    %shift_right_arithmetic3A_1205 = arith.constant 16 : i32
    %shift_right_arithmetic3A_1206 = vector.broadcast %shift_right_arithmetic3A_1205 : i32 to vector<8x2048xi32>
    %shift_right_arithmetic3A_1207 = arith.shrsi %select_n3A_1195, %shift_right_arithmetic3A_1206 : vector<8x2048xi32>
    %shift_left3A_1208 = vector.broadcast %get3A_6 : i32 to vector<8x2048xi32>
    %shift_left3A_1209 = arith.shli %shift_right_arithmetic3A_1207, %shift_left3A_1208 : vector<8x2048xi32>
    %add3A_1210 = arith.addi %shift_left3A_1209, %shift_right_arithmetic3A_1204 : vector<8x2048xi32>
    %convert_element_type3A_1211 = arith.sitofp %add3A_1210 : vector<8x2048xi32> to vector<8x2048xf32>
    %mul3A_1212 = vector.broadcast %get3A_2 : f32 to vector<8x2048xf32>
    %mul3A_1213 = arith.mulf %convert_element_type3A_1211, %mul3A_1212 : vector<8x2048xf32>
    %swap3A_1214 = arith.constant 176 : index
    %swap3A_1215 = arith.constant 0 : index
    %swap3A_1216 = vector.load %arg6[%swap3A_1214, %swap3A_1215] : memref<256x2048xf32, #tpu.memory_space<vmem>>, vector<8x2048xf32>
    tpu.vector_store %arg6[%swap3A_1214, %swap3A_1215], %mul3A_1213 {strides = array<i32>} : memref<256x2048xf32, #tpu.memory_space<vmem>>, vector<8x2048xf32>,
    %get3A_1217 = arith.constant 184 : index
    %get3A_1218 = arith.constant 0 : index
    %get3A_1219 = vector.load %arg3[%get3A_1217, %get3A_1218] : memref<256x2048xf32, #tpu.memory_space<vmem>>, vector<8x2048xf32>
    %mul3A_1220 = vector.broadcast %get3A_0 : f32 to vector<8x2048xf32>
    %mul3A_1221 = arith.mulf %get3A_1219, %mul3A_1220 : vector<8x2048xf32>
    %floor3A_1222 = math.floor %mul3A_1221 : vector<8x2048xf32>
    %jit3A_1223 = arith.constant -3.276800e+04 : f32
    %jit3A_1224 = arith.constant 3.276700e+04 : f32
    %max3A_1225 = vector.broadcast %jit3A_1223 : f32 to vector<8x2048xf32>
    %max3A_1226 = arith.maximumf %max3A_1225, %floor3A_1222 : vector<8x2048xf32>
    %min3A_1227 = vector.broadcast %jit3A_1224 : f32 to vector<8x2048xf32>
    %min3A_1228 = arith.minimumf %min3A_1227, %max3A_1226 : vector<8x2048xf32>
    %convert_element_type3A_1229 = arith.fptosi %min3A_1228 : vector<8x2048xf32> to vector<8x2048xi32>
    %shift_right_arithmetic3A_1230 = arith.constant 8 : i32
    %shift_right_arithmetic3A_1231 = vector.broadcast %shift_right_arithmetic3A_1230 : i32 to vector<8x2048xi32>
    %shift_right_arithmetic3A_1232 = arith.shrsi %convert_element_type3A_1229, %shift_right_arithmetic3A_1231 : vector<8x2048xi32>
    %and3A_1233 = arith.constant 127 : i32
    %and3A_1234 = vector.broadcast %and3A_1233 : i32 to vector<8x2048xi32>
    %and3A_1235 = arith.andi %shift_right_arithmetic3A_1232, %and3A_1234 : vector<8x2048xi32>
    %ge3A_1236 = arith.constant 0 : i32
    %ge3A_1237 = vector.broadcast %ge3A_1236 : i32 to vector<8x2048xi32>
    %ge3A_1238 = arith.cmpi sge, %convert_element_type3A_1229, %ge3A_1237 : vector<8x2048xi32>
    %and3A_1239 = arith.constant 255 : i32
    %and3A_1240 = vector.broadcast %and3A_1239 : i32 to vector<8x2048xi32>
    %and3A_1241 = arith.andi %convert_element_type3A_1229, %and3A_1240 : vector<8x2048xi32>
    %reshape3A_1242 = vector.shape_cast %and3A_1235 : vector<8x2048xi32> to vector<8x2048x1xi32>
    %gather3A_1243 = vector.shape_cast %reshape3A_1242 : vector<8x2048x1xi32> to vector<8x2048xi32>
    %gather3A_1244 = tpu.dynamic_gather %get3A_9[%gather3A_1243] in [1] : vector<8x128xi32>, vector<8x2048xi32> -> vector<8x2048xi32>
    %reshape3A_1245 = vector.shape_cast %and3A_1235 : vector<8x2048xi32> to vector<8x2048x1xi32>
    %gather3A_1246 = vector.shape_cast %reshape3A_1245 : vector<8x2048x1xi32> to vector<8x2048xi32>
    %gather3A_1247 = tpu.dynamic_gather %get3A_12[%gather3A_1246] in [1] : vector<8x128xi32>, vector<8x2048xi32> -> vector<8x2048xi32>
    %select_n3A_1248 = arith.select %ge3A_1238, %gather3A_1247, %gather3A_1244 : vector<8x2048xi1>, vector<8x2048xi32>
    %shift_left3A_1249 = arith.constant 16 : i32
    %shift_left3A_1250 = vector.broadcast %shift_left3A_1249 : i32 to vector<8x2048xi32>
    %shift_left3A_1251 = arith.shli %select_n3A_1248, %shift_left3A_1250 : vector<8x2048xi32>
    %shift_right_arithmetic3A_1252 = arith.constant 16 : i32
    %shift_right_arithmetic3A_1253 = vector.broadcast %shift_right_arithmetic3A_1252 : i32 to vector<8x2048xi32>
    %shift_right_arithmetic3A_1254 = arith.shrsi %shift_left3A_1251, %shift_right_arithmetic3A_1253 : vector<8x2048xi32>
    %mul3A_1255 = arith.muli %and3A_1241, %shift_right_arithmetic3A_1254 : vector<8x2048xi32>
    %shift_right_arithmetic3A_1256 = vector.broadcast %get3A_4 : i32 to vector<8x2048xi32>
    %shift_right_arithmetic3A_1257 = arith.shrsi %mul3A_1255, %shift_right_arithmetic3A_1256 : vector<8x2048xi32>
    %shift_right_arithmetic3A_1258 = arith.constant 16 : i32
    %shift_right_arithmetic3A_1259 = vector.broadcast %shift_right_arithmetic3A_1258 : i32 to vector<8x2048xi32>
    %shift_right_arithmetic3A_1260 = arith.shrsi %select_n3A_1248, %shift_right_arithmetic3A_1259 : vector<8x2048xi32>
    %shift_left3A_1261 = vector.broadcast %get3A_6 : i32 to vector<8x2048xi32>
    %shift_left3A_1262 = arith.shli %shift_right_arithmetic3A_1260, %shift_left3A_1261 : vector<8x2048xi32>
    %add3A_1263 = arith.addi %shift_left3A_1262, %shift_right_arithmetic3A_1257 : vector<8x2048xi32>
    %convert_element_type3A_1264 = arith.sitofp %add3A_1263 : vector<8x2048xi32> to vector<8x2048xf32>
    %mul3A_1265 = vector.broadcast %get3A_2 : f32 to vector<8x2048xf32>
    %mul3A_1266 = arith.mulf %convert_element_type3A_1264, %mul3A_1265 : vector<8x2048xf32>
    %swap3A_1267 = arith.constant 184 : index
    %swap3A_1268 = arith.constant 0 : index
    %swap3A_1269 = vector.load %arg6[%swap3A_1267, %swap3A_1268] : memref<256x2048xf32, #tpu.memory_space<vmem>>, vector<8x2048xf32>
    tpu.vector_store %arg6[%swap3A_1267, %swap3A_1268], %mul3A_1266 {strides = array<i32>} : memref<256x2048xf32, #tpu.memory_space<vmem>>, vector<8x2048xf32>,
    %get3A_1270 = arith.constant 192 : index
    %get3A_1271 = arith.constant 0 : index
    %get3A_1272 = vector.load %arg3[%get3A_1270, %get3A_1271] : memref<256x2048xf32, #tpu.memory_space<vmem>>, vector<8x2048xf32>
    %mul3A_1273 = vector.broadcast %get3A_0 : f32 to vector<8x2048xf32>
    %mul3A_1274 = arith.mulf %get3A_1272, %mul3A_1273 : vector<8x2048xf32>
    %floor3A_1275 = math.floor %mul3A_1274 : vector<8x2048xf32>
    %jit3A_1276 = arith.constant -3.276800e+04 : f32
    %jit3A_1277 = arith.constant 3.276700e+04 : f32
    %max3A_1278 = vector.broadcast %jit3A_1276 : f32 to vector<8x2048xf32>
    %max3A_1279 = arith.maximumf %max3A_1278, %floor3A_1275 : vector<8x2048xf32>
    %min3A_1280 = vector.broadcast %jit3A_1277 : f32 to vector<8x2048xf32>
    %min3A_1281 = arith.minimumf %min3A_1280, %max3A_1279 : vector<8x2048xf32>
    %convert_element_type3A_1282 = arith.fptosi %min3A_1281 : vector<8x2048xf32> to vector<8x2048xi32>
    %shift_right_arithmetic3A_1283 = arith.constant 8 : i32
    %shift_right_arithmetic3A_1284 = vector.broadcast %shift_right_arithmetic3A_1283 : i32 to vector<8x2048xi32>
    %shift_right_arithmetic3A_1285 = arith.shrsi %convert_element_type3A_1282, %shift_right_arithmetic3A_1284 : vector<8x2048xi32>
    %and3A_1286 = arith.constant 127 : i32
    %and3A_1287 = vector.broadcast %and3A_1286 : i32 to vector<8x2048xi32>
    %and3A_1288 = arith.andi %shift_right_arithmetic3A_1285, %and3A_1287 : vector<8x2048xi32>
    %ge3A_1289 = arith.constant 0 : i32
    %ge3A_1290 = vector.broadcast %ge3A_1289 : i32 to vector<8x2048xi32>
    %ge3A_1291 = arith.cmpi sge, %convert_element_type3A_1282, %ge3A_1290 : vector<8x2048xi32>
    %and3A_1292 = arith.constant 255 : i32
    %and3A_1293 = vector.broadcast %and3A_1292 : i32 to vector<8x2048xi32>
    %and3A_1294 = arith.andi %convert_element_type3A_1282, %and3A_1293 : vector<8x2048xi32>
    %reshape3A_1295 = vector.shape_cast %and3A_1288 : vector<8x2048xi32> to vector<8x2048x1xi32>
    %gather3A_1296 = vector.shape_cast %reshape3A_1295 : vector<8x2048x1xi32> to vector<8x2048xi32>
    %gather3A_1297 = tpu.dynamic_gather %get3A_9[%gather3A_1296] in [1] : vector<8x128xi32>, vector<8x2048xi32> -> vector<8x2048xi32>
    %reshape3A_1298 = vector.shape_cast %and3A_1288 : vector<8x2048xi32> to vector<8x2048x1xi32>
    %gather3A_1299 = vector.shape_cast %reshape3A_1298 : vector<8x2048x1xi32> to vector<8x2048xi32>
    %gather3A_1300 = tpu.dynamic_gather %get3A_12[%gather3A_1299] in [1] : vector<8x128xi32>, vector<8x2048xi32> -> vector<8x2048xi32>
    %select_n3A_1301 = arith.select %ge3A_1291, %gather3A_1300, %gather3A_1297 : vector<8x2048xi1>, vector<8x2048xi32>
    %shift_left3A_1302 = arith.constant 16 : i32
    %shift_left3A_1303 = vector.broadcast %shift_left3A_1302 : i32 to vector<8x2048xi32>
    %shift_left3A_1304 = arith.shli %select_n3A_1301, %shift_left3A_1303 : vector<8x2048xi32>
    %shift_right_arithmetic3A_1305 = arith.constant 16 : i32
    %shift_right_arithmetic3A_1306 = vector.broadcast %shift_right_arithmetic3A_1305 : i32 to vector<8x2048xi32>
    %shift_right_arithmetic3A_1307 = arith.shrsi %shift_left3A_1304, %shift_right_arithmetic3A_1306 : vector<8x2048xi32>
    %mul3A_1308 = arith.muli %and3A_1294, %shift_right_arithmetic3A_1307 : vector<8x2048xi32>
    %shift_right_arithmetic3A_1309 = vector.broadcast %get3A_4 : i32 to vector<8x2048xi32>
    %shift_right_arithmetic3A_1310 = arith.shrsi %mul3A_1308, %shift_right_arithmetic3A_1309 : vector<8x2048xi32>
    %shift_right_arithmetic3A_1311 = arith.constant 16 : i32
    %shift_right_arithmetic3A_1312 = vector.broadcast %shift_right_arithmetic3A_1311 : i32 to vector<8x2048xi32>
    %shift_right_arithmetic3A_1313 = arith.shrsi %select_n3A_1301, %shift_right_arithmetic3A_1312 : vector<8x2048xi32>
    %shift_left3A_1314 = vector.broadcast %get3A_6 : i32 to vector<8x2048xi32>
    %shift_left3A_1315 = arith.shli %shift_right_arithmetic3A_1313, %shift_left3A_1314 : vector<8x2048xi32>
    %add3A_1316 = arith.addi %shift_left3A_1315, %shift_right_arithmetic3A_1310 : vector<8x2048xi32>
    %convert_element_type3A_1317 = arith.sitofp %add3A_1316 : vector<8x2048xi32> to vector<8x2048xf32>
    %mul3A_1318 = vector.broadcast %get3A_2 : f32 to vector<8x2048xf32>
    %mul3A_1319 = arith.mulf %convert_element_type3A_1317, %mul3A_1318 : vector<8x2048xf32>
    %swap3A_1320 = arith.constant 192 : index
    %swap3A_1321 = arith.constant 0 : index
    %swap3A_1322 = vector.load %arg6[%swap3A_1320, %swap3A_1321] : memref<256x2048xf32, #tpu.memory_space<vmem>>, vector<8x2048xf32>
    tpu.vector_store %arg6[%swap3A_1320, %swap3A_1321], %mul3A_1319 {strides = array<i32>} : memref<256x2048xf32, #tpu.memory_space<vmem>>, vector<8x2048xf32>,
    %get3A_1323 = arith.constant 200 : index
    %get3A_1324 = arith.constant 0 : index
    %get3A_1325 = vector.load %arg3[%get3A_1323, %get3A_1324] : memref<256x2048xf32, #tpu.memory_space<vmem>>, vector<8x2048xf32>
    %mul3A_1326 = vector.broadcast %get3A_0 : f32 to vector<8x2048xf32>
    %mul3A_1327 = arith.mulf %get3A_1325, %mul3A_1326 : vector<8x2048xf32>
    %floor3A_1328 = math.floor %mul3A_1327 : vector<8x2048xf32>
    %jit3A_1329 = arith.constant -3.276800e+04 : f32
    %jit3A_1330 = arith.constant 3.276700e+04 : f32
    %max3A_1331 = vector.broadcast %jit3A_1329 : f32 to vector<8x2048xf32>
    %max3A_1332 = arith.maximumf %max3A_1331, %floor3A_1328 : vector<8x2048xf32>
    %min3A_1333 = vector.broadcast %jit3A_1330 : f32 to vector<8x2048xf32>
    %min3A_1334 = arith.minimumf %min3A_1333, %max3A_1332 : vector<8x2048xf32>
    %convert_element_type3A_1335 = arith.fptosi %min3A_1334 : vector<8x2048xf32> to vector<8x2048xi32>
    %shift_right_arithmetic3A_1336 = arith.constant 8 : i32
    %shift_right_arithmetic3A_1337 = vector.broadcast %shift_right_arithmetic3A_1336 : i32 to vector<8x2048xi32>
    %shift_right_arithmetic3A_1338 = arith.shrsi %convert_element_type3A_1335, %shift_right_arithmetic3A_1337 : vector<8x2048xi32>
    %and3A_1339 = arith.constant 127 : i32
    %and3A_1340 = vector.broadcast %and3A_1339 : i32 to vector<8x2048xi32>
    %and3A_1341 = arith.andi %shift_right_arithmetic3A_1338, %and3A_1340 : vector<8x2048xi32>
    %ge3A_1342 = arith.constant 0 : i32
    %ge3A_1343 = vector.broadcast %ge3A_1342 : i32 to vector<8x2048xi32>
    %ge3A_1344 = arith.cmpi sge, %convert_element_type3A_1335, %ge3A_1343 : vector<8x2048xi32>
    %and3A_1345 = arith.constant 255 : i32
    %and3A_1346 = vector.broadcast %and3A_1345 : i32 to vector<8x2048xi32>
    %and3A_1347 = arith.andi %convert_element_type3A_1335, %and3A_1346 : vector<8x2048xi32>
    %reshape3A_1348 = vector.shape_cast %and3A_1341 : vector<8x2048xi32> to vector<8x2048x1xi32>
    %gather3A_1349 = vector.shape_cast %reshape3A_1348 : vector<8x2048x1xi32> to vector<8x2048xi32>
    %gather3A_1350 = tpu.dynamic_gather %get3A_9[%gather3A_1349] in [1] : vector<8x128xi32>, vector<8x2048xi32> -> vector<8x2048xi32>
    %reshape3A_1351 = vector.shape_cast %and3A_1341 : vector<8x2048xi32> to vector<8x2048x1xi32>
    %gather3A_1352 = vector.shape_cast %reshape3A_1351 : vector<8x2048x1xi32> to vector<8x2048xi32>
    %gather3A_1353 = tpu.dynamic_gather %get3A_12[%gather3A_1352] in [1] : vector<8x128xi32>, vector<8x2048xi32> -> vector<8x2048xi32>
    %select_n3A_1354 = arith.select %ge3A_1344, %gather3A_1353, %gather3A_1350 : vector<8x2048xi1>, vector<8x2048xi32>
    %shift_left3A_1355 = arith.constant 16 : i32
    %shift_left3A_1356 = vector.broadcast %shift_left3A_1355 : i32 to vector<8x2048xi32>
    %shift_left3A_1357 = arith.shli %select_n3A_1354, %shift_left3A_1356 : vector<8x2048xi32>
    %shift_right_arithmetic3A_1358 = arith.constant 16 : i32
    %shift_right_arithmetic3A_1359 = vector.broadcast %shift_right_arithmetic3A_1358 : i32 to vector<8x2048xi32>
    %shift_right_arithmetic3A_1360 = arith.shrsi %shift_left3A_1357, %shift_right_arithmetic3A_1359 : vector<8x2048xi32>
    %mul3A_1361 = arith.muli %and3A_1347, %shift_right_arithmetic3A_1360 : vector<8x2048xi32>
    %shift_right_arithmetic3A_1362 = vector.broadcast %get3A_4 : i32 to vector<8x2048xi32>
    %shift_right_arithmetic3A_1363 = arith.shrsi %mul3A_1361, %shift_right_arithmetic3A_1362 : vector<8x2048xi32>
    %shift_right_arithmetic3A_1364 = arith.constant 16 : i32
    %shift_right_arithmetic3A_1365 = vector.broadcast %shift_right_arithmetic3A_1364 : i32 to vector<8x2048xi32>
    %shift_right_arithmetic3A_1366 = arith.shrsi %select_n3A_1354, %shift_right_arithmetic3A_1365 : vector<8x2048xi32>
    %shift_left3A_1367 = vector.broadcast %get3A_6 : i32 to vector<8x2048xi32>
    %shift_left3A_1368 = arith.shli %shift_right_arithmetic3A_1366, %shift_left3A_1367 : vector<8x2048xi32>
    %add3A_1369 = arith.addi %shift_left3A_1368, %shift_right_arithmetic3A_1363 : vector<8x2048xi32>
    %convert_element_type3A_1370 = arith.sitofp %add3A_1369 : vector<8x2048xi32> to vector<8x2048xf32>
    %mul3A_1371 = vector.broadcast %get3A_2 : f32 to vector<8x2048xf32>
    %mul3A_1372 = arith.mulf %convert_element_type3A_1370, %mul3A_1371 : vector<8x2048xf32>
    %swap3A_1373 = arith.constant 200 : index
    %swap3A_1374 = arith.constant 0 : index
    %swap3A_1375 = vector.load %arg6[%swap3A_1373, %swap3A_1374] : memref<256x2048xf32, #tpu.memory_space<vmem>>, vector<8x2048xf32>
    tpu.vector_store %arg6[%swap3A_1373, %swap3A_1374], %mul3A_1372 {strides = array<i32>} : memref<256x2048xf32, #tpu.memory_space<vmem>>, vector<8x2048xf32>,
    %get3A_1376 = arith.constant 208 : index
    %get3A_1377 = arith.constant 0 : index
    %get3A_1378 = vector.load %arg3[%get3A_1376, %get3A_1377] : memref<256x2048xf32, #tpu.memory_space<vmem>>, vector<8x2048xf32>
    %mul3A_1379 = vector.broadcast %get3A_0 : f32 to vector<8x2048xf32>
    %mul3A_1380 = arith.mulf %get3A_1378, %mul3A_1379 : vector<8x2048xf32>
    %floor3A_1381 = math.floor %mul3A_1380 : vector<8x2048xf32>
    %jit3A_1382 = arith.constant -3.276800e+04 : f32
    %jit3A_1383 = arith.constant 3.276700e+04 : f32
    %max3A_1384 = vector.broadcast %jit3A_1382 : f32 to vector<8x2048xf32>
    %max3A_1385 = arith.maximumf %max3A_1384, %floor3A_1381 : vector<8x2048xf32>
    %min3A_1386 = vector.broadcast %jit3A_1383 : f32 to vector<8x2048xf32>
    %min3A_1387 = arith.minimumf %min3A_1386, %max3A_1385 : vector<8x2048xf32>
    %convert_element_type3A_1388 = arith.fptosi %min3A_1387 : vector<8x2048xf32> to vector<8x2048xi32>
    %shift_right_arithmetic3A_1389 = arith.constant 8 : i32
    %shift_right_arithmetic3A_1390 = vector.broadcast %shift_right_arithmetic3A_1389 : i32 to vector<8x2048xi32>
    %shift_right_arithmetic3A_1391 = arith.shrsi %convert_element_type3A_1388, %shift_right_arithmetic3A_1390 : vector<8x2048xi32>
    %and3A_1392 = arith.constant 127 : i32
    %and3A_1393 = vector.broadcast %and3A_1392 : i32 to vector<8x2048xi32>
    %and3A_1394 = arith.andi %shift_right_arithmetic3A_1391, %and3A_1393 : vector<8x2048xi32>
    %ge3A_1395 = arith.constant 0 : i32
    %ge3A_1396 = vector.broadcast %ge3A_1395 : i32 to vector<8x2048xi32>
    %ge3A_1397 = arith.cmpi sge, %convert_element_type3A_1388, %ge3A_1396 : vector<8x2048xi32>
    %and3A_1398 = arith.constant 255 : i32
    %and3A_1399 = vector.broadcast %and3A_1398 : i32 to vector<8x2048xi32>
    %and3A_1400 = arith.andi %convert_element_type3A_1388, %and3A_1399 : vector<8x2048xi32>
    %reshape3A_1401 = vector.shape_cast %and3A_1394 : vector<8x2048xi32> to vector<8x2048x1xi32>
    %gather3A_1402 = vector.shape_cast %reshape3A_1401 : vector<8x2048x1xi32> to vector<8x2048xi32>
    %gather3A_1403 = tpu.dynamic_gather %get3A_9[%gather3A_1402] in [1] : vector<8x128xi32>, vector<8x2048xi32> -> vector<8x2048xi32>
    %reshape3A_1404 = vector.shape_cast %and3A_1394 : vector<8x2048xi32> to vector<8x2048x1xi32>
    %gather3A_1405 = vector.shape_cast %reshape3A_1404 : vector<8x2048x1xi32> to vector<8x2048xi32>
    %gather3A_1406 = tpu.dynamic_gather %get3A_12[%gather3A_1405] in [1] : vector<8x128xi32>, vector<8x2048xi32> -> vector<8x2048xi32>
    %select_n3A_1407 = arith.select %ge3A_1397, %gather3A_1406, %gather3A_1403 : vector<8x2048xi1>, vector<8x2048xi32>
    %shift_left3A_1408 = arith.constant 16 : i32
    %shift_left3A_1409 = vector.broadcast %shift_left3A_1408 : i32 to vector<8x2048xi32>
    %shift_left3A_1410 = arith.shli %select_n3A_1407, %shift_left3A_1409 : vector<8x2048xi32>
    %shift_right_arithmetic3A_1411 = arith.constant 16 : i32
    %shift_right_arithmetic3A_1412 = vector.broadcast %shift_right_arithmetic3A_1411 : i32 to vector<8x2048xi32>
    %shift_right_arithmetic3A_1413 = arith.shrsi %shift_left3A_1410, %shift_right_arithmetic3A_1412 : vector<8x2048xi32>
    %mul3A_1414 = arith.muli %and3A_1400, %shift_right_arithmetic3A_1413 : vector<8x2048xi32>
    %shift_right_arithmetic3A_1415 = vector.broadcast %get3A_4 : i32 to vector<8x2048xi32>
    %shift_right_arithmetic3A_1416 = arith.shrsi %mul3A_1414, %shift_right_arithmetic3A_1415 : vector<8x2048xi32>
    %shift_right_arithmetic3A_1417 = arith.constant 16 : i32
    %shift_right_arithmetic3A_1418 = vector.broadcast %shift_right_arithmetic3A_1417 : i32 to vector<8x2048xi32>
    %shift_right_arithmetic3A_1419 = arith.shrsi %select_n3A_1407, %shift_right_arithmetic3A_1418 : vector<8x2048xi32>
    %shift_left3A_1420 = vector.broadcast %get3A_6 : i32 to vector<8x2048xi32>
    %shift_left3A_1421 = arith.shli %shift_right_arithmetic3A_1419, %shift_left3A_1420 : vector<8x2048xi32>
    %add3A_1422 = arith.addi %shift_left3A_1421, %shift_right_arithmetic3A_1416 : vector<8x2048xi32>
    %convert_element_type3A_1423 = arith.sitofp %add3A_1422 : vector<8x2048xi32> to vector<8x2048xf32>
    %mul3A_1424 = vector.broadcast %get3A_2 : f32 to vector<8x2048xf32>
    %mul3A_1425 = arith.mulf %convert_element_type3A_1423, %mul3A_1424 : vector<8x2048xf32>
    %swap3A_1426 = arith.constant 208 : index
    %swap3A_1427 = arith.constant 0 : index
    %swap3A_1428 = vector.load %arg6[%swap3A_1426, %swap3A_1427] : memref<256x2048xf32, #tpu.memory_space<vmem>>, vector<8x2048xf32>
    tpu.vector_store %arg6[%swap3A_1426, %swap3A_1427], %mul3A_1425 {strides = array<i32>} : memref<256x2048xf32, #tpu.memory_space<vmem>>, vector<8x2048xf32>,
    %get3A_1429 = arith.constant 216 : index
    %get3A_1430 = arith.constant 0 : index
    %get3A_1431 = vector.load %arg3[%get3A_1429, %get3A_1430] : memref<256x2048xf32, #tpu.memory_space<vmem>>, vector<8x2048xf32>
    %mul3A_1432 = vector.broadcast %get3A_0 : f32 to vector<8x2048xf32>
    %mul3A_1433 = arith.mulf %get3A_1431, %mul3A_1432 : vector<8x2048xf32>
    %floor3A_1434 = math.floor %mul3A_1433 : vector<8x2048xf32>
    %jit3A_1435 = arith.constant -3.276800e+04 : f32
    %jit3A_1436 = arith.constant 3.276700e+04 : f32
    %max3A_1437 = vector.broadcast %jit3A_1435 : f32 to vector<8x2048xf32>
    %max3A_1438 = arith.maximumf %max3A_1437, %floor3A_1434 : vector<8x2048xf32>
    %min3A_1439 = vector.broadcast %jit3A_1436 : f32 to vector<8x2048xf32>
    %min3A_1440 = arith.minimumf %min3A_1439, %max3A_1438 : vector<8x2048xf32>
    %convert_element_type3A_1441 = arith.fptosi %min3A_1440 : vector<8x2048xf32> to vector<8x2048xi32>
    %shift_right_arithmetic3A_1442 = arith.constant 8 : i32
    %shift_right_arithmetic3A_1443 = vector.broadcast %shift_right_arithmetic3A_1442 : i32 to vector<8x2048xi32>
    %shift_right_arithmetic3A_1444 = arith.shrsi %convert_element_type3A_1441, %shift_right_arithmetic3A_1443 : vector<8x2048xi32>
    %and3A_1445 = arith.constant 127 : i32
    %and3A_1446 = vector.broadcast %and3A_1445 : i32 to vector<8x2048xi32>
    %and3A_1447 = arith.andi %shift_right_arithmetic3A_1444, %and3A_1446 : vector<8x2048xi32>
    %ge3A_1448 = arith.constant 0 : i32
    %ge3A_1449 = vector.broadcast %ge3A_1448 : i32 to vector<8x2048xi32>
    %ge3A_1450 = arith.cmpi sge, %convert_element_type3A_1441, %ge3A_1449 : vector<8x2048xi32>
    %and3A_1451 = arith.constant 255 : i32
    %and3A_1452 = vector.broadcast %and3A_1451 : i32 to vector<8x2048xi32>
    %and3A_1453 = arith.andi %convert_element_type3A_1441, %and3A_1452 : vector<8x2048xi32>
    %reshape3A_1454 = vector.shape_cast %and3A_1447 : vector<8x2048xi32> to vector<8x2048x1xi32>
    %gather3A_1455 = vector.shape_cast %reshape3A_1454 : vector<8x2048x1xi32> to vector<8x2048xi32>
    %gather3A_1456 = tpu.dynamic_gather %get3A_9[%gather3A_1455] in [1] : vector<8x128xi32>, vector<8x2048xi32> -> vector<8x2048xi32>
    %reshape3A_1457 = vector.shape_cast %and3A_1447 : vector<8x2048xi32> to vector<8x2048x1xi32>
    %gather3A_1458 = vector.shape_cast %reshape3A_1457 : vector<8x2048x1xi32> to vector<8x2048xi32>
    %gather3A_1459 = tpu.dynamic_gather %get3A_12[%gather3A_1458] in [1] : vector<8x128xi32>, vector<8x2048xi32> -> vector<8x2048xi32>
    %select_n3A_1460 = arith.select %ge3A_1450, %gather3A_1459, %gather3A_1456 : vector<8x2048xi1>, vector<8x2048xi32>
    %shift_left3A_1461 = arith.constant 16 : i32
    %shift_left3A_1462 = vector.broadcast %shift_left3A_1461 : i32 to vector<8x2048xi32>
    %shift_left3A_1463 = arith.shli %select_n3A_1460, %shift_left3A_1462 : vector<8x2048xi32>
    %shift_right_arithmetic3A_1464 = arith.constant 16 : i32
    %shift_right_arithmetic3A_1465 = vector.broadcast %shift_right_arithmetic3A_1464 : i32 to vector<8x2048xi32>
    %shift_right_arithmetic3A_1466 = arith.shrsi %shift_left3A_1463, %shift_right_arithmetic3A_1465 : vector<8x2048xi32>
    %mul3A_1467 = arith.muli %and3A_1453, %shift_right_arithmetic3A_1466 : vector<8x2048xi32>
    %shift_right_arithmetic3A_1468 = vector.broadcast %get3A_4 : i32 to vector<8x2048xi32>
    %shift_right_arithmetic3A_1469 = arith.shrsi %mul3A_1467, %shift_right_arithmetic3A_1468 : vector<8x2048xi32>
    %shift_right_arithmetic3A_1470 = arith.constant 16 : i32
    %shift_right_arithmetic3A_1471 = vector.broadcast %shift_right_arithmetic3A_1470 : i32 to vector<8x2048xi32>
    %shift_right_arithmetic3A_1472 = arith.shrsi %select_n3A_1460, %shift_right_arithmetic3A_1471 : vector<8x2048xi32>
    %shift_left3A_1473 = vector.broadcast %get3A_6 : i32 to vector<8x2048xi32>
    %shift_left3A_1474 = arith.shli %shift_right_arithmetic3A_1472, %shift_left3A_1473 : vector<8x2048xi32>
    %add3A_1475 = arith.addi %shift_left3A_1474, %shift_right_arithmetic3A_1469 : vector<8x2048xi32>
    %convert_element_type3A_1476 = arith.sitofp %add3A_1475 : vector<8x2048xi32> to vector<8x2048xf32>
    %mul3A_1477 = vector.broadcast %get3A_2 : f32 to vector<8x2048xf32>
    %mul3A_1478 = arith.mulf %convert_element_type3A_1476, %mul3A_1477 : vector<8x2048xf32>
    %swap3A_1479 = arith.constant 216 : index
    %swap3A_1480 = arith.constant 0 : index
    %swap3A_1481 = vector.load %arg6[%swap3A_1479, %swap3A_1480] : memref<256x2048xf32, #tpu.memory_space<vmem>>, vector<8x2048xf32>
    tpu.vector_store %arg6[%swap3A_1479, %swap3A_1480], %mul3A_1478 {strides = array<i32>} : memref<256x2048xf32, #tpu.memory_space<vmem>>, vector<8x2048xf32>,
    %get3A_1482 = arith.constant 224 : index
    %get3A_1483 = arith.constant 0 : index
    %get3A_1484 = vector.load %arg3[%get3A_1482, %get3A_1483] : memref<256x2048xf32, #tpu.memory_space<vmem>>, vector<8x2048xf32>
    %mul3A_1485 = vector.broadcast %get3A_0 : f32 to vector<8x2048xf32>
    %mul3A_1486 = arith.mulf %get3A_1484, %mul3A_1485 : vector<8x2048xf32>
    %floor3A_1487 = math.floor %mul3A_1486 : vector<8x2048xf32>
    %jit3A_1488 = arith.constant -3.276800e+04 : f32
    %jit3A_1489 = arith.constant 3.276700e+04 : f32
    %max3A_1490 = vector.broadcast %jit3A_1488 : f32 to vector<8x2048xf32>
    %max3A_1491 = arith.maximumf %max3A_1490, %floor3A_1487 : vector<8x2048xf32>
    %min3A_1492 = vector.broadcast %jit3A_1489 : f32 to vector<8x2048xf32>
    %min3A_1493 = arith.minimumf %min3A_1492, %max3A_1491 : vector<8x2048xf32>
    %convert_element_type3A_1494 = arith.fptosi %min3A_1493 : vector<8x2048xf32> to vector<8x2048xi32>
    %shift_right_arithmetic3A_1495 = arith.constant 8 : i32
    %shift_right_arithmetic3A_1496 = vector.broadcast %shift_right_arithmetic3A_1495 : i32 to vector<8x2048xi32>
    %shift_right_arithmetic3A_1497 = arith.shrsi %convert_element_type3A_1494, %shift_right_arithmetic3A_1496 : vector<8x2048xi32>
    %and3A_1498 = arith.constant 127 : i32
    %and3A_1499 = vector.broadcast %and3A_1498 : i32 to vector<8x2048xi32>
    %and3A_1500 = arith.andi %shift_right_arithmetic3A_1497, %and3A_1499 : vector<8x2048xi32>
    %ge3A_1501 = arith.constant 0 : i32
    %ge3A_1502 = vector.broadcast %ge3A_1501 : i32 to vector<8x2048xi32>
    %ge3A_1503 = arith.cmpi sge, %convert_element_type3A_1494, %ge3A_1502 : vector<8x2048xi32>
    %and3A_1504 = arith.constant 255 : i32
    %and3A_1505 = vector.broadcast %and3A_1504 : i32 to vector<8x2048xi32>
    %and3A_1506 = arith.andi %convert_element_type3A_1494, %and3A_1505 : vector<8x2048xi32>
    %reshape3A_1507 = vector.shape_cast %and3A_1500 : vector<8x2048xi32> to vector<8x2048x1xi32>
    %gather3A_1508 = vector.shape_cast %reshape3A_1507 : vector<8x2048x1xi32> to vector<8x2048xi32>
    %gather3A_1509 = tpu.dynamic_gather %get3A_9[%gather3A_1508] in [1] : vector<8x128xi32>, vector<8x2048xi32> -> vector<8x2048xi32>
    %reshape3A_1510 = vector.shape_cast %and3A_1500 : vector<8x2048xi32> to vector<8x2048x1xi32>
    %gather3A_1511 = vector.shape_cast %reshape3A_1510 : vector<8x2048x1xi32> to vector<8x2048xi32>
    %gather3A_1512 = tpu.dynamic_gather %get3A_12[%gather3A_1511] in [1] : vector<8x128xi32>, vector<8x2048xi32> -> vector<8x2048xi32>
    %select_n3A_1513 = arith.select %ge3A_1503, %gather3A_1512, %gather3A_1509 : vector<8x2048xi1>, vector<8x2048xi32>
    %shift_left3A_1514 = arith.constant 16 : i32
    %shift_left3A_1515 = vector.broadcast %shift_left3A_1514 : i32 to vector<8x2048xi32>
    %shift_left3A_1516 = arith.shli %select_n3A_1513, %shift_left3A_1515 : vector<8x2048xi32>
    %shift_right_arithmetic3A_1517 = arith.constant 16 : i32
    %shift_right_arithmetic3A_1518 = vector.broadcast %shift_right_arithmetic3A_1517 : i32 to vector<8x2048xi32>
    %shift_right_arithmetic3A_1519 = arith.shrsi %shift_left3A_1516, %shift_right_arithmetic3A_1518 : vector<8x2048xi32>
    %mul3A_1520 = arith.muli %and3A_1506, %shift_right_arithmetic3A_1519 : vector<8x2048xi32>
    %shift_right_arithmetic3A_1521 = vector.broadcast %get3A_4 : i32 to vector<8x2048xi32>
    %shift_right_arithmetic3A_1522 = arith.shrsi %mul3A_1520, %shift_right_arithmetic3A_1521 : vector<8x2048xi32>
    %shift_right_arithmetic3A_1523 = arith.constant 16 : i32
    %shift_right_arithmetic3A_1524 = vector.broadcast %shift_right_arithmetic3A_1523 : i32 to vector<8x2048xi32>
    %shift_right_arithmetic3A_1525 = arith.shrsi %select_n3A_1513, %shift_right_arithmetic3A_1524 : vector<8x2048xi32>
    %shift_left3A_1526 = vector.broadcast %get3A_6 : i32 to vector<8x2048xi32>
    %shift_left3A_1527 = arith.shli %shift_right_arithmetic3A_1525, %shift_left3A_1526 : vector<8x2048xi32>
    %add3A_1528 = arith.addi %shift_left3A_1527, %shift_right_arithmetic3A_1522 : vector<8x2048xi32>
    %convert_element_type3A_1529 = arith.sitofp %add3A_1528 : vector<8x2048xi32> to vector<8x2048xf32>
    %mul3A_1530 = vector.broadcast %get3A_2 : f32 to vector<8x2048xf32>
    %mul3A_1531 = arith.mulf %convert_element_type3A_1529, %mul3A_1530 : vector<8x2048xf32>
    %swap3A_1532 = arith.constant 224 : index
    %swap3A_1533 = arith.constant 0 : index
    %swap3A_1534 = vector.load %arg6[%swap3A_1532, %swap3A_1533] : memref<256x2048xf32, #tpu.memory_space<vmem>>, vector<8x2048xf32>
    tpu.vector_store %arg6[%swap3A_1532, %swap3A_1533], %mul3A_1531 {strides = array<i32>} : memref<256x2048xf32, #tpu.memory_space<vmem>>, vector<8x2048xf32>,
    %get3A_1535 = arith.constant 232 : index
    %get3A_1536 = arith.constant 0 : index
    %get3A_1537 = vector.load %arg3[%get3A_1535, %get3A_1536] : memref<256x2048xf32, #tpu.memory_space<vmem>>, vector<8x2048xf32>
    %mul3A_1538 = vector.broadcast %get3A_0 : f32 to vector<8x2048xf32>
    %mul3A_1539 = arith.mulf %get3A_1537, %mul3A_1538 : vector<8x2048xf32>
    %floor3A_1540 = math.floor %mul3A_1539 : vector<8x2048xf32>
    %jit3A_1541 = arith.constant -3.276800e+04 : f32
    %jit3A_1542 = arith.constant 3.276700e+04 : f32
    %max3A_1543 = vector.broadcast %jit3A_1541 : f32 to vector<8x2048xf32>
    %max3A_1544 = arith.maximumf %max3A_1543, %floor3A_1540 : vector<8x2048xf32>
    %min3A_1545 = vector.broadcast %jit3A_1542 : f32 to vector<8x2048xf32>
    %min3A_1546 = arith.minimumf %min3A_1545, %max3A_1544 : vector<8x2048xf32>
    %convert_element_type3A_1547 = arith.fptosi %min3A_1546 : vector<8x2048xf32> to vector<8x2048xi32>
    %shift_right_arithmetic3A_1548 = arith.constant 8 : i32
    %shift_right_arithmetic3A_1549 = vector.broadcast %shift_right_arithmetic3A_1548 : i32 to vector<8x2048xi32>
    %shift_right_arithmetic3A_1550 = arith.shrsi %convert_element_type3A_1547, %shift_right_arithmetic3A_1549 : vector<8x2048xi32>
    %and3A_1551 = arith.constant 127 : i32
    %and3A_1552 = vector.broadcast %and3A_1551 : i32 to vector<8x2048xi32>
    %and3A_1553 = arith.andi %shift_right_arithmetic3A_1550, %and3A_1552 : vector<8x2048xi32>
    %ge3A_1554 = arith.constant 0 : i32
    %ge3A_1555 = vector.broadcast %ge3A_1554 : i32 to vector<8x2048xi32>
    %ge3A_1556 = arith.cmpi sge, %convert_element_type3A_1547, %ge3A_1555 : vector<8x2048xi32>
    %and3A_1557 = arith.constant 255 : i32
    %and3A_1558 = vector.broadcast %and3A_1557 : i32 to vector<8x2048xi32>
    %and3A_1559 = arith.andi %convert_element_type3A_1547, %and3A_1558 : vector<8x2048xi32>
    %reshape3A_1560 = vector.shape_cast %and3A_1553 : vector<8x2048xi32> to vector<8x2048x1xi32>
    %gather3A_1561 = vector.shape_cast %reshape3A_1560 : vector<8x2048x1xi32> to vector<8x2048xi32>
    %gather3A_1562 = tpu.dynamic_gather %get3A_9[%gather3A_1561] in [1] : vector<8x128xi32>, vector<8x2048xi32> -> vector<8x2048xi32>
    %reshape3A_1563 = vector.shape_cast %and3A_1553 : vector<8x2048xi32> to vector<8x2048x1xi32>
    %gather3A_1564 = vector.shape_cast %reshape3A_1563 : vector<8x2048x1xi32> to vector<8x2048xi32>
    %gather3A_1565 = tpu.dynamic_gather %get3A_12[%gather3A_1564] in [1] : vector<8x128xi32>, vector<8x2048xi32> -> vector<8x2048xi32>
    %select_n3A_1566 = arith.select %ge3A_1556, %gather3A_1565, %gather3A_1562 : vector<8x2048xi1>, vector<8x2048xi32>
    %shift_left3A_1567 = arith.constant 16 : i32
    %shift_left3A_1568 = vector.broadcast %shift_left3A_1567 : i32 to vector<8x2048xi32>
    %shift_left3A_1569 = arith.shli %select_n3A_1566, %shift_left3A_1568 : vector<8x2048xi32>
    %shift_right_arithmetic3A_1570 = arith.constant 16 : i32
    %shift_right_arithmetic3A_1571 = vector.broadcast %shift_right_arithmetic3A_1570 : i32 to vector<8x2048xi32>
    %shift_right_arithmetic3A_1572 = arith.shrsi %shift_left3A_1569, %shift_right_arithmetic3A_1571 : vector<8x2048xi32>
    %mul3A_1573 = arith.muli %and3A_1559, %shift_right_arithmetic3A_1572 : vector<8x2048xi32>
    %shift_right_arithmetic3A_1574 = vector.broadcast %get3A_4 : i32 to vector<8x2048xi32>
    %shift_right_arithmetic3A_1575 = arith.shrsi %mul3A_1573, %shift_right_arithmetic3A_1574 : vector<8x2048xi32>
    %shift_right_arithmetic3A_1576 = arith.constant 16 : i32
    %shift_right_arithmetic3A_1577 = vector.broadcast %shift_right_arithmetic3A_1576 : i32 to vector<8x2048xi32>
    %shift_right_arithmetic3A_1578 = arith.shrsi %select_n3A_1566, %shift_right_arithmetic3A_1577 : vector<8x2048xi32>
    %shift_left3A_1579 = vector.broadcast %get3A_6 : i32 to vector<8x2048xi32>
    %shift_left3A_1580 = arith.shli %shift_right_arithmetic3A_1578, %shift_left3A_1579 : vector<8x2048xi32>
    %add3A_1581 = arith.addi %shift_left3A_1580, %shift_right_arithmetic3A_1575 : vector<8x2048xi32>
    %convert_element_type3A_1582 = arith.sitofp %add3A_1581 : vector<8x2048xi32> to vector<8x2048xf32>
    %mul3A_1583 = vector.broadcast %get3A_2 : f32 to vector<8x2048xf32>
    %mul3A_1584 = arith.mulf %convert_element_type3A_1582, %mul3A_1583 : vector<8x2048xf32>
    %swap3A_1585 = arith.constant 232 : index
    %swap3A_1586 = arith.constant 0 : index
    %swap3A_1587 = vector.load %arg6[%swap3A_1585, %swap3A_1586] : memref<256x2048xf32, #tpu.memory_space<vmem>>, vector<8x2048xf32>
    tpu.vector_store %arg6[%swap3A_1585, %swap3A_1586], %mul3A_1584 {strides = array<i32>} : memref<256x2048xf32, #tpu.memory_space<vmem>>, vector<8x2048xf32>,
    %get3A_1588 = arith.constant 240 : index
    %get3A_1589 = arith.constant 0 : index
    %get3A_1590 = vector.load %arg3[%get3A_1588, %get3A_1589] : memref<256x2048xf32, #tpu.memory_space<vmem>>, vector<8x2048xf32>
    %mul3A_1591 = vector.broadcast %get3A_0 : f32 to vector<8x2048xf32>
    %mul3A_1592 = arith.mulf %get3A_1590, %mul3A_1591 : vector<8x2048xf32>
    %floor3A_1593 = math.floor %mul3A_1592 : vector<8x2048xf32>
    %jit3A_1594 = arith.constant -3.276800e+04 : f32
    %jit3A_1595 = arith.constant 3.276700e+04 : f32
    %max3A_1596 = vector.broadcast %jit3A_1594 : f32 to vector<8x2048xf32>
    %max3A_1597 = arith.maximumf %max3A_1596, %floor3A_1593 : vector<8x2048xf32>
    %min3A_1598 = vector.broadcast %jit3A_1595 : f32 to vector<8x2048xf32>
    %min3A_1599 = arith.minimumf %min3A_1598, %max3A_1597 : vector<8x2048xf32>
    %convert_element_type3A_1600 = arith.fptosi %min3A_1599 : vector<8x2048xf32> to vector<8x2048xi32>
    %shift_right_arithmetic3A_1601 = arith.constant 8 : i32
    %shift_right_arithmetic3A_1602 = vector.broadcast %shift_right_arithmetic3A_1601 : i32 to vector<8x2048xi32>
    %shift_right_arithmetic3A_1603 = arith.shrsi %convert_element_type3A_1600, %shift_right_arithmetic3A_1602 : vector<8x2048xi32>
    %and3A_1604 = arith.constant 127 : i32
    %and3A_1605 = vector.broadcast %and3A_1604 : i32 to vector<8x2048xi32>
    %and3A_1606 = arith.andi %shift_right_arithmetic3A_1603, %and3A_1605 : vector<8x2048xi32>
    %ge3A_1607 = arith.constant 0 : i32
    %ge3A_1608 = vector.broadcast %ge3A_1607 : i32 to vector<8x2048xi32>
    %ge3A_1609 = arith.cmpi sge, %convert_element_type3A_1600, %ge3A_1608 : vector<8x2048xi32>
    %and3A_1610 = arith.constant 255 : i32
    %and3A_1611 = vector.broadcast %and3A_1610 : i32 to vector<8x2048xi32>
    %and3A_1612 = arith.andi %convert_element_type3A_1600, %and3A_1611 : vector<8x2048xi32>
    %reshape3A_1613 = vector.shape_cast %and3A_1606 : vector<8x2048xi32> to vector<8x2048x1xi32>
    %gather3A_1614 = vector.shape_cast %reshape3A_1613 : vector<8x2048x1xi32> to vector<8x2048xi32>
    %gather3A_1615 = tpu.dynamic_gather %get3A_9[%gather3A_1614] in [1] : vector<8x128xi32>, vector<8x2048xi32> -> vector<8x2048xi32>
    %reshape3A_1616 = vector.shape_cast %and3A_1606 : vector<8x2048xi32> to vector<8x2048x1xi32>
    %gather3A_1617 = vector.shape_cast %reshape3A_1616 : vector<8x2048x1xi32> to vector<8x2048xi32>
    %gather3A_1618 = tpu.dynamic_gather %get3A_12[%gather3A_1617] in [1] : vector<8x128xi32>, vector<8x2048xi32> -> vector<8x2048xi32>
    %select_n3A_1619 = arith.select %ge3A_1609, %gather3A_1618, %gather3A_1615 : vector<8x2048xi1>, vector<8x2048xi32>
    %shift_left3A_1620 = arith.constant 16 : i32
    %shift_left3A_1621 = vector.broadcast %shift_left3A_1620 : i32 to vector<8x2048xi32>
    %shift_left3A_1622 = arith.shli %select_n3A_1619, %shift_left3A_1621 : vector<8x2048xi32>
    %shift_right_arithmetic3A_1623 = arith.constant 16 : i32
    %shift_right_arithmetic3A_1624 = vector.broadcast %shift_right_arithmetic3A_1623 : i32 to vector<8x2048xi32>
    %shift_right_arithmetic3A_1625 = arith.shrsi %shift_left3A_1622, %shift_right_arithmetic3A_1624 : vector<8x2048xi32>
    %mul3A_1626 = arith.muli %and3A_1612, %shift_right_arithmetic3A_1625 : vector<8x2048xi32>
    %shift_right_arithmetic3A_1627 = vector.broadcast %get3A_4 : i32 to vector<8x2048xi32>
    %shift_right_arithmetic3A_1628 = arith.shrsi %mul3A_1626, %shift_right_arithmetic3A_1627 : vector<8x2048xi32>
    %shift_right_arithmetic3A_1629 = arith.constant 16 : i32
    %shift_right_arithmetic3A_1630 = vector.broadcast %shift_right_arithmetic3A_1629 : i32 to vector<8x2048xi32>
    %shift_right_arithmetic3A_1631 = arith.shrsi %select_n3A_1619, %shift_right_arithmetic3A_1630 : vector<8x2048xi32>
    %shift_left3A_1632 = vector.broadcast %get3A_6 : i32 to vector<8x2048xi32>
    %shift_left3A_1633 = arith.shli %shift_right_arithmetic3A_1631, %shift_left3A_1632 : vector<8x2048xi32>
    %add3A_1634 = arith.addi %shift_left3A_1633, %shift_right_arithmetic3A_1628 : vector<8x2048xi32>
    %convert_element_type3A_1635 = arith.sitofp %add3A_1634 : vector<8x2048xi32> to vector<8x2048xf32>
    %mul3A_1636 = vector.broadcast %get3A_2 : f32 to vector<8x2048xf32>
    %mul3A_1637 = arith.mulf %convert_element_type3A_1635, %mul3A_1636 : vector<8x2048xf32>
    %swap3A_1638 = arith.constant 240 : index
    %swap3A_1639 = arith.constant 0 : index
    %swap3A_1640 = vector.load %arg6[%swap3A_1638, %swap3A_1639] : memref<256x2048xf32, #tpu.memory_space<vmem>>, vector<8x2048xf32>
    tpu.vector_store %arg6[%swap3A_1638, %swap3A_1639], %mul3A_1637 {strides = array<i32>} : memref<256x2048xf32, #tpu.memory_space<vmem>>, vector<8x2048xf32>,
    %get3A_1641 = arith.constant 248 : index
    %get3A_1642 = arith.constant 0 : index
    %get3A_1643 = vector.load %arg3[%get3A_1641, %get3A_1642] : memref<256x2048xf32, #tpu.memory_space<vmem>>, vector<8x2048xf32>
    %mul3A_1644 = vector.broadcast %get3A_0 : f32 to vector<8x2048xf32>
    %mul3A_1645 = arith.mulf %get3A_1643, %mul3A_1644 : vector<8x2048xf32>
    %floor3A_1646 = math.floor %mul3A_1645 : vector<8x2048xf32>
    %jit3A_1647 = arith.constant -3.276800e+04 : f32
    %jit3A_1648 = arith.constant 3.276700e+04 : f32
    %max3A_1649 = vector.broadcast %jit3A_1647 : f32 to vector<8x2048xf32>
    %max3A_1650 = arith.maximumf %max3A_1649, %floor3A_1646 : vector<8x2048xf32>
    %min3A_1651 = vector.broadcast %jit3A_1648 : f32 to vector<8x2048xf32>
    %min3A_1652 = arith.minimumf %min3A_1651, %max3A_1650 : vector<8x2048xf32>
    %convert_element_type3A_1653 = arith.fptosi %min3A_1652 : vector<8x2048xf32> to vector<8x2048xi32>
    %shift_right_arithmetic3A_1654 = arith.constant 8 : i32
    %shift_right_arithmetic3A_1655 = vector.broadcast %shift_right_arithmetic3A_1654 : i32 to vector<8x2048xi32>
    %shift_right_arithmetic3A_1656 = arith.shrsi %convert_element_type3A_1653, %shift_right_arithmetic3A_1655 : vector<8x2048xi32>
    %and3A_1657 = arith.constant 127 : i32
    %and3A_1658 = vector.broadcast %and3A_1657 : i32 to vector<8x2048xi32>
    %and3A_1659 = arith.andi %shift_right_arithmetic3A_1656, %and3A_1658 : vector<8x2048xi32>
    %ge3A_1660 = arith.constant 0 : i32
    %ge3A_1661 = vector.broadcast %ge3A_1660 : i32 to vector<8x2048xi32>
    %ge3A_1662 = arith.cmpi sge, %convert_element_type3A_1653, %ge3A_1661 : vector<8x2048xi32>
    %and3A_1663 = arith.constant 255 : i32
    %and3A_1664 = vector.broadcast %and3A_1663 : i32 to vector<8x2048xi32>
    %and3A_1665 = arith.andi %convert_element_type3A_1653, %and3A_1664 : vector<8x2048xi32>
    %reshape3A_1666 = vector.shape_cast %and3A_1659 : vector<8x2048xi32> to vector<8x2048x1xi32>
    %gather3A_1667 = vector.shape_cast %reshape3A_1666 : vector<8x2048x1xi32> to vector<8x2048xi32>
    %gather3A_1668 = tpu.dynamic_gather %get3A_9[%gather3A_1667] in [1] : vector<8x128xi32>, vector<8x2048xi32> -> vector<8x2048xi32>
    %reshape3A_1669 = vector.shape_cast %and3A_1659 : vector<8x2048xi32> to vector<8x2048x1xi32>
    %gather3A_1670 = vector.shape_cast %reshape3A_1669 : vector<8x2048x1xi32> to vector<8x2048xi32>
    %gather3A_1671 = tpu.dynamic_gather %get3A_12[%gather3A_1670] in [1] : vector<8x128xi32>, vector<8x2048xi32> -> vector<8x2048xi32>
    %select_n3A_1672 = arith.select %ge3A_1662, %gather3A_1671, %gather3A_1668 : vector<8x2048xi1>, vector<8x2048xi32>
    %shift_left3A_1673 = arith.constant 16 : i32
    %shift_left3A_1674 = vector.broadcast %shift_left3A_1673 : i32 to vector<8x2048xi32>
    %shift_left3A_1675 = arith.shli %select_n3A_1672, %shift_left3A_1674 : vector<8x2048xi32>
    %shift_right_arithmetic3A_1676 = arith.constant 16 : i32
    %shift_right_arithmetic3A_1677 = vector.broadcast %shift_right_arithmetic3A_1676 : i32 to vector<8x2048xi32>
    %shift_right_arithmetic3A_1678 = arith.shrsi %shift_left3A_1675, %shift_right_arithmetic3A_1677 : vector<8x2048xi32>
    %mul3A_1679 = arith.muli %and3A_1665, %shift_right_arithmetic3A_1678 : vector<8x2048xi32>
    %shift_right_arithmetic3A_1680 = vector.broadcast %get3A_4 : i32 to vector<8x2048xi32>
    %shift_right_arithmetic3A_1681 = arith.shrsi %mul3A_1679, %shift_right_arithmetic3A_1680 : vector<8x2048xi32>
    %shift_right_arithmetic3A_1682 = arith.constant 16 : i32
    %shift_right_arithmetic3A_1683 = vector.broadcast %shift_right_arithmetic3A_1682 : i32 to vector<8x2048xi32>
    %shift_right_arithmetic3A_1684 = arith.shrsi %select_n3A_1672, %shift_right_arithmetic3A_1683 : vector<8x2048xi32>
    %shift_left3A_1685 = vector.broadcast %get3A_6 : i32 to vector<8x2048xi32>
    %shift_left3A_1686 = arith.shli %shift_right_arithmetic3A_1684, %shift_left3A_1685 : vector<8x2048xi32>
    %add3A_1687 = arith.addi %shift_left3A_1686, %shift_right_arithmetic3A_1681 : vector<8x2048xi32>
    %convert_element_type3A_1688 = arith.sitofp %add3A_1687 : vector<8x2048xi32> to vector<8x2048xf32>
    %mul3A_1689 = vector.broadcast %get3A_2 : f32 to vector<8x2048xf32>
    %mul3A_1690 = arith.mulf %convert_element_type3A_1688, %mul3A_1689 : vector<8x2048xf32>
    %swap3A_1691 = arith.constant 248 : index
    %swap3A_1692 = arith.constant 0 : index
    %swap3A_1693 = vector.load %arg6[%swap3A_1691, %swap3A_1692] : memref<256x2048xf32, #tpu.memory_space<vmem>>, vector<8x2048xf32>
    tpu.vector_store %arg6[%swap3A_1691, %swap3A_1692], %mul3A_1690 {strides = array<i32>} : memref<256x2048xf32, #tpu.memory_space<vmem>>, vector<8x2048xf32>,
    return
  }
  func.func @transform_0(%arg0: i32) -> i32 {
    %c0_i32 = arith.constant 0 : i32
    %c0_i32_0 = arith.constant 0 : i32
    return %c0_i32 : i32
  }
  func.func @transform_1(%arg0: i32) -> i32 {
    %c0_i32 = arith.constant 0 : i32
    %c0_i32_0 = arith.constant 0 : i32
    return %c0_i32 : i32
  }
  func.func @transform_2(%arg0: i32) -> (i32, i32) {
    %add3A = arith.constant 11 : i32
    %add3A_0 = arith.addi %arg0, %add3A : i32
    %c0_i32 = arith.constant 0 : i32
    %c0_i32_1 = arith.constant 0 : i32
    return %add3A_0, %c0_i32 : i32, i32
  }
  func.func @transform_3(%arg0: i32) -> (i32, i32) {
    %c0_i32 = arith.constant 0 : i32
    %c0_i32_0 = arith.constant 0 : i32
    %c0_i32_1 = arith.constant 0 : i32
    return %c0_i32, %c0_i32_0 : i32, i32
  }
  func.func @transform_4(%arg0: i32) -> (i32, i32) {
    %c0_i32 = arith.constant 0 : i32
    %c0_i32_0 = arith.constant 0 : i32
    %c0_i32_1 = arith.constant 0 : i32
    return %c0_i32, %c0_i32_0 : i32, i32
  }
  func.func @transform_5(%arg0: i32) -> (i32, i32) {
    %c0_i32 = arith.constant 0 : i32
    %c0_i32_0 = arith.constant 0 : i32
    return %arg0, %c0_i32 : i32, i32
  }
}

</mosaic_0001>

<sc_bundles>
// kernel: kernel.4.cloned.1.call-start
scs
__scs_entry_jumppad:
0x0: {  	(pc) =	sbr.rel $0x88, $3  }
0x1: {  	(tag) =	ssettag $0x0;
	lr =	simm.s32 $0x1  }
0x2: {  	[smem:$0x3F9C] =	sst lr;
	_ =	strace $0xD0000000  }
0x3: {  	_ = 	snop  }
0x4: {  	_ = 	snop  }
0x5: {  	_ = 	snop  }
0x6: {  	_ = 	snop  }
0x7: {  	_ = 	snop  }
__scs_overlays_trampoline_lowered:
0x8: {  	[smem:$0x3FAB] =	sst s0  }
0x9: {  	[smem:$0x3FAC] =	sst s1  }
0xa: {  	[smem:$0x3FAD] =	sst s2  }
0xb: {  	[smem:$0x3FAE] =	sst s3  }
0xc: {  	[smem:$0x3FAF] =	sst s4  }
0xd: {  	[smem:$0x3FB0] =	sst s5  }
0xe: {  	[smem:$0x3FB1] =	sst s6  }
0xf: {  	[smem:$0x3FB2] =	sst s7  }
0x10: {  	[smem:$0x3FB3] =	sst s8  }
0x11: {  	[smem:$0x3FB4] =	sst s9;
	s0 =	simm.s32 @!p0 $0x0  }
0x12: {  	s1 =	sld [smem:$0x3F9A];
	s0 =	simm.s32 @p0 $0x1  }
0x13: {  	[smem:$0x3FB5] =	sst s0;
	s0 =	simm.s32 @!p1 $0x0  }
0x14: {  	s2 =	sld [smem:$0x3F99];
	s0 =	simm.s32 @p1 $0x1  }
0x15: {  	[smem:$0x3FB6] =	sst s0;
	s0 =	simm.s32 @!p2 $0x0  }
0x16: {  	s3 =	sld [smem:$0x3FDB];
	s0 =	simm.s32 @p2 $0x1  }
0x17: {  	s4 =	simm.s32 $0x1BF5;
	[smem:$0x3FB8] =	sst s0  }
0x18: {  	s0 =	sld [smem:$0x3F9B];
	_ =	swait.ge [sflag:s4], $0x0  }
0x19: {  	s7 =	sld [smem:$0x3F9C]  }
0x1a: {  	s8 =	sadd.s32 $0xFFFFE003, lr  }
0x1b: {  	s9 =	sadd.s32 $0xFFFFFEF7, lr;
	s5 =	simm.s32 $0xFFFFFFFF;
	p2 =	slt.u32 s8, $0xFFFFF086  }
0x1c: {  	p1 =	slt.u32 s9, $0xF7A;
	s5 =	simm.s32 @!p2 $0x0  }
0x1d: {  	s5 =	simm.s32 @p1 $0x1;
	p0 =	seq.s32 s7, s2  }
0x1e: {  	s7 =	smul.u32 @!p0 $0xF7A, s2;
	p2 =	seq.s32 @!p0 s5, $0x0  }
0x1f: {  	s9 =	smul.u32 $0xF7A, s1;
	s8 =	simm.s32 @!p0 $0x1BF5;
	p2 =	por !p2, p0  }
0x20: {  	[sflag:s8] =	ssyncset.s32 @!p0 $0xFFFFF086;
	s6 =	sadd.s32 @!p0 s3, s7;
	s7 =	simm.s32 @!p0 $0x108  }
0x21: {  	s3 =	sadd.s32 s3, s9;
	s6 =	sadd.s32 @!p0 $0x88, s6;
	s7 =	simm.s32 @p2 $0x1082  }
0x22: {  	[simem:s7], [sflag:s8] =	dma.local @!p0 [hbm:s6], $0xF7A  }
0x23: {  	s9 =	sor.u32 $0xD0000000, s2;
	s6 =	simm.s32 $0x108;
	_ =	swait.ge @!p0 [sflag:s8], $0x0  }
0x24: {  	s3 =	sadd.s32 $0x88, s3;
	s6 =	simm.s32 @!p1 $0x1082;
	[sflag:s4] =	ssyncset.s32 $0xFFFFF086  }
0x25: {  	[simem:s6], [sflag:s4] =	dma.local [hbm:s3], $0xF7A  }
0x26: {  	[smem:$0x3F9C] =	sst s1;
	(tag) =	ssettag s2;
	_ =	strace s9  }
0x27: {  	s1 =	sld [smem:$0x3FAC]  }
0x28: {  	s2 =	sld [smem:$0x3FAD]  }
0x29: {  	s4 =	sld [smem:$0x3FAF]  }
0x2a: {  	p0 =	seq.s32 s5, $0x0;
	s5 =	sld [smem:$0x3FB0]  }
0x2b: {  	s6 =	sld [smem:$0x3FB1]  }
0x2c: {  	s7 =	sld [smem:$0x3FB2]  }
0x2d: {  	s3 =	simm.s32 $0x108;
	s8 =	sld [smem:$0x3FB3]  }
0x2e: {  	s3 =	simm.s32 @!p0 $0x1082;
	s9 =	sld [smem:$0x3FB4]  }
0x2f: {  	lr =	sadd.s32 s0, s3;
	s0 =	sld [smem:$0x3FAB]  }
0x30: {  	s3 =	sld [smem:$0x3FAE]  }
0x31: {  	[smem:$0x3FB7] =	sst s10  }
0x32: {  	s10 =	sld [smem:$0x3FB5];
	_ =	sdelay $0x3  }
0x33: {  	p0 =	seq.s32 s10, $0x1;
	s10 =	sld [smem:$0x3FB7];
	_ =	sdelay $0x3  }
0x34: {  	[smem:$0x3FB7] =	sst s10  }
0x35: {  	s10 =	sld [smem:$0x3FB6];
	_ =	sdelay $0x3  }
0x36: {  	p1 =	seq.s32 s10, $0x1;
	s10 =	sld [smem:$0x3FB7];
	_ =	sdelay $0x3  }
0x37: {  	[smem:$0x3FB7] =	sst s10  }
0x38: {  	s10 =	sld [smem:$0x3FB8]  }
0x39: {  	_ = 	snop;
	(pc) =	sbr.ind lr, $3  }
0x3a: {  	_ = 	snop  }
0x3b: {  	_ = 	snop  }
0x3c: {  	p2 =	seq.s32 s10, $0x1;
	s10 =	sld [smem:$0x3FB7]  }
0x3d: {  	_ =	shalt  }
0x3e: {  	_ =	shalt  }
0x3f: {  	_ =	shalt  }
0x40: {  	_ =	shalt  }
0x41: {  	_ =	shalt  }
0x42: {  	_ =	shalt  }
0x43: {  	_ =	shalt  }
0x44: {  	_ =	shalt  }
0x45: {  	_ =	shalt  }
0x46: {  	_ =	shalt  }
0x47: {  	_ =	shalt  }
0x48: {  	_ =	shalt  }
0x49: {  	_ =	shalt  }
0x4a: {  	_ =	shalt  }
0x4b: {  	_ =	shalt  }
0x4c: {  	_ =	shalt  }
0x4d: {  	_ =	shalt  }
0x4e: {  	_ =	shalt  }
0x4f: {  	_ =	shalt  }
0x50: {  	_ =	shalt  }
0x51: {  	_ =	shalt  }
0x52: {  	_ =	shalt  }
0x53: {  	_ =	shalt  }
0x54: {  	_ =	shalt  }
0x55: {  	_ =	shalt  }
0x56: {  	_ =	shalt  }
0x57: {  	_ =	shalt  }
0x58: {  	_ =	shalt  }
0x59: {  	_ =	shalt  }
0x5a: {  	_ =	shalt  }
0x5b: {  	_ =	shalt  }
0x5c: {  	_ =	shalt  }
0x5d: {  	_ =	shalt  }
0x5e: {  	_ =	shalt  }
0x5f: {  	_ =	shalt  }
0x60: {  	_ =	shalt  }
0x61: {  	_ =	shalt  }
0x62: {  	_ =	shalt  }
0x63: {  	_ =	shalt  }
0x64: {  	_ =	shalt  }
0x65: {  	_ =	shalt  }
0x66: {  	_ =	shalt  }
0x67: {  	_ =	shalt  }
0x68: {  	_ =	shalt  }
0x69: {  	_ =	shalt  }
0x6a: {  	_ =	shalt  }
0x6b: {  	_ =	shalt  }
0x6c: {  	_ =	shalt  }
0x6d: {  	_ =	shalt  }
0x6e: {  	_ =	shalt  }
0x6f: {  	_ =	shalt  }
0x70: {  	_ =	shalt  }
0x71: {  	_ =	shalt  }
0x72: {  	_ =	shalt  }
0x73: {  	_ =	shalt  }
0x74: {  	_ =	shalt  }
0x75: {  	_ =	shalt  }
0x76: {  	_ =	shalt  }
0x77: {  	_ =	shalt  }
0x78: {  	_ =	shalt  }
0x79: {  	_ =	shalt  }
0x7a: {  	_ =	shalt  }
0x7b: {  	_ =	shalt  }
0x7c: {  	_ =	shalt  }
0x7d: {  	_ =	shalt  }
0x7e: {  	_ =	shalt  }
0x7f: {  	_ =	shalt  }
0x80: {  	_ =	shalt  }
0x81: {  	_ =	shalt  }
0x82: {  	_ =	shalt  }
0x83: {  	_ =	shalt  }
0x84: {  	_ =	shalt  }
0x85: {  	_ =	shalt  }
0x86: {  	_ =	shalt  }
0x87: {  	_ =	shalt  }
.Lfunc_end0:
.L_simem_size_0:
called_computation_lowered:
.L_overlay_start_0:
0x88: {  	s2 =	sld [smem:$0x3FD9]  }
0x89: {  	s3 =	sld [smem:$0x3FFE];
	_ =	sdelay $0x1  }
0x8a: {  	s1 =	srdreg.scid  }
0x8b: {  	s0 =	sand.u32 $0x1, s1  }
0x8c: {  	s17 =	sshll.u32 s0, $0xA;
	s2 =	sadd.s32 s3, s2  }
0x8d: {  	s2 =	sadd.s32 s2, s17  }
0x8e: {  	[smem:$0x3FC3] =	sst s2  }
0x8f: {  	_ = 	snop  }
0x90: {  	s2 =	sld [smem:$0x3FC9]  }
0x91: {  	s18 =	sld [smem:$0x3FD0];
	(tm) =	ssettm $0x1  }
0x92: {  	s4 =	sld [smem:$0x3FFB];
	_ =	sdelay $0x3  }
0x93: {  	_ =	strace s4  }
0x94: {  	s4 =	sld [smem:$0x3FFC];
	_ =	sdelay $0x3  }
0x95: {  	_ =	strace s4  }
0x96: {  	s4 =	sld [smem:$0x3FFD];
	_ =	sdelay $0x3  }
0x97: {  	_ =	strace s4  }
0x98: {  	_ =	strace $0x8FFFFFFF  }
0x99: {  	s19 =	sld [smem:$0x3FDB];
	_ =	sdelay $0x1  }
0x9a: {  	s5 =	simm.s32 $_scs_section_size  }
0x9b: {  	s6 =	simm.s32 $_size__tile_overlayer_lowered;
	s7 =	simm.s32 $_tile_overlayer_lowered  }
0x9c: {  	s22 =	simm.s32 $0x1BFF;
	s21 =	sshll.u32 s7, $0x1;
	s4 =	sadd.s32 s5, s19  }
0x9d: {  	s8 =	simm.s32 $0x0;
	s20 =	sshll.u32 s6, $0x1;
	s6 =	sadd.s32 s21, s4  }
0x9e: {  	[timem:s8], [sflag:s22] =	dma.local [hbm:s6], s20  }
0x9f: {  	_ =	swait.ge [sflag:s22], s20  }
0xa0: {  	s5 =	ssub.s32 $0x0, s20;
	[sflag:s22] =	ssyncset.done $0x0  }
0xa1: {  	[sflag:s22] =	ssyncadd.s32 s5;
	_ =	sdelay $0x1  }
0xa2: {  	s23 =	simm.s32 $0x1B8B  }
0xa3: {  	_ =	swait.ge [sflag:s23], $0x1  }
0xa4: {  	[sflag:s23] =	ssyncset.done $0x0  }
0xa5: {  	s25 =	simm.s32 $0x1B8E;
	s24 =	sld [smem:$0x3FFE];
	[sflag:s23] =	ssyncadd.s32 $0xFFFFFFFF  }
0xa6: {  	s26 =	simm.s32 $execute0_lowered;
	[smem:$0x3FD2] =	sst s25  }
0xa7: {  	s6 =	sshll.u32 s26, $0x1;
	_ =	strace $0x80000046;
	[dreg:$0x1] =	wrdreg $0xFFFFFFFF  }
0xa8: {  	s28 =	simm.s32 $_size_execute0_lowered;
	s4 =	sadd.s32 s4, s6;
	[dreg:$0x0] =	wrdreg $0x0  }
0xa9: {  	s6 =	sshll.u32 s28, $0x1;
	[dreg:$0x2] =	wrdreg s4  }
0xaa: {  	[dreg:$0x3] =	wrdreg s6  }
0xab: {  	[dreg:$0x4] =	wrdreg $0xC0  }
0xac: {  	_ =	task [dreg:s8], $0x5FFFF  }
0xad: {  	[dreg:$0x1] =	wrdreg $0xFFFFFFFF  }
0xae: {  	[dreg:$0x0] =	wrdreg $0x60  }
0xaf: {  	[dreg:$0x2] =	wrdreg s18  }
0xb0: {  	[dreg:$0x3] =	wrdreg s24  }
0xb1: {  	[dreg:$0x4] =	wrdreg s2  }
0xb2: {  	[dreg:$0x5] =	wrdreg $0x9  }
0xb3: {  	_ =	task.clear_ibuf [dreg:s8], $0x6FFFF;
	_ =	strace $0x90000046  }
0xb4: {  	s29 =	simm.s32 $0x9;
	_ =	strace $0x8000004F  }
0xb5: {  	_ =	swait.ge [sflag:s29], $0x1  }
0xb6: {  	[sflag:s29] =	ssyncadd.s32 $0xFFFFFFFF  }
0xb7: {  	_ =	strace $0x9000004F  }
0xb8: {  	_ =	sfence  }
0xb9: {  	s30 =	sld [smem:$0x0];
	_ =	sdelay $0x2  }
0xba: {  	s31 =	sshll.u32 s1, $0xD;
	s1 =	sshrl.u32 s1, $0x2  }
0xbb: {  	s3 =	sand.u32 $0x4000, s31;
	s1 =	sadd.s32 s1, s30  }
0xbc: {  	s0 =	sor.u32 s3, s0;
	s1 =	sshll.u32 s1, $0x11  }
0xbd: {  	s0 =	sor.u32 s1, s0  }
0xbe: {  	s0 =	sadd.s32 $0x8F2B, s0  }
0xbf: {  	[sflag:s0] =	ssyncadd.remote.s32 $0x1  }
0xc0: {  	_ =	sfence.sel $0xFFFF  }
0xc1: {  	[dreg:$0x0] =	wrdreg $0xFFFFFFFF;
	(pc) =	sbr.abs _section_cstart, $3  }
0xc2: {  	[dreg:$0x1] =	wrdreg $0xFFFFFFFF  }
0xc3: {  	_ =	task.clear_ibuf [dreg:s8], $0x2FFFF;
	_ =	strace $0x9FFFFFFF  }
0xc4: {  	(tm) =	ssettm $0x7FFFFFFF  }
0xc5: {  	_ =	shalt  }
tec
execute0_lowered:
.L_overlay_start_1:
0x0: {  	(tag) =	ssettag $0x1  }
0x1: {  	s1 =	rddreg [dreg:$0x0]  }
0x2: {  	s2 =	rddreg [dreg:$0x1]  }
0x3: {  	s3 =	rddreg [dreg:$0x2];
	s0 =	srdreg.scid  }
0x4: {  	s5 =	simm.s32 $0x0;
	s4 =	stileid.u32;
	s11 =	simm.s32 $0x100  }
0x5: {  	s12 =	simm.s32 $0x200;
	s13 =	simm.s32 $0x300;
	s0 =	sand.u32 $0x1, s0  }
0x6: {  	s14 =	simm.s32 $0x1;
	s15 =	simm.s32 $0x0;
	s6 =	sshll.u32 s0, $0x4  }
0x7: {  	[smem:$0x7FF] =	sst s5;
	s0 =	ssub.s32 $0x2, s0;
	s8 =	sor.u32 s4, s6  }
0x8: {  	s7 =	sadd.s32 $0x400, s2;
	s10 =	sshrl.u32 s0, $0x1;
	s9 =	smul.u32 $0x5800, s8  }
0x9: {  	_ =	strace $0x80000047;
	s6 =	sadd.s32 $0x200, s2;
	s0 =	ssub.s32 s0, s10  }
0xa: {  	v0 =	vimm.s32 $0x0;
	s8 =	smul.u32 $0xB, s8;
	s10 =	smax.u32 s0, $0x1;
	s9 =	sadd.s32 s3, s9  }
.LBB2_1:
0xb: {  	[tilespmem:s5], [sflag:$0x1] =	stream.linear.gather [hbm4b:s1+s5], $0x100, $0x38;
	[tilespmem:$0x1300] =	vst v63  }
0xc: {  	_ =	swait.ge [sflag:s14], $0x100  }
0xd: {  	[sflag:s14] =	ssyncset.done $0x0  }
0xe: {  	[sflag:s14] =	ssyncadd.s32 $0xFFFFFF00  }
0xf: {  	[tilespmem:s11], [sflag:$0x1] =	stream.linear.gather [hbm4b:s2+s5], $0x100, $0x38;
	[tilespmem:$0x1300] =	vst v63  }
0x10: {  	_ =	swait.ge [sflag:s14], $0x100  }
0x11: {  	[sflag:s14] =	ssyncset.done $0x0  }
0x12: {  	[sflag:s14] =	ssyncadd.s32 $0xFFFFFF00  }
0x13: {  	[tilespmem:s12], [sflag:$0x1] =	stream.linear.gather [hbm4b:s6+s5], $0x100, $0x38;
	[tilespmem:$0x1300] =	vst v63  }
0x14: {  	_ =	swait.ge [sflag:s14], $0x100  }
0x15: {  	[sflag:s14] =	ssyncset.done $0x0  }
0x16: {  	[sflag:s14] =	ssyncadd.s32 $0xFFFFFF00  }
0x17: {  	v1 =	vld [tilespmem:$0x100]  }
0x18: {  	v2 =	vld [tilespmem:$0x180]  }
0x19: {  	s23 =	simm.s32 $0x0;
	s17 =	simm.s32 $0x0;
	s16 =	simm.s32 $0x0;
	v3 =	vld [tilespmem:$0x200]  }
0x1a: {  	s18 =	simm.s32 $0x0;
	s19 =	simm.s32 $0x0;
	v4 =	vld [tilespmem:$0x280];
	_ =	strace $0x80000048  }
0x1b: {  	[tilespmem:s13], [sflag:$0x2] =	stream.linear.gather [hbm4b:s9+s5], $0x400, $0x200038;
	[tilespmem:$0x1300] =	vst v63  }
0x1c: {  	s20 =	simm.s32 $0x1;
	s21 =	simm.s32 $0x0;
	_ =	strace $0x90000048  }
.LBB2_2:
0x1d: {  	s22 =	sadd.s32 $0x1, s23  }
0x1e: {  	s0 =	simm.s32 $0x1;
	p0 =	seq.s32 s22, $0x10  }
0x1f: {  	s0 =	simm.s32 @!p0 $0x0  }
0x20: {  	s24 =	smov.u32 s17;
	s17 =	sadd.s32 s0, s17  }
0x21: {  	p1 =	seq.s32 s17, $0xB  }
0x22: {  	s22 =	simm.s32 @p0 $0x0;
	s17 =	simm.s32 @p1 $0x0  }
0x23: {  	p5 =	sne.s32 s23, s22;
	p4 =	sne.s32 s24, s17  }
0x24: {  	p6 =	sne.s32 s21, $0xAF;
	p1 =	por p5, p4  }
0x25: {  	p0 =	por !p6, !p1  }
0x26: {  	p0 =	por !p0, !p0  }
0x27: {  	s0 =	sadd.s32 @p0 s8, s17  }
0x28: {  	s25 =	sshll.u32 @p0 s22, $0xA;
	s0 =	sshll.u32 @p0 s0, $0xE  }
0x29: {  	s26 =	sand.u32 @p0 $0x1, s20;
	_ =	strace @p0 $0x80000049;
	s0 =	sadd.s32 @p0 s25, s0  }
0x2a: {  	s28 =	simm.s32 @p0 $0x0;
	s25 =	sshll.u32 @p0 s26, $0xA;
	s0 =	sshrl.u32 @p0 s0, $0x3  }
0x2b: {  	s26 =	sor.u32 @p0 $0x2, s26;
	s25 =	sor.u32 @p0 $0x300, s25;
	s0 =	sadd.s32 @p0 s3, s0  }
0x2c: {  	[tilespmem:s25], [sflag:s26] =	stream.linear.gather @p0 [hbm4b:s0+s28], $0x400, $0x200038;
	[tilespmem:$0x1300] =	vst v63  }
0x2d: {  	s31 =	sand.u32 $0x1, s19;
	_ =	strace @p0 $0x90000049  }
0x2e: {  	s0 =	sor.u32 $0x2, s31;
	_ =	strace $0x8000004A  }
0x2f: {  	s29 =	simm.s32 $0x0;
	_ =	swait.ge [sflag:s0], $0x400  }
0x30: {  	s26 =	sadd.s32 s8, s24;
	s24 =	sand.u32 $0x1, s18;
	[sflag:s0] =	ssyncset.done $0x0  }
0x31: {  	s25 =	sshll.u32 s19, $0xA;
	s31 =	sshll.u32 s24, $0xA;
	[sflag:s0] =	ssyncadd.s32 $0xFFFFFC00  }
0x32: {  	s0 =	sand.u32 $0x400, s25;
	s25 =	sor.u32 $0xB00, s31;
	_ =	strace $0x9000004A  }
0x33: {  	s28 =	sor.u32 $0x300, s0;
	s30 =	smov.u32 s25;
	_ =	strace $0x8000004B  }
.LBB2_3:
0x34: {  	v6 =	vmov s28;
	_ =	sdelay $0x3  }
0x35: {  	v5 =	vmov s30;
	s31 =	simm.s32 $0x0;
	s0 =	simm.s32 $0x40  }
.LBB2_4:
0x36: {  	p2 =	sne.s32 s0, $0x1C0;
	v7 =	vld.idx.msk [tilespmem:v6+s31+$0x0 ss:$0x1], $0xffff;
	_ =	sdelay $0x5  }
0x37: {  	v7 =	vmul.f32 v7, v1;
	_ =	sdelay $0x1  }
0x38: {  	v7 =	vmax.f32 v7, $-3.276800000e+04  }
0x39: {  	v7 =	vmin.f32 v7, $3.276700000e+04  }
0x3a: {  	v8 =	vtrunc.f32 v7  }
0x3b: {  	v9 =	vcvt.f32.s32 v8;
	vm0 =	vlt.f32 v7, v8  }
0x3c: {  	v7 =	vsel vm0, $0xFFFFFFFF, v0  }
0x3d: {  	v7 =	vadd.s32 v9, v7  }
0x3e: {  	v8 =	vshra.s32 v7, $0x8  }
0x3f: {  	v8 =	vadd.s32 $0x80, v8;
	_ =	sdelay $0x4  }
0x40: {  	v8 =	vld.idx.msk [tilespmem:v8+s5+$0x0], $0xffff;
	_ =	sdelay $0x5  }
0x41: {  	v9 =	vshll.u32 v8, $0x10  }
0x42: {  	v7 =	vand.u32 $0xFF, v7;
	v9 =	vshra.s32 v9, $0x10  }
0x43: {  	v7 =	vmul.u32 v9, v7  }
0x44: {  	v8 =	vshra.s32 v8, $0x10  }
0x45: {  	v8 =	vshll.u32 v8, v4;
	v7 =	vshra.s32 v7, v3  }
0x46: {  	v7 =	vadd.s32 v8, v7  }
.Ltmp0:
0x47: {  	v7 =	vcvt.s32.f32 v7;
	(pc) =	sbr.rel @p2 .LBB2_4-.Ltmp0, $3  }
0x48: {  	_ = 	snop  }
0x49: {  	v7 =	vmul.f32 v7, v2;
	_ =	sdelay $0x1  }
0x4a: {  	[tilespmem:v5+s31+$0x0 ss:$0x1] =	vst.idx.msk $0xffff, v7;
	s31 =	sshra.s32 s0, $0x2;
	s0 =	sadd.s32 $0x40, s0  }
0x4b: {  	_ =	sdelay $0x3  }
0x4c: {  	v6 =	vld.idx.msk [tilespmem:v6+s31+$0x0 ss:$0x1], $0xffff;
	_ =	sdelay $0x4  }
0x4d: {  	v6 =	vmul.f32 v6, v1;
	_ =	sdelay $0x1  }
0x4e: {  	v6 =	vmax.f32 v6, $-3.276800000e+04  }
0x4f: {  	v6 =	vmin.f32 v6, $3.276700000e+04  }
0x50: {  	v7 =	vtrunc.f32 v6  }
0x51: {  	v8 =	vcvt.f32.s32 v7;
	vm0 =	vlt.f32 v6, v7  }
0x52: {  	v6 =	vsel vm0, $0xFFFFFFFF, v0  }
0x53: {  	v6 =	vadd.s32 v8, v6  }
0x54: {  	v7 =	vshra.s32 v6, $0x8  }
0x55: {  	v7 =	vadd.s32 $0x80, v7;
	_ =	sdelay $0x4  }
0x56: {  	v7 =	vld.idx.msk [tilespmem:v7+s5+$0x0], $0xffff;
	_ =	sdelay $0x4  }
0x57: {  	v63 =	vshll.u32 v7, $0x10  }
0x58: {  	v6 =	vand.u32 $0xFF, v6;
	v8 =	vshra.s32 v63, $0x10  }
0x59: {  	v6 =	vmul.u32 v8, v6  }
0x5a: {  	v7 =	vshra.s32 v7, $0x10  }
0x5b: {  	s29 =	sadd.s32 $0x1, s29;
	v7 =	vshll.u32 v7, v4;
	v6 =	vshra.s32 v6, v3  }
0x5c: {  	p2 =	sne.s32 s29, $0x8;
	v6 =	vadd.s32 v7, v6  }
.Ltmp1:
0x5d: {  	v6 =	vcvt.s32.f32 v6;
	(pc) =	sbr.rel @p2 .LBB2_3-.Ltmp1, $3  }
0x5e: {  	_ = 	snop  }
0x5f: {  	v6 =	vmul.f32 v6, v2;
	_ =	sdelay $0x1  }
0x60: {  	s30 =	sadd.s32 $0x80, s30;
	s28 =	sadd.s32 $0x80, s28;
	[tilespmem:v5+s31+$0x0 ss:$0x1] =	vst.idx.msk $0xffff, v6  }
0x61: {  	p2 =	seq.s32 s21, $0xAF  }
0x62: {  	p1 =	por p2, p1  }
0x63: {  	_ =	strace $0x9000004B;
	s0 =	sshll.u32 @p1 s26, $0xE;
	s23 =	sshll.u32 @p1 s23, $0xA  }
0x64: {  	s26 =	simm.s32 $0x1;
	_ =	strace @p1 $0x8000004C;
	s0 =	sadd.s32 @p1 s23, s0  }
0x65: {  	s26 =	simm.s32 @!p0 $0x0;
	s23 =	sor.u32 @p1 $0x4, s24;
	s0 =	sshrl.u32 @p1 s0, $0x3  }
0x66: {  	s24 =	simm.s32 @p1 $0x0;
	p0 =	seq.s32 s21, $0x0;
	s0 =	sadd.s32 @p1 s7, s0  }
0x67: {  	[hbm4b:s0+s24] =	stream.linear.scatter @p1 [tilespmem:s25], [sflag:s23], $0x400, $0x200038;
	[tilespmem:$0x1300] =	vst v63  }
0x68: {  	s0 =	simm.s32 $0x1;
	s24 =	simm.s32 $0x1;
	_ =	strace @p1 $0x9000004C  }
0x69: {  	s0 =	simm.s32 @!p1 $0x0;
	p1 =	sne.s32 s21, $0x0;
	s21 =	sadd.s32 $0x1, s21  }
0x6a: {  	s23 =	sand.u32 @!p0 $0x1, s16;
	s24 =	simm.s32 @!p1 $0x0;
	p1 =	sne.s32 s21, $0xB0  }
.Ltmp2:
0x6b: {  	s23 =	sor.u32 @!p0 $0x4, s23;
	_ =	strace @!p0 $0x8000004D;
	(pc) =	sbr.rel @p1 .LBB2_2-.Ltmp2, $4  }
0x6c: {  	_ =	swait.ge @!p0 [sflag:s23], $0x400  }
0x6d: {  	s20 =	sadd.s32 s26, s20;
	[sflag:s23] =	ssyncset.done @!p0 $0x0  }
0x6e: {  	s18 =	sadd.s32 s0, s18;
	s19 =	sadd.s32 s0, s19;
	[sflag:s23] =	ssyncadd.s32 @!p0 $0xFFFFFC00  }
0x6f: {  	s16 =	sadd.s32 s24, s16;
	s23 =	smov.u32 s22;
	_ =	strace @!p0 $0x9000004D  }
0x70: {  	s15 =	sadd.s32 $0x1, s15  }
0x71: {  	s0 =	sand.u32 $0x1, s16;
	p0 =	sne.s32 s15, s10  }
.Ltmp3:
0x72: {  	_ =	strace $0x8000004E;
	s0 =	sor.u32 $0x4, s0;
	(pc) =	sbr.rel @p0 .LBB2_1-.Ltmp3, $4  }
0x73: {  	_ =	swait.ge [sflag:s0], $0x400  }
0x74: {  	[sflag:s0] =	ssyncset.done $0x0  }
0x75: {  	[sflag:s0] =	ssyncadd.s32 $0xFFFFFC00  }
0x76: {  	_ =	strace $0x9000004E  }
0x77: {  	_ =	sfence.sel $0x180000  }
0x78: {  	[bflag:$0x0] =	sbarrier.arrive $0xFFFF  }
0x79: {  	_ =	strace $0x90000047  }
0x7a: {  	[bflag:$0x2] =	sbarrier.arrive $0xFFFF  }
0x7b: {  	p0 =	sne.s32 s4, $0x0;
	s0 =	rddreg [dreg:$0x3]  }
0x7c: {  	s0 =	sadd.s32 @!p0 $0x100000, s0  }
0x7d: {  	[sflag:s0] =	ssyncadd.tile.s32 @!p0 $0x1;
	_ =	shalt  }
.Lfunc_end2:
_tile_overlayer_lowered:
.L_overlay_start_2:
0x7e: {  	(tag) =	ssettag $0x2  }
0x7f: {  	s0 =	rddreg [dreg:$0x0];
	s2 =	stileid.u32  }
0x80: {  	s1 =	rddreg [dreg:$0x1];
	p0 =	sne.s32 s2, $0x0  }
0x81: {  	s3 =	rddreg [dreg:$0x2];
	[bflag:$0x3] =	sbarrier.arrive $0xFFFF;
	s2 =	simm.s32 @!p0 $0x1C02  }
0x82: {  	[timem:s3], [sflag:s2] =	dma.local @!p0 [hbm:s0], s1  }
0x83: {  	s0 =	simm.s32 @!p0 $0x2  }
0x84: {  	_ =	swait.ge @!p0 [sflag:s0], s1  }
0x85: {  	s1 =	ssub.s32 @!p0 $0x0, s1;
	[sflag:s0] =	ssyncset.done @!p0 $0x0  }
0x86: {  	[sflag:s0] =	ssyncadd.s32 @!p0 s1  }
0x87: {  	[bflag:$0x3] =	sbarrier.arrive $0xFFFF  }
0x88: {  	_ =	shalt  }

</sc_bundles>
